<compile_context>
chip_gen: v7x
topology: tpu7x:2x2x1
jax: 0.10.2.dev20260603
libtpu: 0.0.44.dev20260713+nightly
codegen_flags: <defaults>
</compile_context>

<pallas_src>
import functools

import jax
import jax.numpy as jnp
from jax import lax
from jax.experimental import pallas as pl
from jax.experimental.pallas import tpu as pltpu
from jax.experimental.pallas import tpu_sc as plsc

_B = 2048
_IN = 8192
_OUT = 8192
_L = 16
_NC = 2
_NS = 16
_NW = _NC * _NS
_ROWS_PER_TILE = _B // _NW
_NQ = _ROWS_PER_TILE // 4
_H = _OUT // 2
_NGH = _H // _L
_JS = _OUT // _NS
_WC = _JS * 16 // 2


def _sc_body(x_hbm, w_hbm, ipk_hbm,
             out_hbm, cof_hbm,
             r0_v, r1_v, r2_v, r3_v, r4_v, r5_v, r6_v, r7_v,
             o00_v, o01_v, o10_v, o11_v, o20_v, o21_v, o30_v, o31_v,
             ipk_v, c01_v, c23_v,
             w_v, st0_v, sta_v,
             isem0, isem1, isem2, isem3, isem4, isem5, isem6, isem7,
             osem00, osem01, osem10, osem11,
             osem20, osem21, osem30, osem31,
             ipksem):
    c = lax.axis_index("c")
    s = lax.axis_index("s")
    wid = s * _NC + c
    base = wid * _ROWS_PER_TILE

    rows = (r0_v, r1_v, r2_v, r3_v, r4_v, r5_v, r6_v, r7_v)
    outs = ((o00_v, o01_v), (o10_v, o11_v), (o20_v, o21_v), (o30_v, o31_v))
    isems = (isem0, isem1, isem2, isem3, isem4, isem5, isem6, isem7)
    osems = ((osem00, osem01), (osem10, osem11),
             (osem20, osem21), (osem30, osem31))

    pltpu.async_copy(ipk_hbm, ipk_v, ipksem)
    for b in range(8):
        pltpu.async_copy(x_hbm.at[base + b], rows[b], isems[b])

    jbase = s * _JS
    half_groups = _JS // _L // 2

    def _cgroup(g, carry):
        j0 = g * _L
        loc = g * _L - (g // half_groups) * (half_groups * _L)
        stride = lax.iota(jnp.int32, _L) * 16
        cols = []
        for k in range(16):
            cols.append(plsc.load_gather(w_v, [loc * 16 + k + stride]))
        m = cols[0]
        for k in range(1, 16):
            m = jnp.maximum(m, cols[k])
        e = [jnp.exp(col - m) for col in cols]
        tot = e[0]
        for k in range(1, 16):
            tot = tot + e[k]
        inv = 1.0 / tot
        c0 = (e[8] + e[9] + e[10] + e[11]
              + e[12] + e[13] + e[14] + e[15]) * inv
        ca = (e[2] + e[3] + e[6] + e[7]
              - e[8] - e[9] - e[12] - e[13]) * inv
        cb = (e[4] + e[5] + e[6] + e[7]
              - e[8] - e[9] - e[10] - e[11]) * inv
        cab = (e[1] - e[2] - e[4] - 2.0 * e[6] - e[7]
               + e[8] + 2.0 * e[9] + e[11] + e[13] - e[14]) * inv
        pk01 = plsc.pack(c0, ca, format=plsc.PackFormat.INTERLEAVED)
        pk23 = plsc.pack(cb, cab, format=plsc.PackFormat.INTERLEAVED)
        st0_v[pl.ds(j0, _L)] = plsc.bitcast(pk01, jnp.float32)
        sta_v[pl.ds(j0, _L)] = plsc.bitcast(pk23, jnp.float32)
        return carry

    for chunk in range(2):
        pltpu.sync_copy(
            w_hbm.at[pl.ds(jbase * 16 + chunk * _WC, _WC)], w_v)
        lax.fori_loop(chunk * half_groups, (chunk + 1) * half_groups,
                      _cgroup, 0)

    pltpu.sync_copy(st0_v, cof_hbm.at[c, 0, pl.ds(jbase, _JS)])
    pltpu.sync_copy(sta_v, cof_hbm.at[c, 1, pl.ds(jbase, _JS)])
    plsc.subcore_barrier()
    pltpu.sync_copy(cof_hbm.at[c, 0], c01_v)
    pltpu.sync_copy(cof_hbm.at[c, 1], c23_v)

    pltpu.make_async_copy(ipk_hbm, ipk_v, ipksem).wait()

    def _quad(i, h):
        q = 2 * i + h
        bufs = tuple(rows[4 * h + k] for k in range(4))
        rx0, rx1, rx2, rx3 = bufs
        for k in range(4):
            pltpu.make_async_copy(x_hbm.at[base], bufs[k],
                                  isems[4 * h + k]).wait()

        for half in range(2):
            hbase = half * _H
            ob0, ob1, ob2, ob3 = (outs[r][half] for r in range(4))

            @pl.when(q >= 1)
            def _():
                for r in range(4):
                    pltpu.make_async_copy(
                        outs[r][half],
                        out_hbm.at[base, pl.ds(hbase, _H)],
                        osems[r][half]).wait()

            @plsc.parallel_loop(0, _NGH, unroll=4)
            def _g(g):
                loc = g * _L
                off = hbase + loc
                ipk = ipk_v[pl.ds(off, _L)]
                ia = lax.bitwise_and(ipk, jnp.int32(0xFFFF))
                ib = lax.shift_right_logical(ipk, jnp.int32(16))
                pk01 = plsc.bitcast(c01_v[pl.ds(off, _L)], jnp.bfloat16)
                pk23 = plsc.bitcast(c23_v[pl.ds(off, _L)], jnp.bfloat16)
                k0, ka = plsc.unpack(pk01, format=plsc.PackFormat.INTERLEAVED)
                kb, kab = plsc.unpack(pk23, format=plsc.PackFormat.INTERLEAVED)
                a0 = plsc.load_gather(rx0, [ia])
                b0 = plsc.load_gather(rx0, [ib])
                a1 = plsc.load_gather(rx1, [ia])
                b1 = plsc.load_gather(rx1, [ib])
                a2 = plsc.load_gather(rx2, [ia])
                b2 = plsc.load_gather(rx2, [ib])
                a3 = plsc.load_gather(rx3, [ia])
                b3 = plsc.load_gather(rx3, [ib])
                ob0[pl.ds(loc, _L)] = (k0 + ka * a0) + b0 * (kb + kab * a0)
                ob1[pl.ds(loc, _L)] = (k0 + ka * a1) + b1 * (kb + kab * a1)
                ob2[pl.ds(loc, _L)] = (k0 + ka * a2) + b2 * (kb + kab * a2)
                ob3[pl.ds(loc, _L)] = (k0 + ka * a3) + b3 * (kb + kab * a3)

            for r in range(4):
                pltpu.async_copy(
                    outs[r][half],
                    out_hbm.at[base + 4 * q + r, pl.ds(hbase, _H)],
                    osems[r][half])

        @pl.when(q < _NQ - 2)
        def _():
            for k in range(4):
                pltpu.async_copy(x_hbm.at[base + 4 * q + 8 + k],
                                 bufs[k], isems[4 * h + k])

    def _iter(i, carry):
        _quad(i, 0)
        _quad(i, 1)
        return carry

    lax.fori_loop(0, _NQ // 2, _iter, 0)

    for r in range(4):
        for half in range(2):
            pltpu.make_async_copy(outs[r][half],
                                  out_hbm.at[base, pl.ds(half * _H, _H)],
                                  osems[r][half]).wait()


_sc_main = functools.partial(
    pl.kernel,
    out_type=(jax.ShapeDtypeStruct((_B, _OUT), jnp.float32),
              jax.ShapeDtypeStruct((_NC, 2, _OUT), jnp.float32)),
    mesh=plsc.VectorSubcoreMesh(core_axis_name="c", subcore_axis_name="s"),
    compiler_params=pltpu.CompilerParams(needs_layout_passes=False),
    scratch_types=(
        [pltpu.VMEM((_IN,), jnp.float32)] * 8
        + [pltpu.VMEM((_H,), jnp.float32)] * 8
        + [
            pltpu.VMEM((_OUT,), jnp.int32),
            pltpu.VMEM((_OUT,), jnp.float32),
            pltpu.VMEM((_OUT,), jnp.float32),
            pltpu.VMEM((_WC,), jnp.float32),
            pltpu.VMEM((_JS,), jnp.float32),
            pltpu.VMEM((_JS,), jnp.float32),
        ]
        + [pltpu.SemaphoreType.DMA] * 8
        + [pltpu.SemaphoreType.DMA] * 8
        + [pltpu.SemaphoreType.DMA]
    ),
)(_sc_body)


def kernel(x, weights, idx_a, idx_b):
    ipk = jnp.bitwise_or(idx_a.astype(jnp.int32),
                         jnp.left_shift(idx_b.astype(jnp.int32), 16))
    out, _ = _sc_main(x, weights.reshape(-1), ipk)
    return out

# --- scband reference (transcript-rebuilt; emitter-appended) ---
"""Pipeline reference for scband-logic-layer-58763742544750 (READ-ONLY COPY).

The authoritative reference and input builder live on the scoring server;
editing this copy changes nothing except your own understanding.
"""

import jax, jax.numpy as jnp
import numpy as np

B = 2048
IN_DIM = 8192
OUT_DIM = 8192

def setup_inputs(seed: int = 0) -> dict:
    key = jax.random.key(seed)
    k1, k2, k3, k4 = jax.random.split(key, 4)
    x = jax.random.uniform(k1, (B, IN_DIM), dtype=jnp.float32)
    # 'random' connections: each output neuron picks two input indices
    idx_a = jax.random.randint(k2, (OUT_DIM,), 0, IN_DIM, dtype=jnp.int64)
    idx_b = jax.random.randint(k3, (OUT_DIM,), 0, IN_DIM, dtype=jnp.int64)
    # learnable gate-selection logits over the 16 binary logic ops
    weights = jax.random.normal(k4, (OUT_DIM, 16), dtype=jnp.float32)
    return {"x": x, "weights": weights, "idx_a": idx_a, "idx_b": idx_b}

def _bin_op_s(a, b, w):
    # a, b: [B, OUT_DIM]; w: [OUT_DIM, 16] softmaxed gate weights
    ab = a * b
    w0 = w[None, :, 0]; w1 = w[None, :, 1]; w2 = w[None, :, 2]; w3 = w[None, :, 3]
    w4 = w[None, :, 4]; w5 = w[None, :, 5]; w6 = w[None, :, 6]; w7 = w[None, :, 7]
    w8 = w[None, :, 8]; w9 = w[None, :, 9]; w10 = w[None, :, 10]; w11 = w[None, :, 11]
    w12 = w[None, :, 12]; w13 = w[None, :, 13]; w14 = w[None, :, 14]; w15 = w[None, :, 15]
    out = (
        w1 * ab
        + w2 * (a - ab)
        + w3 * a
        + w4 * (b - ab)
        + w5 * b
        + w6 * (a + b - 2.0 * ab)
        + w7 * (a + b - ab)
        + w8 * (1.0 - (a + b - ab))
        + w9 * (1.0 - (a + b - 2.0 * ab))
        + w10 * (1.0 - b)
        + w11 * (1.0 - b + ab)
        + w12 * (1.0 - a)
        + w13 * (1.0 - a + ab)
        + w14 * (1.0 - ab)
        + w15
    )
    return out

def reference(x, weights, idx_a, idx_b):
    # forward_python, connections='random', gate_function='softmax', training mode
    a = jnp.take(x, idx_a, axis=-1)  # gather: [B, OUT_DIM]
    b = jnp.take(x, idx_b, axis=-1)  # gather: [B, OUT_DIM]
    w = jax.nn.softmax(weights, axis=-1)
    return _bin_op_s(a, b, w)

if __name__ == "__main__":
    import jax
    _d = setup_inputs()
    print(jax.jit(kernel)(*tuple(_d.values())))

</pallas_src>

<mosaic_0001>
#map = affine_map<(d0, d1) -> (0, 0)>
#map1 = affine_map<(d0, d1) -> (0)>
#map2 = affine_map<(d0, d1) -> (0, 0, 0)>
module attributes {stable_mosaic.version = 14 : i64} {
  func.func @_sc_body(%arg0: i32, %arg1: i32, %arg2: memref<2048x8192xf32, #tpu.memory_space<hbm>>, %arg3: memref<131072xf32, #tpu.memory_space<hbm>>, %arg4: memref<8192xi32, #tpu.memory_space<hbm>>, %arg5: memref<2048x8192xf32, #tpu.memory_space<hbm>>, %arg6: memref<2x2x8192xf32, #tpu.memory_space<hbm>>, %arg7: memref<8192xf32, #tpu.memory_space<vmem>>, %arg8: memref<8192xf32, #tpu.memory_space<vmem>>, %arg9: memref<8192xf32, #tpu.memory_space<vmem>>, %arg10: memref<8192xf32, #tpu.memory_space<vmem>>, %arg11: memref<8192xf32, #tpu.memory_space<vmem>>, %arg12: memref<8192xf32, #tpu.memory_space<vmem>>, %arg13: memref<8192xf32, #tpu.memory_space<vmem>>, %arg14: memref<8192xf32, #tpu.memory_space<vmem>>, %arg15: memref<4096xf32, #tpu.memory_space<vmem>>, %arg16: memref<4096xf32, #tpu.memory_space<vmem>>, %arg17: memref<4096xf32, #tpu.memory_space<vmem>>, %arg18: memref<4096xf32, #tpu.memory_space<vmem>>, %arg19: memref<4096xf32, #tpu.memory_space<vmem>>, %arg20: memref<4096xf32, #tpu.memory_space<vmem>>, %arg21: memref<4096xf32, #tpu.memory_space<vmem>>, %arg22: memref<4096xf32, #tpu.memory_space<vmem>>, %arg23: memref<8192xi32, #tpu.memory_space<vmem>>, %arg24: memref<8192xf32, #tpu.memory_space<vmem>>, %arg25: memref<8192xf32, #tpu.memory_space<vmem>>, %arg26: memref<4096xf32, #tpu.memory_space<vmem>>, %arg27: memref<512xf32, #tpu.memory_space<vmem>>, %arg28: memref<512xf32, #tpu.memory_space<vmem>>, %arg29: memref<!tpu.dma_semaphore, #tpu.memory_space<semaphore_mem>>, %arg30: memref<!tpu.dma_semaphore, #tpu.memory_space<semaphore_mem>>, %arg31: memref<!tpu.dma_semaphore, #tpu.memory_space<semaphore_mem>>, %arg32: memref<!tpu.dma_semaphore, #tpu.memory_space<semaphore_mem>>, %arg33: memref<!tpu.dma_semaphore, #tpu.memory_space<semaphore_mem>>, %arg34: memref<!tpu.dma_semaphore, #tpu.memory_space<semaphore_mem>>, %arg35: memref<!tpu.dma_semaphore, #tpu.memory_space<semaphore_mem>>, %arg36: memref<!tpu.dma_semaphore, #tpu.memory_space<semaphore_mem>>, %arg37: memref<!tpu.dma_semaphore, #tpu.memory_space<semaphore_mem>>, %arg38: memref<!tpu.dma_semaphore, #tpu.memory_space<semaphore_mem>>, %arg39: memref<!tpu.dma_semaphore, #tpu.memory_space<semaphore_mem>>, %arg40: memref<!tpu.dma_semaphore, #tpu.memory_space<semaphore_mem>>, %arg41: memref<!tpu.dma_semaphore, #tpu.memory_space<semaphore_mem>>, %arg42: memref<!tpu.dma_semaphore, #tpu.memory_space<semaphore_mem>>, %arg43: memref<!tpu.dma_semaphore, #tpu.memory_space<semaphore_mem>>, %arg44: memref<!tpu.dma_semaphore, #tpu.memory_space<semaphore_mem>>, %arg45: memref<!tpu.dma_semaphore, #tpu.memory_space<semaphore_mem>>) attributes {dimension_semantics = [#tpu.dimension_semantics<core_parallel>, #tpu.dimension_semantics<subcore_parallel>], iteration_bounds = array<i64: 2, 16>, scalar_prefetch = 0 : i64, scratch_operands = 39 : i64, tpu.core_type = #tpu.core_type<sc_vector_subcore>, window_params = [{transform_indices = #map}, {transform_indices = #map1}, {transform_indices = #map1}, {transform_indices = #map}, {transform_indices = #map2}]} {
    %mul3A = arith.constant 2 : i32
    %mul3A_0 = arith.muli %arg1, %mul3A : i32
    %add3A = arith.addi %mul3A_0, %arg0 : i32
    %mul3A_1 = arith.constant 64 : i32
    %mul3A_2 = arith.muli %add3A, %mul3A_1 : i32
    tpu.enqueue_dma source(%arg4 : memref<8192xi32, #tpu.memory_space<hbm>>) target(%arg23 : memref<8192xi32, #tpu.memory_space<vmem>>) target_semaphore(%arg45 : memref<!tpu.dma_semaphore, #tpu.memory_space<semaphore_mem>>)
    %add3A_3 = arith.constant 0 : i32
    %add3A_4 = arith.addi %mul3A_2, %add3A_3 : i32
    %dma_start3A = arith.constant 0 : i32
    %dma_start3A_5 = tpu.memref_slice %arg2[%add3A_4, %dma_start3A] : memref<2048x8192xf32, #tpu.memory_space<hbm>> -> memref<1x8192xf32, #tpu.memory_space<hbm>>
    %dma_start3A_6 = tpu.memref_squeeze %dma_start3A_5 : memref<1x8192xf32, #tpu.memory_space<hbm>> -> memref<8192xf32, #tpu.memory_space<hbm>>
    %dma_start3A_7 = arith.constant 0 : i32
    %dma_start3A_8 = tpu.memref_slice %arg2[%add3A_4, %dma_start3A_7] : memref<2048x8192xf32, #tpu.memory_space<hbm>> -> memref<1x8192xf32, #tpu.memory_space<hbm>>
    %dma_start3A_9 = tpu.memref_squeeze %dma_start3A_8 : memref<1x8192xf32, #tpu.memory_space<hbm>> -> memref<8192xf32, #tpu.memory_space<hbm>>
    tpu.enqueue_dma source(%dma_start3A_9 : memref<8192xf32, #tpu.memory_space<hbm>>) target(%arg7 : memref<8192xf32, #tpu.memory_space<vmem>>) target_semaphore(%arg29 : memref<!tpu.dma_semaphore, #tpu.memory_space<semaphore_mem>>)
    %add3A_10 = arith.constant 1 : i32
    %add3A_11 = arith.addi %mul3A_2, %add3A_10 : i32
    %dma_start3A_12 = arith.constant 0 : i32
    %dma_start3A_13 = tpu.memref_slice %arg2[%add3A_11, %dma_start3A_12] : memref<2048x8192xf32, #tpu.memory_space<hbm>> -> memref<1x8192xf32, #tpu.memory_space<hbm>>
    %dma_start3A_14 = tpu.memref_squeeze %dma_start3A_13 : memref<1x8192xf32, #tpu.memory_space<hbm>> -> memref<8192xf32, #tpu.memory_space<hbm>>
    %dma_start3A_15 = arith.constant 0 : i32
    %dma_start3A_16 = tpu.memref_slice %arg2[%add3A_11, %dma_start3A_15] : memref<2048x8192xf32, #tpu.memory_space<hbm>> -> memref<1x8192xf32, #tpu.memory_space<hbm>>
    %dma_start3A_17 = tpu.memref_squeeze %dma_start3A_16 : memref<1x8192xf32, #tpu.memory_space<hbm>> -> memref<8192xf32, #tpu.memory_space<hbm>>
    tpu.enqueue_dma source(%dma_start3A_17 : memref<8192xf32, #tpu.memory_space<hbm>>) target(%arg8 : memref<8192xf32, #tpu.memory_space<vmem>>) target_semaphore(%arg30 : memref<!tpu.dma_semaphore, #tpu.memory_space<semaphore_mem>>)
    %add3A_18 = arith.constant 2 : i32
    %add3A_19 = arith.addi %mul3A_2, %add3A_18 : i32
    %dma_start3A_20 = arith.constant 0 : i32
    %dma_start3A_21 = tpu.memref_slice %arg2[%add3A_19, %dma_start3A_20] : memref<2048x8192xf32, #tpu.memory_space<hbm>> -> memref<1x8192xf32, #tpu.memory_space<hbm>>
    %dma_start3A_22 = tpu.memref_squeeze %dma_start3A_21 : memref<1x8192xf32, #tpu.memory_space<hbm>> -> memref<8192xf32, #tpu.memory_space<hbm>>
    %dma_start3A_23 = arith.constant 0 : i32
    %dma_start3A_24 = tpu.memref_slice %arg2[%add3A_19, %dma_start3A_23] : memref<2048x8192xf32, #tpu.memory_space<hbm>> -> memref<1x8192xf32, #tpu.memory_space<hbm>>
    %dma_start3A_25 = tpu.memref_squeeze %dma_start3A_24 : memref<1x8192xf32, #tpu.memory_space<hbm>> -> memref<8192xf32, #tpu.memory_space<hbm>>
    tpu.enqueue_dma source(%dma_start3A_25 : memref<8192xf32, #tpu.memory_space<hbm>>) target(%arg9 : memref<8192xf32, #tpu.memory_space<vmem>>) target_semaphore(%arg31 : memref<!tpu.dma_semaphore, #tpu.memory_space<semaphore_mem>>)
    %add3A_26 = arith.constant 3 : i32
    %add3A_27 = arith.addi %mul3A_2, %add3A_26 : i32
    %dma_start3A_28 = arith.constant 0 : i32
    %dma_start3A_29 = tpu.memref_slice %arg2[%add3A_27, %dma_start3A_28] : memref<2048x8192xf32, #tpu.memory_space<hbm>> -> memref<1x8192xf32, #tpu.memory_space<hbm>>
    %dma_start3A_30 = tpu.memref_squeeze %dma_start3A_29 : memref<1x8192xf32, #tpu.memory_space<hbm>> -> memref<8192xf32, #tpu.memory_space<hbm>>
    %dma_start3A_31 = arith.constant 0 : i32
    %dma_start3A_32 = tpu.memref_slice %arg2[%add3A_27, %dma_start3A_31] : memref<2048x8192xf32, #tpu.memory_space<hbm>> -> memref<1x8192xf32, #tpu.memory_space<hbm>>
    %dma_start3A_33 = tpu.memref_squeeze %dma_start3A_32 : memref<1x8192xf32, #tpu.memory_space<hbm>> -> memref<8192xf32, #tpu.memory_space<hbm>>
    tpu.enqueue_dma source(%dma_start3A_33 : memref<8192xf32, #tpu.memory_space<hbm>>) target(%arg10 : memref<8192xf32, #tpu.memory_space<vmem>>) target_semaphore(%arg32 : memref<!tpu.dma_semaphore, #tpu.memory_space<semaphore_mem>>)
    %add3A_34 = arith.constant 4 : i32
    %add3A_35 = arith.addi %mul3A_2, %add3A_34 : i32
    %dma_start3A_36 = arith.constant 0 : i32
    %dma_start3A_37 = tpu.memref_slice %arg2[%add3A_35, %dma_start3A_36] : memref<2048x8192xf32, #tpu.memory_space<hbm>> -> memref<1x8192xf32, #tpu.memory_space<hbm>>
    %dma_start3A_38 = tpu.memref_squeeze %dma_start3A_37 : memref<1x8192xf32, #tpu.memory_space<hbm>> -> memref<8192xf32, #tpu.memory_space<hbm>>
    %dma_start3A_39 = arith.constant 0 : i32
    %dma_start3A_40 = tpu.memref_slice %arg2[%add3A_35, %dma_start3A_39] : memref<2048x8192xf32, #tpu.memory_space<hbm>> -> memref<1x8192xf32, #tpu.memory_space<hbm>>
    %dma_start3A_41 = tpu.memref_squeeze %dma_start3A_40 : memref<1x8192xf32, #tpu.memory_space<hbm>> -> memref<8192xf32, #tpu.memory_space<hbm>>
    tpu.enqueue_dma source(%dma_start3A_41 : memref<8192xf32, #tpu.memory_space<hbm>>) target(%arg11 : memref<8192xf32, #tpu.memory_space<vmem>>) target_semaphore(%arg33 : memref<!tpu.dma_semaphore, #tpu.memory_space<semaphore_mem>>)
    %add3A_42 = arith.constant 5 : i32
    %add3A_43 = arith.addi %mul3A_2, %add3A_42 : i32
    %dma_start3A_44 = arith.constant 0 : i32
    %dma_start3A_45 = tpu.memref_slice %arg2[%add3A_43, %dma_start3A_44] : memref<2048x8192xf32, #tpu.memory_space<hbm>> -> memref<1x8192xf32, #tpu.memory_space<hbm>>
    %dma_start3A_46 = tpu.memref_squeeze %dma_start3A_45 : memref<1x8192xf32, #tpu.memory_space<hbm>> -> memref<8192xf32, #tpu.memory_space<hbm>>
    %dma_start3A_47 = arith.constant 0 : i32
    %dma_start3A_48 = tpu.memref_slice %arg2[%add3A_43, %dma_start3A_47] : memref<2048x8192xf32, #tpu.memory_space<hbm>> -> memref<1x8192xf32, #tpu.memory_space<hbm>>
    %dma_start3A_49 = tpu.memref_squeeze %dma_start3A_48 : memref<1x8192xf32, #tpu.memory_space<hbm>> -> memref<8192xf32, #tpu.memory_space<hbm>>
    tpu.enqueue_dma source(%dma_start3A_49 : memref<8192xf32, #tpu.memory_space<hbm>>) target(%arg12 : memref<8192xf32, #tpu.memory_space<vmem>>) target_semaphore(%arg34 : memref<!tpu.dma_semaphore, #tpu.memory_space<semaphore_mem>>)
    %add3A_50 = arith.constant 6 : i32
    %add3A_51 = arith.addi %mul3A_2, %add3A_50 : i32
    %dma_start3A_52 = arith.constant 0 : i32
    %dma_start3A_53 = tpu.memref_slice %arg2[%add3A_51, %dma_start3A_52] : memref<2048x8192xf32, #tpu.memory_space<hbm>> -> memref<1x8192xf32, #tpu.memory_space<hbm>>
    %dma_start3A_54 = tpu.memref_squeeze %dma_start3A_53 : memref<1x8192xf32, #tpu.memory_space<hbm>> -> memref<8192xf32, #tpu.memory_space<hbm>>
    %dma_start3A_55 = arith.constant 0 : i32
    %dma_start3A_56 = tpu.memref_slice %arg2[%add3A_51, %dma_start3A_55] : memref<2048x8192xf32, #tpu.memory_space<hbm>> -> memref<1x8192xf32, #tpu.memory_space<hbm>>
    %dma_start3A_57 = tpu.memref_squeeze %dma_start3A_56 : memref<1x8192xf32, #tpu.memory_space<hbm>> -> memref<8192xf32, #tpu.memory_space<hbm>>
    tpu.enqueue_dma source(%dma_start3A_57 : memref<8192xf32, #tpu.memory_space<hbm>>) target(%arg13 : memref<8192xf32, #tpu.memory_space<vmem>>) target_semaphore(%arg35 : memref<!tpu.dma_semaphore, #tpu.memory_space<semaphore_mem>>)
    %add3A_58 = arith.constant 7 : i32
    %add3A_59 = arith.addi %mul3A_2, %add3A_58 : i32
    %dma_start3A_60 = arith.constant 0 : i32
    %dma_start3A_61 = tpu.memref_slice %arg2[%add3A_59, %dma_start3A_60] : memref<2048x8192xf32, #tpu.memory_space<hbm>> -> memref<1x8192xf32, #tpu.memory_space<hbm>>
    %dma_start3A_62 = tpu.memref_squeeze %dma_start3A_61 : memref<1x8192xf32, #tpu.memory_space<hbm>> -> memref<8192xf32, #tpu.memory_space<hbm>>
    %dma_start3A_63 = arith.constant 0 : i32
    %dma_start3A_64 = tpu.memref_slice %arg2[%add3A_59, %dma_start3A_63] : memref<2048x8192xf32, #tpu.memory_space<hbm>> -> memref<1x8192xf32, #tpu.memory_space<hbm>>
    %dma_start3A_65 = tpu.memref_squeeze %dma_start3A_64 : memref<1x8192xf32, #tpu.memory_space<hbm>> -> memref<8192xf32, #tpu.memory_space<hbm>>
    tpu.enqueue_dma source(%dma_start3A_65 : memref<8192xf32, #tpu.memory_space<hbm>>) target(%arg14 : memref<8192xf32, #tpu.memory_space<vmem>>) target_semaphore(%arg36 : memref<!tpu.dma_semaphore, #tpu.memory_space<semaphore_mem>>)
    %mul3A_66 = arith.constant 512 : i32
    %mul3A_67 = arith.muli %arg1, %mul3A_66 : i32
    %mul3A_68 = arith.constant 16 : i32
    %mul3A_69 = arith.muli %mul3A_67, %mul3A_68 : i32
    %add3A_70 = arith.constant 0 : i32
    %add3A_71 = arith.addi %mul3A_69, %add3A_70 : i32
    "tpu.region"() ({
      %run_scoped3A_143 = tpu.sem_alloc : memref<!tpu.dma_semaphore, #tpu.memory_space<semaphore_mem>>
      %dma_start3A_144 = tpu.memref_slice %arg3[%add3A_71] : memref<131072xf32, #tpu.memory_space<hbm>> -> memref<4096xf32, #tpu.memory_space<hbm>>
      %dma_start3A_145 = tpu.memref_slice %arg3[%add3A_71] : memref<131072xf32, #tpu.memory_space<hbm>> -> memref<4096xf32, #tpu.memory_space<hbm>>
      tpu.enqueue_dma source(%dma_start3A_145 : memref<4096xf32, #tpu.memory_space<hbm>>) target(%arg26 : memref<4096xf32, #tpu.memory_space<vmem>>) target_semaphore(%run_scoped3A_143 : memref<!tpu.dma_semaphore, #tpu.memory_space<semaphore_mem>>)
      %dma_wait3A_146 = tpu.memref_slice %arg3[%add3A_71] : memref<131072xf32, #tpu.memory_space<hbm>> -> memref<4096xf32, #tpu.memory_space<hbm>>
      %dma_wait3A_147 = tpu.memref_slice %arg3[%add3A_71] : memref<131072xf32, #tpu.memory_space<hbm>> -> memref<4096xf32, #tpu.memory_space<hbm>>
      tpu.wait_dma2 semaphore(%run_scoped3A_143 : memref<!tpu.dma_semaphore, #tpu.memory_space<semaphore_mem>>) src(%dma_wait3A_147 : memref<4096xf32, #tpu.memory_space<hbm>>) dst(%arg26 : memref<4096xf32, #tpu.memory_space<vmem>>)
      tpu.yield
    }) : () -> ()
    %scan3A = arith.constant 0 : i32
    %scan3A_72 = arith.constant 0 : i32
    %scan3A_73 = arith.constant 16 : i32
    %scan3A_74 = arith.addi %scan3A_72, %scan3A_73 : i32
    %scan3A_75 = arith.constant 1 : i32
    scf.for %scan3A_143 = %scan3A_72 to %scan3A_74 step %scan3A_75  : i32 {
      %mul3A_144 = arith.constant 16 : i32
      %mul3A_145 = arith.muli %scan3A_143, %mul3A_144 : i32
      %mul3A_146 = arith.constant 16 : i32
      %mul3A_147 = arith.muli %scan3A_143, %mul3A_146 : i32
      %jit3A = arith.constant 16 : i32
      %div3A = arith.divsi %scan3A_143, %jit3A : i32
      %sign3A = arith.constant 0 : i32
      %sign3A_148 = arith.cmpi sgt, %scan3A_143, %sign3A : i32
      %sign3A_149 = arith.extui %sign3A_148 : i1 to i32
      %sign3A_150 = arith.constant 0 : i32
      %sign3A_151 = arith.cmpi slt, %scan3A_143, %sign3A_150 : i32
      %sign3A_152 = arith.extui %sign3A_151 : i1 to i32
      %sign3A_153 = arith.subi %sign3A_149, %sign3A_152 : i32
      %sign3A_154 = arith.constant 0 : i32
      %sign3A_155 = arith.cmpi sgt, %jit3A, %sign3A_154 : i32
      %sign3A_156 = arith.extui %sign3A_155 : i1 to i32
      %sign3A_157 = arith.constant 0 : i32
      %sign3A_158 = arith.cmpi slt, %jit3A, %sign3A_157 : i32
      %sign3A_159 = arith.extui %sign3A_158 : i1 to i32
      %sign3A_160 = arith.subi %sign3A_156, %sign3A_159 : i32
      %ne3A = arith.cmpi ne, %sign3A_153, %sign3A_160 : i32
      %rem3A = arith.remsi %scan3A_143, %jit3A : i32
      %ne3A_161 = arith.constant 0 : i32
      %ne3A_162 = arith.cmpi ne, %rem3A, %ne3A_161 : i32
      %and3A = arith.andi %ne3A, %ne3A_162 : i1
      %sub3A = arith.constant 1 : i32
      %sub3A_163 = arith.subi %div3A, %sub3A : i32
      %select_n3A = arith.select %and3A, %sub3A_163, %div3A : i32
      %mul3A_164 = arith.constant 256 : i32
      %mul3A_165 = arith.muli %select_n3A, %mul3A_164 : i32
      %sub3A_166 = arith.subi %mul3A_147, %mul3A_165 : i32
      %iota3A = tpu.iota {dimensions = array<i32: 0>} : vector<16xi32>
      %mul3A_167 = arith.constant 16 : i32
      %mul3A_168 = vector.broadcast %mul3A_167 : i32 to vector<16xi32>
      %mul3A_169 = arith.muli %iota3A, %mul3A_168 : vector<16xi32>
      %mul3A_170 = arith.constant 16 : i32
      %mul3A_171 = arith.muli %sub3A_166, %mul3A_170 : i32
      %add3A_172 = arith.constant 0 : i32
      %add3A_173 = arith.addi %mul3A_171, %add3A_172 : i32
      %add3A_174 = vector.broadcast %add3A_173 : i32 to vector<16xi32>
      %add3A_175 = arith.addi %add3A_174, %mul3A_169 : vector<16xi32>
      %gather3A = tpu.vector_load_idx %arg26[%add3A_175] : memref<4096xf32, #tpu.memory_space<vmem>>[vector<16xi32>], vector<16xf32>,
      %mul3A_176 = arith.constant 16 : i32
      %mul3A_177 = arith.muli %sub3A_166, %mul3A_176 : i32
      %add3A_178 = arith.constant 1 : i32
      %add3A_179 = arith.addi %mul3A_177, %add3A_178 : i32
      %add3A_180 = vector.broadcast %add3A_179 : i32 to vector<16xi32>
      %add3A_181 = arith.addi %add3A_180, %mul3A_169 : vector<16xi32>
      %gather3A_182 = tpu.vector_load_idx %arg26[%add3A_181] : memref<4096xf32, #tpu.memory_space<vmem>>[vector<16xi32>], vector<16xf32>,
      %mul3A_183 = arith.constant 16 : i32
      %mul3A_184 = arith.muli %sub3A_166, %mul3A_183 : i32
      %add3A_185 = arith.constant 2 : i32
      %add3A_186 = arith.addi %mul3A_184, %add3A_185 : i32
      %add3A_187 = vector.broadcast %add3A_186 : i32 to vector<16xi32>
      %add3A_188 = arith.addi %add3A_187, %mul3A_169 : vector<16xi32>
      %gather3A_189 = tpu.vector_load_idx %arg26[%add3A_188] : memref<4096xf32, #tpu.memory_space<vmem>>[vector<16xi32>], vector<16xf32>,
      %mul3A_190 = arith.constant 16 : i32
      %mul3A_191 = arith.muli %sub3A_166, %mul3A_190 : i32
      %add3A_192 = arith.constant 3 : i32
      %add3A_193 = arith.addi %mul3A_191, %add3A_192 : i32
      %add3A_194 = vector.broadcast %add3A_193 : i32 to vector<16xi32>
      %add3A_195 = arith.addi %add3A_194, %mul3A_169 : vector<16xi32>
      %gather3A_196 = tpu.vector_load_idx %arg26[%add3A_195] : memref<4096xf32, #tpu.memory_space<vmem>>[vector<16xi32>], vector<16xf32>,
      %mul3A_197 = arith.constant 16 : i32
      %mul3A_198 = arith.muli %sub3A_166, %mul3A_197 : i32
      %add3A_199 = arith.constant 4 : i32
      %add3A_200 = arith.addi %mul3A_198, %add3A_199 : i32
      %add3A_201 = vector.broadcast %add3A_200 : i32 to vector<16xi32>
      %add3A_202 = arith.addi %add3A_201, %mul3A_169 : vector<16xi32>
      %gather3A_203 = tpu.vector_load_idx %arg26[%add3A_202] : memref<4096xf32, #tpu.memory_space<vmem>>[vector<16xi32>], vector<16xf32>,
      %mul3A_204 = arith.constant 16 : i32
      %mul3A_205 = arith.muli %sub3A_166, %mul3A_204 : i32
      %add3A_206 = arith.constant 5 : i32
      %add3A_207 = arith.addi %mul3A_205, %add3A_206 : i32
      %add3A_208 = vector.broadcast %add3A_207 : i32 to vector<16xi32>
      %add3A_209 = arith.addi %add3A_208, %mul3A_169 : vector<16xi32>
      %gather3A_210 = tpu.vector_load_idx %arg26[%add3A_209] : memref<4096xf32, #tpu.memory_space<vmem>>[vector<16xi32>], vector<16xf32>,
      %mul3A_211 = arith.constant 16 : i32
      %mul3A_212 = arith.muli %sub3A_166, %mul3A_211 : i32
      %add3A_213 = arith.constant 6 : i32
      %add3A_214 = arith.addi %mul3A_212, %add3A_213 : i32
      %add3A_215 = vector.broadcast %add3A_214 : i32 to vector<16xi32>
      %add3A_216 = arith.addi %add3A_215, %mul3A_169 : vector<16xi32>
      %gather3A_217 = tpu.vector_load_idx %arg26[%add3A_216] : memref<4096xf32, #tpu.memory_space<vmem>>[vector<16xi32>], vector<16xf32>,
      %mul3A_218 = arith.constant 16 : i32
      %mul3A_219 = arith.muli %sub3A_166, %mul3A_218 : i32
      %add3A_220 = arith.constant 7 : i32
      %add3A_221 = arith.addi %mul3A_219, %add3A_220 : i32
      %add3A_222 = vector.broadcast %add3A_221 : i32 to vector<16xi32>
      %add3A_223 = arith.addi %add3A_222, %mul3A_169 : vector<16xi32>
      %gather3A_224 = tpu.vector_load_idx %arg26[%add3A_223] : memref<4096xf32, #tpu.memory_space<vmem>>[vector<16xi32>], vector<16xf32>,
      %mul3A_225 = arith.constant 16 : i32
      %mul3A_226 = arith.muli %sub3A_166, %mul3A_225 : i32
      %add3A_227 = arith.constant 8 : i32
      %add3A_228 = arith.addi %mul3A_226, %add3A_227 : i32
      %add3A_229 = vector.broadcast %add3A_228 : i32 to vector<16xi32>
      %add3A_230 = arith.addi %add3A_229, %mul3A_169 : vector<16xi32>
      %gather3A_231 = tpu.vector_load_idx %arg26[%add3A_230] : memref<4096xf32, #tpu.memory_space<vmem>>[vector<16xi32>], vector<16xf32>,
      %mul3A_232 = arith.constant 16 : i32
      %mul3A_233 = arith.muli %sub3A_166, %mul3A_232 : i32
      %add3A_234 = arith.constant 9 : i32
      %add3A_235 = arith.addi %mul3A_233, %add3A_234 : i32
      %add3A_236 = vector.broadcast %add3A_235 : i32 to vector<16xi32>
      %add3A_237 = arith.addi %add3A_236, %mul3A_169 : vector<16xi32>
      %gather3A_238 = tpu.vector_load_idx %arg26[%add3A_237] : memref<4096xf32, #tpu.memory_space<vmem>>[vector<16xi32>], vector<16xf32>,
      %mul3A_239 = arith.constant 16 : i32
      %mul3A_240 = arith.muli %sub3A_166, %mul3A_239 : i32
      %add3A_241 = arith.constant 10 : i32
      %add3A_242 = arith.addi %mul3A_240, %add3A_241 : i32
      %add3A_243 = vector.broadcast %add3A_242 : i32 to vector<16xi32>
      %add3A_244 = arith.addi %add3A_243, %mul3A_169 : vector<16xi32>
      %gather3A_245 = tpu.vector_load_idx %arg26[%add3A_244] : memref<4096xf32, #tpu.memory_space<vmem>>[vector<16xi32>], vector<16xf32>,
      %mul3A_246 = arith.constant 16 : i32
      %mul3A_247 = arith.muli %sub3A_166, %mul3A_246 : i32
      %add3A_248 = arith.constant 11 : i32
      %add3A_249 = arith.addi %mul3A_247, %add3A_248 : i32
      %add3A_250 = vector.broadcast %add3A_249 : i32 to vector<16xi32>
      %add3A_251 = arith.addi %add3A_250, %mul3A_169 : vector<16xi32>
      %gather3A_252 = tpu.vector_load_idx %arg26[%add3A_251] : memref<4096xf32, #tpu.memory_space<vmem>>[vector<16xi32>], vector<16xf32>,
      %mul3A_253 = arith.constant 16 : i32
      %mul3A_254 = arith.muli %sub3A_166, %mul3A_253 : i32
      %add3A_255 = arith.constant 12 : i32
      %add3A_256 = arith.addi %mul3A_254, %add3A_255 : i32
      %add3A_257 = vector.broadcast %add3A_256 : i32 to vector<16xi32>
      %add3A_258 = arith.addi %add3A_257, %mul3A_169 : vector<16xi32>
      %gather3A_259 = tpu.vector_load_idx %arg26[%add3A_258] : memref<4096xf32, #tpu.memory_space<vmem>>[vector<16xi32>], vector<16xf32>,
      %mul3A_260 = arith.constant 16 : i32
      %mul3A_261 = arith.muli %sub3A_166, %mul3A_260 : i32
      %add3A_262 = arith.constant 13 : i32
      %add3A_263 = arith.addi %mul3A_261, %add3A_262 : i32
      %add3A_264 = vector.broadcast %add3A_263 : i32 to vector<16xi32>
      %add3A_265 = arith.addi %add3A_264, %mul3A_169 : vector<16xi32>
      %gather3A_266 = tpu.vector_load_idx %arg26[%add3A_265] : memref<4096xf32, #tpu.memory_space<vmem>>[vector<16xi32>], vector<16xf32>,
      %mul3A_267 = arith.constant 16 : i32
      %mul3A_268 = arith.muli %sub3A_166, %mul3A_267 : i32
      %add3A_269 = arith.constant 14 : i32
      %add3A_270 = arith.addi %mul3A_268, %add3A_269 : i32
      %add3A_271 = vector.broadcast %add3A_270 : i32 to vector<16xi32>
      %add3A_272 = arith.addi %add3A_271, %mul3A_169 : vector<16xi32>
      %gather3A_273 = tpu.vector_load_idx %arg26[%add3A_272] : memref<4096xf32, #tpu.memory_space<vmem>>[vector<16xi32>], vector<16xf32>,
      %mul3A_274 = arith.constant 16 : i32
      %mul3A_275 = arith.muli %sub3A_166, %mul3A_274 : i32
      %add3A_276 = arith.constant 15 : i32
      %add3A_277 = arith.addi %mul3A_275, %add3A_276 : i32
      %add3A_278 = vector.broadcast %add3A_277 : i32 to vector<16xi32>
      %add3A_279 = arith.addi %add3A_278, %mul3A_169 : vector<16xi32>
      %gather3A_280 = tpu.vector_load_idx %arg26[%add3A_279] : memref<4096xf32, #tpu.memory_space<vmem>>[vector<16xi32>], vector<16xf32>,
      %max3A = arith.maximumf %gather3A, %gather3A_182 : vector<16xf32>
      %max3A_281 = arith.maximumf %max3A, %gather3A_189 : vector<16xf32>
      %max3A_282 = arith.maximumf %max3A_281, %gather3A_196 : vector<16xf32>
      %max3A_283 = arith.maximumf %max3A_282, %gather3A_203 : vector<16xf32>
      %max3A_284 = arith.maximumf %max3A_283, %gather3A_210 : vector<16xf32>
      %max3A_285 = arith.maximumf %max3A_284, %gather3A_217 : vector<16xf32>
      %max3A_286 = arith.maximumf %max3A_285, %gather3A_224 : vector<16xf32>
      %max3A_287 = arith.maximumf %max3A_286, %gather3A_231 : vector<16xf32>
      %max3A_288 = arith.maximumf %max3A_287, %gather3A_238 : vector<16xf32>
      %max3A_289 = arith.maximumf %max3A_288, %gather3A_245 : vector<16xf32>
      %max3A_290 = arith.maximumf %max3A_289, %gather3A_252 : vector<16xf32>
      %max3A_291 = arith.maximumf %max3A_290, %gather3A_259 : vector<16xf32>
      %max3A_292 = arith.maximumf %max3A_291, %gather3A_266 : vector<16xf32>
      %max3A_293 = arith.maximumf %max3A_292, %gather3A_273 : vector<16xf32>
      %max3A_294 = arith.maximumf %max3A_293, %gather3A_280 : vector<16xf32>
      %sub3A_295 = arith.subf %gather3A, %max3A_294 : vector<16xf32>
      %exp3A = math.exp %sub3A_295 : vector<16xf32>
      %sub3A_296 = arith.subf %gather3A_182, %max3A_294 : vector<16xf32>
      %exp3A_297 = math.exp %sub3A_296 : vector<16xf32>
      %sub3A_298 = arith.subf %gather3A_189, %max3A_294 : vector<16xf32>
      %exp3A_299 = math.exp %sub3A_298 : vector<16xf32>
      %sub3A_300 = arith.subf %gather3A_196, %max3A_294 : vector<16xf32>
      %exp3A_301 = math.exp %sub3A_300 : vector<16xf32>
      %sub3A_302 = arith.subf %gather3A_203, %max3A_294 : vector<16xf32>
      %exp3A_303 = math.exp %sub3A_302 : vector<16xf32>
      %sub3A_304 = arith.subf %gather3A_210, %max3A_294 : vector<16xf32>
      %exp3A_305 = math.exp %sub3A_304 : vector<16xf32>
      %sub3A_306 = arith.subf %gather3A_217, %max3A_294 : vector<16xf32>
      %exp3A_307 = math.exp %sub3A_306 : vector<16xf32>
      %sub3A_308 = arith.subf %gather3A_224, %max3A_294 : vector<16xf32>
      %exp3A_309 = math.exp %sub3A_308 : vector<16xf32>
      %sub3A_310 = arith.subf %gather3A_231, %max3A_294 : vector<16xf32>
      %exp3A_311 = math.exp %sub3A_310 : vector<16xf32>
      %sub3A_312 = arith.subf %gather3A_238, %max3A_294 : vector<16xf32>
      %exp3A_313 = math.exp %sub3A_312 : vector<16xf32>
      %sub3A_314 = arith.subf %gather3A_245, %max3A_294 : vector<16xf32>
      %exp3A_315 = math.exp %sub3A_314 : vector<16xf32>
      %sub3A_316 = arith.subf %gather3A_252, %max3A_294 : vector<16xf32>
      %exp3A_317 = math.exp %sub3A_316 : vector<16xf32>
      %sub3A_318 = arith.subf %gather3A_259, %max3A_294 : vector<16xf32>
      %exp3A_319 = math.exp %sub3A_318 : vector<16xf32>
      %sub3A_320 = arith.subf %gather3A_266, %max3A_294 : vector<16xf32>
      %exp3A_321 = math.exp %sub3A_320 : vector<16xf32>
      %sub3A_322 = arith.subf %gather3A_273, %max3A_294 : vector<16xf32>
      %exp3A_323 = math.exp %sub3A_322 : vector<16xf32>
      %sub3A_324 = arith.subf %gather3A_280, %max3A_294 : vector<16xf32>
      %exp3A_325 = math.exp %sub3A_324 : vector<16xf32>
      %add3A_326 = arith.addf %exp3A, %exp3A_297 : vector<16xf32>
      %add3A_327 = arith.addf %add3A_326, %exp3A_299 : vector<16xf32>
      %add3A_328 = arith.addf %add3A_327, %exp3A_301 : vector<16xf32>
      %add3A_329 = arith.addf %add3A_328, %exp3A_303 : vector<16xf32>
      %add3A_330 = arith.addf %add3A_329, %exp3A_305 : vector<16xf32>
      %add3A_331 = arith.addf %add3A_330, %exp3A_307 : vector<16xf32>
      %add3A_332 = arith.addf %add3A_331, %exp3A_309 : vector<16xf32>
      %add3A_333 = arith.addf %add3A_332, %exp3A_311 : vector<16xf32>
      %add3A_334 = arith.addf %add3A_333, %exp3A_313 : vector<16xf32>
      %add3A_335 = arith.addf %add3A_334, %exp3A_315 : vector<16xf32>
      %add3A_336 = arith.addf %add3A_335, %exp3A_317 : vector<16xf32>
      %add3A_337 = arith.addf %add3A_336, %exp3A_319 : vector<16xf32>
      %add3A_338 = arith.addf %add3A_337, %exp3A_321 : vector<16xf32>
      %add3A_339 = arith.addf %add3A_338, %exp3A_323 : vector<16xf32>
      %add3A_340 = arith.addf %add3A_339, %exp3A_325 : vector<16xf32>
      %div3A_341 = arith.constant 1.000000e+00 : f32
      %div3A_342 = vector.broadcast %div3A_341 : f32 to vector<16xf32>
      %div3A_343 = arith.divf %div3A_342, %add3A_340 : vector<16xf32>
      %add3A_344 = arith.addf %exp3A_311, %exp3A_313 : vector<16xf32>
      %add3A_345 = arith.addf %add3A_344, %exp3A_315 : vector<16xf32>
      %add3A_346 = arith.addf %add3A_345, %exp3A_317 : vector<16xf32>
      %add3A_347 = arith.addf %add3A_346, %exp3A_319 : vector<16xf32>
      %add3A_348 = arith.addf %add3A_347, %exp3A_321 : vector<16xf32>
      %add3A_349 = arith.addf %add3A_348, %exp3A_323 : vector<16xf32>
      %add3A_350 = arith.addf %add3A_349, %exp3A_325 : vector<16xf32>
      %mul3A_351 = arith.mulf %add3A_350, %div3A_343 : vector<16xf32>
      %add3A_352 = arith.addf %exp3A_299, %exp3A_301 : vector<16xf32>
      %add3A_353 = arith.addf %add3A_352, %exp3A_307 : vector<16xf32>
      %add3A_354 = arith.addf %add3A_353, %exp3A_309 : vector<16xf32>
      %sub3A_355 = arith.subf %add3A_354, %exp3A_311 : vector<16xf32>
      %sub3A_356 = arith.subf %sub3A_355, %exp3A_313 : vector<16xf32>
      %sub3A_357 = arith.subf %sub3A_356, %exp3A_319 : vector<16xf32>
      %sub3A_358 = arith.subf %sub3A_357, %exp3A_321 : vector<16xf32>
      %mul3A_359 = arith.mulf %sub3A_358, %div3A_343 : vector<16xf32>
      %add3A_360 = arith.addf %exp3A_303, %exp3A_305 : vector<16xf32>
      %add3A_361 = arith.addf %add3A_360, %exp3A_307 : vector<16xf32>
      %add3A_362 = arith.addf %add3A_361, %exp3A_309 : vector<16xf32>
      %sub3A_363 = arith.subf %add3A_362, %exp3A_311 : vector<16xf32>
      %sub3A_364 = arith.subf %sub3A_363, %exp3A_313 : vector<16xf32>
      %sub3A_365 = arith.subf %sub3A_364, %exp3A_315 : vector<16xf32>
      %sub3A_366 = arith.subf %sub3A_365, %exp3A_317 : vector<16xf32>
      %mul3A_367 = arith.mulf %sub3A_366, %div3A_343 : vector<16xf32>
      %sub3A_368 = arith.subf %exp3A_297, %exp3A_299 : vector<16xf32>
      %sub3A_369 = arith.subf %sub3A_368, %exp3A_303 : vector<16xf32>
      %mul3A_370 = arith.constant 2.000000e+00 : f32
      %mul3A_371 = vector.broadcast %mul3A_370 : f32 to vector<16xf32>
      %mul3A_372 = arith.mulf %mul3A_371, %exp3A_307 : vector<16xf32>
      %sub3A_373 = arith.subf %sub3A_369, %mul3A_372 : vector<16xf32>
      %sub3A_374 = arith.subf %sub3A_373, %exp3A_309 : vector<16xf32>
      %add3A_375 = arith.addf %sub3A_374, %exp3A_311 : vector<16xf32>
      %mul3A_376 = arith.constant 2.000000e+00 : f32
      %mul3A_377 = vector.broadcast %mul3A_376 : f32 to vector<16xf32>
      %mul3A_378 = arith.mulf %mul3A_377, %exp3A_313 : vector<16xf32>
      %add3A_379 = arith.addf %add3A_375, %mul3A_378 : vector<16xf32>
      %add3A_380 = arith.addf %add3A_379, %exp3A_317 : vector<16xf32>
      %add3A_381 = arith.addf %add3A_380, %exp3A_321 : vector<16xf32>
      %sub3A_382 = arith.subf %add3A_381, %exp3A_323 : vector<16xf32>
      %mul3A_383 = arith.mulf %sub3A_382, %div3A_343 : vector<16xf32>
      %pack3A = tpu.pack_subelements %mul3A_351, %mul3A_359 {pack_format = #tpu.pack_format<interleaved>, positions = array<i32: 0, 1>} : vector<16xf32>, vector<16xf32> -> vector<32xbf16>
      %pack3A_384 = tpu.pack_subelements %mul3A_367, %mul3A_383 {pack_format = #tpu.pack_format<interleaved>, positions = array<i32: 0, 1>} : vector<16xf32>, vector<16xf32> -> vector<32xbf16>
      %bitcast3A = vector.bitcast %pack3A : vector<32xbf16> to vector<16xf32>
      %swap3A = arith.index_cast %mul3A_145 : i32 to index
      %swap3A_385 = tpu.vector_load %arg27[%swap3A] {strides = array<i32>} : memref<512xf32, #tpu.memory_space<vmem>>, vector<16xf32>,
      tpu.vector_store %arg27[%swap3A], %bitcast3A {strides = array<i32>} : memref<512xf32, #tpu.memory_space<vmem>>, vector<16xf32>,
      %bitcast3A_386 = vector.bitcast %pack3A_384 : vector<32xbf16> to vector<16xf32>
      %swap3A_387 = arith.index_cast %mul3A_145 : i32 to index
      %swap3A_388 = tpu.vector_load %arg28[%swap3A_387] {strides = array<i32>} : memref<512xf32, #tpu.memory_space<vmem>>, vector<16xf32>,
      tpu.vector_store %arg28[%swap3A_387], %bitcast3A_386 {strides = array<i32>} : memref<512xf32, #tpu.memory_space<vmem>>, vector<16xf32>,
    }
    %scan3A_76 = arith.constant 16 : i32
    %mul3A_77 = arith.constant 16 : i32
    %mul3A_78 = arith.muli %mul3A_67, %mul3A_77 : i32
    %add3A_79 = arith.constant 4096 : i32
    %add3A_80 = arith.addi %mul3A_78, %add3A_79 : i32
    "tpu.region"() ({
      %run_scoped3A_143 = tpu.sem_alloc : memref<!tpu.dma_semaphore, #tpu.memory_space<semaphore_mem>>
      %dma_start3A_144 = tpu.memref_slice %arg3[%add3A_80] : memref<131072xf32, #tpu.memory_space<hbm>> -> memref<4096xf32, #tpu.memory_space<hbm>>
      %dma_start3A_145 = tpu.memref_slice %arg3[%add3A_80] : memref<131072xf32, #tpu.memory_space<hbm>> -> memref<4096xf32, #tpu.memory_space<hbm>>
      tpu.enqueue_dma source(%dma_start3A_145 : memref<4096xf32, #tpu.memory_space<hbm>>) target(%arg26 : memref<4096xf32, #tpu.memory_space<vmem>>) target_semaphore(%run_scoped3A_143 : memref<!tpu.dma_semaphore, #tpu.memory_space<semaphore_mem>>)
      %dma_wait3A_146 = tpu.memref_slice %arg3[%add3A_80] : memref<131072xf32, #tpu.memory_space<hbm>> -> memref<4096xf32, #tpu.memory_space<hbm>>
      %dma_wait3A_147 = tpu.memref_slice %arg3[%add3A_80] : memref<131072xf32, #tpu.memory_space<hbm>> -> memref<4096xf32, #tpu.memory_space<hbm>>
      tpu.wait_dma2 semaphore(%run_scoped3A_143 : memref<!tpu.dma_semaphore, #tpu.memory_space<semaphore_mem>>) src(%dma_wait3A_147 : memref<4096xf32, #tpu.memory_space<hbm>>) dst(%arg26 : memref<4096xf32, #tpu.memory_space<vmem>>)
      tpu.yield
    }) : () -> ()
    %scan3A_81 = arith.constant 0 : i32
    %scan3A_82 = arith.constant 16 : i32
    %scan3A_83 = arith.constant 16 : i32
    %scan3A_84 = arith.addi %scan3A_82, %scan3A_83 : i32
    %scan3A_85 = arith.constant 1 : i32
    scf.for %scan3A_143 = %scan3A_82 to %scan3A_84 step %scan3A_85  : i32 {
      %mul3A_144 = arith.constant 16 : i32
      %mul3A_145 = arith.muli %scan3A_143, %mul3A_144 : i32
      %mul3A_146 = arith.constant 16 : i32
      %mul3A_147 = arith.muli %scan3A_143, %mul3A_146 : i32
      %jit3A = arith.constant 16 : i32
      %div3A = arith.divsi %scan3A_143, %jit3A : i32
      %sign3A = arith.constant 0 : i32
      %sign3A_148 = arith.cmpi sgt, %scan3A_143, %sign3A : i32
      %sign3A_149 = arith.extui %sign3A_148 : i1 to i32
      %sign3A_150 = arith.constant 0 : i32
      %sign3A_151 = arith.cmpi slt, %scan3A_143, %sign3A_150 : i32
      %sign3A_152 = arith.extui %sign3A_151 : i1 to i32
      %sign3A_153 = arith.subi %sign3A_149, %sign3A_152 : i32
      %sign3A_154 = arith.constant 0 : i32
      %sign3A_155 = arith.cmpi sgt, %jit3A, %sign3A_154 : i32
      %sign3A_156 = arith.extui %sign3A_155 : i1 to i32
      %sign3A_157 = arith.constant 0 : i32
      %sign3A_158 = arith.cmpi slt, %jit3A, %sign3A_157 : i32
      %sign3A_159 = arith.extui %sign3A_158 : i1 to i32
      %sign3A_160 = arith.subi %sign3A_156, %sign3A_159 : i32
      %ne3A = arith.cmpi ne, %sign3A_153, %sign3A_160 : i32
      %rem3A = arith.remsi %scan3A_143, %jit3A : i32
      %ne3A_161 = arith.constant 0 : i32
      %ne3A_162 = arith.cmpi ne, %rem3A, %ne3A_161 : i32
      %and3A = arith.andi %ne3A, %ne3A_162 : i1
      %sub3A = arith.constant 1 : i32
      %sub3A_163 = arith.subi %div3A, %sub3A : i32
      %select_n3A = arith.select %and3A, %sub3A_163, %div3A : i32
      %mul3A_164 = arith.constant 256 : i32
      %mul3A_165 = arith.muli %select_n3A, %mul3A_164 : i32
      %sub3A_166 = arith.subi %mul3A_147, %mul3A_165 : i32
      %iota3A = tpu.iota {dimensions = array<i32: 0>} : vector<16xi32>
      %mul3A_167 = arith.constant 16 : i32
      %mul3A_168 = vector.broadcast %mul3A_167 : i32 to vector<16xi32>
      %mul3A_169 = arith.muli %iota3A, %mul3A_168 : vector<16xi32>
      %mul3A_170 = arith.constant 16 : i32
      %mul3A_171 = arith.muli %sub3A_166, %mul3A_170 : i32
      %add3A_172 = arith.constant 0 : i32
      %add3A_173 = arith.addi %mul3A_171, %add3A_172 : i32
      %add3A_174 = vector.broadcast %add3A_173 : i32 to vector<16xi32>
      %add3A_175 = arith.addi %add3A_174, %mul3A_169 : vector<16xi32>
      %gather3A = tpu.vector_load_idx %arg26[%add3A_175] : memref<4096xf32, #tpu.memory_space<vmem>>[vector<16xi32>], vector<16xf32>,
      %mul3A_176 = arith.constant 16 : i32
      %mul3A_177 = arith.muli %sub3A_166, %mul3A_176 : i32
      %add3A_178 = arith.constant 1 : i32
      %add3A_179 = arith.addi %mul3A_177, %add3A_178 : i32
      %add3A_180 = vector.broadcast %add3A_179 : i32 to vector<16xi32>
      %add3A_181 = arith.addi %add3A_180, %mul3A_169 : vector<16xi32>
      %gather3A_182 = tpu.vector_load_idx %arg26[%add3A_181] : memref<4096xf32, #tpu.memory_space<vmem>>[vector<16xi32>], vector<16xf32>,
      %mul3A_183 = arith.constant 16 : i32
      %mul3A_184 = arith.muli %sub3A_166, %mul3A_183 : i32
      %add3A_185 = arith.constant 2 : i32
      %add3A_186 = arith.addi %mul3A_184, %add3A_185 : i32
      %add3A_187 = vector.broadcast %add3A_186 : i32 to vector<16xi32>
      %add3A_188 = arith.addi %add3A_187, %mul3A_169 : vector<16xi32>
      %gather3A_189 = tpu.vector_load_idx %arg26[%add3A_188] : memref<4096xf32, #tpu.memory_space<vmem>>[vector<16xi32>], vector<16xf32>,
      %mul3A_190 = arith.constant 16 : i32
      %mul3A_191 = arith.muli %sub3A_166, %mul3A_190 : i32
      %add3A_192 = arith.constant 3 : i32
      %add3A_193 = arith.addi %mul3A_191, %add3A_192 : i32
      %add3A_194 = vector.broadcast %add3A_193 : i32 to vector<16xi32>
      %add3A_195 = arith.addi %add3A_194, %mul3A_169 : vector<16xi32>
      %gather3A_196 = tpu.vector_load_idx %arg26[%add3A_195] : memref<4096xf32, #tpu.memory_space<vmem>>[vector<16xi32>], vector<16xf32>,
      %mul3A_197 = arith.constant 16 : i32
      %mul3A_198 = arith.muli %sub3A_166, %mul3A_197 : i32
      %add3A_199 = arith.constant 4 : i32
      %add3A_200 = arith.addi %mul3A_198, %add3A_199 : i32
      %add3A_201 = vector.broadcast %add3A_200 : i32 to vector<16xi32>
      %add3A_202 = arith.addi %add3A_201, %mul3A_169 : vector<16xi32>
      %gather3A_203 = tpu.vector_load_idx %arg26[%add3A_202] : memref<4096xf32, #tpu.memory_space<vmem>>[vector<16xi32>], vector<16xf32>,
      %mul3A_204 = arith.constant 16 : i32
      %mul3A_205 = arith.muli %sub3A_166, %mul3A_204 : i32
      %add3A_206 = arith.constant 5 : i32
      %add3A_207 = arith.addi %mul3A_205, %add3A_206 : i32
      %add3A_208 = vector.broadcast %add3A_207 : i32 to vector<16xi32>
      %add3A_209 = arith.addi %add3A_208, %mul3A_169 : vector<16xi32>
      %gather3A_210 = tpu.vector_load_idx %arg26[%add3A_209] : memref<4096xf32, #tpu.memory_space<vmem>>[vector<16xi32>], vector<16xf32>,
      %mul3A_211 = arith.constant 16 : i32
      %mul3A_212 = arith.muli %sub3A_166, %mul3A_211 : i32
      %add3A_213 = arith.constant 6 : i32
      %add3A_214 = arith.addi %mul3A_212, %add3A_213 : i32
      %add3A_215 = vector.broadcast %add3A_214 : i32 to vector<16xi32>
      %add3A_216 = arith.addi %add3A_215, %mul3A_169 : vector<16xi32>
      %gather3A_217 = tpu.vector_load_idx %arg26[%add3A_216] : memref<4096xf32, #tpu.memory_space<vmem>>[vector<16xi32>], vector<16xf32>,
      %mul3A_218 = arith.constant 16 : i32
      %mul3A_219 = arith.muli %sub3A_166, %mul3A_218 : i32
      %add3A_220 = arith.constant 7 : i32
      %add3A_221 = arith.addi %mul3A_219, %add3A_220 : i32
      %add3A_222 = vector.broadcast %add3A_221 : i32 to vector<16xi32>
      %add3A_223 = arith.addi %add3A_222, %mul3A_169 : vector<16xi32>
      %gather3A_224 = tpu.vector_load_idx %arg26[%add3A_223] : memref<4096xf32, #tpu.memory_space<vmem>>[vector<16xi32>], vector<16xf32>,
      %mul3A_225 = arith.constant 16 : i32
      %mul3A_226 = arith.muli %sub3A_166, %mul3A_225 : i32
      %add3A_227 = arith.constant 8 : i32
      %add3A_228 = arith.addi %mul3A_226, %add3A_227 : i32
      %add3A_229 = vector.broadcast %add3A_228 : i32 to vector<16xi32>
      %add3A_230 = arith.addi %add3A_229, %mul3A_169 : vector<16xi32>
      %gather3A_231 = tpu.vector_load_idx %arg26[%add3A_230] : memref<4096xf32, #tpu.memory_space<vmem>>[vector<16xi32>], vector<16xf32>,
      %mul3A_232 = arith.constant 16 : i32
      %mul3A_233 = arith.muli %sub3A_166, %mul3A_232 : i32
      %add3A_234 = arith.constant 9 : i32
      %add3A_235 = arith.addi %mul3A_233, %add3A_234 : i32
      %add3A_236 = vector.broadcast %add3A_235 : i32 to vector<16xi32>
      %add3A_237 = arith.addi %add3A_236, %mul3A_169 : vector<16xi32>
      %gather3A_238 = tpu.vector_load_idx %arg26[%add3A_237] : memref<4096xf32, #tpu.memory_space<vmem>>[vector<16xi32>], vector<16xf32>,
      %mul3A_239 = arith.constant 16 : i32
      %mul3A_240 = arith.muli %sub3A_166, %mul3A_239 : i32
      %add3A_241 = arith.constant 10 : i32
      %add3A_242 = arith.addi %mul3A_240, %add3A_241 : i32
      %add3A_243 = vector.broadcast %add3A_242 : i32 to vector<16xi32>
      %add3A_244 = arith.addi %add3A_243, %mul3A_169 : vector<16xi32>
      %gather3A_245 = tpu.vector_load_idx %arg26[%add3A_244] : memref<4096xf32, #tpu.memory_space<vmem>>[vector<16xi32>], vector<16xf32>,
      %mul3A_246 = arith.constant 16 : i32
      %mul3A_247 = arith.muli %sub3A_166, %mul3A_246 : i32
      %add3A_248 = arith.constant 11 : i32
      %add3A_249 = arith.addi %mul3A_247, %add3A_248 : i32
      %add3A_250 = vector.broadcast %add3A_249 : i32 to vector<16xi32>
      %add3A_251 = arith.addi %add3A_250, %mul3A_169 : vector<16xi32>
      %gather3A_252 = tpu.vector_load_idx %arg26[%add3A_251] : memref<4096xf32, #tpu.memory_space<vmem>>[vector<16xi32>], vector<16xf32>,
      %mul3A_253 = arith.constant 16 : i32
      %mul3A_254 = arith.muli %sub3A_166, %mul3A_253 : i32
      %add3A_255 = arith.constant 12 : i32
      %add3A_256 = arith.addi %mul3A_254, %add3A_255 : i32
      %add3A_257 = vector.broadcast %add3A_256 : i32 to vector<16xi32>
      %add3A_258 = arith.addi %add3A_257, %mul3A_169 : vector<16xi32>
      %gather3A_259 = tpu.vector_load_idx %arg26[%add3A_258] : memref<4096xf32, #tpu.memory_space<vmem>>[vector<16xi32>], vector<16xf32>,
      %mul3A_260 = arith.constant 16 : i32
      %mul3A_261 = arith.muli %sub3A_166, %mul3A_260 : i32
      %add3A_262 = arith.constant 13 : i32
      %add3A_263 = arith.addi %mul3A_261, %add3A_262 : i32
      %add3A_264 = vector.broadcast %add3A_263 : i32 to vector<16xi32>
      %add3A_265 = arith.addi %add3A_264, %mul3A_169 : vector<16xi32>
      %gather3A_266 = tpu.vector_load_idx %arg26[%add3A_265] : memref<4096xf32, #tpu.memory_space<vmem>>[vector<16xi32>], vector<16xf32>,
      %mul3A_267 = arith.constant 16 : i32
      %mul3A_268 = arith.muli %sub3A_166, %mul3A_267 : i32
      %add3A_269 = arith.constant 14 : i32
      %add3A_270 = arith.addi %mul3A_268, %add3A_269 : i32
      %add3A_271 = vector.broadcast %add3A_270 : i32 to vector<16xi32>
      %add3A_272 = arith.addi %add3A_271, %mul3A_169 : vector<16xi32>
      %gather3A_273 = tpu.vector_load_idx %arg26[%add3A_272] : memref<4096xf32, #tpu.memory_space<vmem>>[vector<16xi32>], vector<16xf32>,
      %mul3A_274 = arith.constant 16 : i32
      %mul3A_275 = arith.muli %sub3A_166, %mul3A_274 : i32
      %add3A_276 = arith.constant 15 : i32
      %add3A_277 = arith.addi %mul3A_275, %add3A_276 : i32
      %add3A_278 = vector.broadcast %add3A_277 : i32 to vector<16xi32>
      %add3A_279 = arith.addi %add3A_278, %mul3A_169 : vector<16xi32>
      %gather3A_280 = tpu.vector_load_idx %arg26[%add3A_279] : memref<4096xf32, #tpu.memory_space<vmem>>[vector<16xi32>], vector<16xf32>,
      %max3A = arith.maximumf %gather3A, %gather3A_182 : vector<16xf32>
      %max3A_281 = arith.maximumf %max3A, %gather3A_189 : vector<16xf32>
      %max3A_282 = arith.maximumf %max3A_281, %gather3A_196 : vector<16xf32>
      %max3A_283 = arith.maximumf %max3A_282, %gather3A_203 : vector<16xf32>
      %max3A_284 = arith.maximumf %max3A_283, %gather3A_210 : vector<16xf32>
      %max3A_285 = arith.maximumf %max3A_284, %gather3A_217 : vector<16xf32>
      %max3A_286 = arith.maximumf %max3A_285, %gather3A_224 : vector<16xf32>
      %max3A_287 = arith.maximumf %max3A_286, %gather3A_231 : vector<16xf32>
      %max3A_288 = arith.maximumf %max3A_287, %gather3A_238 : vector<16xf32>
      %max3A_289 = arith.maximumf %max3A_288, %gather3A_245 : vector<16xf32>
      %max3A_290 = arith.maximumf %max3A_289, %gather3A_252 : vector<16xf32>
      %max3A_291 = arith.maximumf %max3A_290, %gather3A_259 : vector<16xf32>
      %max3A_292 = arith.maximumf %max3A_291, %gather3A_266 : vector<16xf32>
      %max3A_293 = arith.maximumf %max3A_292, %gather3A_273 : vector<16xf32>
      %max3A_294 = arith.maximumf %max3A_293, %gather3A_280 : vector<16xf32>
      %sub3A_295 = arith.subf %gather3A, %max3A_294 : vector<16xf32>
      %exp3A = math.exp %sub3A_295 : vector<16xf32>
      %sub3A_296 = arith.subf %gather3A_182, %max3A_294 : vector<16xf32>
      %exp3A_297 = math.exp %sub3A_296 : vector<16xf32>
      %sub3A_298 = arith.subf %gather3A_189, %max3A_294 : vector<16xf32>
      %exp3A_299 = math.exp %sub3A_298 : vector<16xf32>
      %sub3A_300 = arith.subf %gather3A_196, %max3A_294 : vector<16xf32>
      %exp3A_301 = math.exp %sub3A_300 : vector<16xf32>
      %sub3A_302 = arith.subf %gather3A_203, %max3A_294 : vector<16xf32>
      %exp3A_303 = math.exp %sub3A_302 : vector<16xf32>
      %sub3A_304 = arith.subf %gather3A_210, %max3A_294 : vector<16xf32>
      %exp3A_305 = math.exp %sub3A_304 : vector<16xf32>
      %sub3A_306 = arith.subf %gather3A_217, %max3A_294 : vector<16xf32>
      %exp3A_307 = math.exp %sub3A_306 : vector<16xf32>
      %sub3A_308 = arith.subf %gather3A_224, %max3A_294 : vector<16xf32>
      %exp3A_309 = math.exp %sub3A_308 : vector<16xf32>
      %sub3A_310 = arith.subf %gather3A_231, %max3A_294 : vector<16xf32>
      %exp3A_311 = math.exp %sub3A_310 : vector<16xf32>
      %sub3A_312 = arith.subf %gather3A_238, %max3A_294 : vector<16xf32>
      %exp3A_313 = math.exp %sub3A_312 : vector<16xf32>
      %sub3A_314 = arith.subf %gather3A_245, %max3A_294 : vector<16xf32>
      %exp3A_315 = math.exp %sub3A_314 : vector<16xf32>
      %sub3A_316 = arith.subf %gather3A_252, %max3A_294 : vector<16xf32>
      %exp3A_317 = math.exp %sub3A_316 : vector<16xf32>
      %sub3A_318 = arith.subf %gather3A_259, %max3A_294 : vector<16xf32>
      %exp3A_319 = math.exp %sub3A_318 : vector<16xf32>
      %sub3A_320 = arith.subf %gather3A_266, %max3A_294 : vector<16xf32>
      %exp3A_321 = math.exp %sub3A_320 : vector<16xf32>
      %sub3A_322 = arith.subf %gather3A_273, %max3A_294 : vector<16xf32>
      %exp3A_323 = math.exp %sub3A_322 : vector<16xf32>
      %sub3A_324 = arith.subf %gather3A_280, %max3A_294 : vector<16xf32>
      %exp3A_325 = math.exp %sub3A_324 : vector<16xf32>
      %add3A_326 = arith.addf %exp3A, %exp3A_297 : vector<16xf32>
      %add3A_327 = arith.addf %add3A_326, %exp3A_299 : vector<16xf32>
      %add3A_328 = arith.addf %add3A_327, %exp3A_301 : vector<16xf32>
      %add3A_329 = arith.addf %add3A_328, %exp3A_303 : vector<16xf32>
      %add3A_330 = arith.addf %add3A_329, %exp3A_305 : vector<16xf32>
      %add3A_331 = arith.addf %add3A_330, %exp3A_307 : vector<16xf32>
      %add3A_332 = arith.addf %add3A_331, %exp3A_309 : vector<16xf32>
      %add3A_333 = arith.addf %add3A_332, %exp3A_311 : vector<16xf32>
      %add3A_334 = arith.addf %add3A_333, %exp3A_313 : vector<16xf32>
      %add3A_335 = arith.addf %add3A_334, %exp3A_315 : vector<16xf32>
      %add3A_336 = arith.addf %add3A_335, %exp3A_317 : vector<16xf32>
      %add3A_337 = arith.addf %add3A_336, %exp3A_319 : vector<16xf32>
      %add3A_338 = arith.addf %add3A_337, %exp3A_321 : vector<16xf32>
      %add3A_339 = arith.addf %add3A_338, %exp3A_323 : vector<16xf32>
      %add3A_340 = arith.addf %add3A_339, %exp3A_325 : vector<16xf32>
      %div3A_341 = arith.constant 1.000000e+00 : f32
      %div3A_342 = vector.broadcast %div3A_341 : f32 to vector<16xf32>
      %div3A_343 = arith.divf %div3A_342, %add3A_340 : vector<16xf32>
      %add3A_344 = arith.addf %exp3A_311, %exp3A_313 : vector<16xf32>
      %add3A_345 = arith.addf %add3A_344, %exp3A_315 : vector<16xf32>
      %add3A_346 = arith.addf %add3A_345, %exp3A_317 : vector<16xf32>
      %add3A_347 = arith.addf %add3A_346, %exp3A_319 : vector<16xf32>
      %add3A_348 = arith.addf %add3A_347, %exp3A_321 : vector<16xf32>
      %add3A_349 = arith.addf %add3A_348, %exp3A_323 : vector<16xf32>
      %add3A_350 = arith.addf %add3A_349, %exp3A_325 : vector<16xf32>
      %mul3A_351 = arith.mulf %add3A_350, %div3A_343 : vector<16xf32>
      %add3A_352 = arith.addf %exp3A_299, %exp3A_301 : vector<16xf32>
      %add3A_353 = arith.addf %add3A_352, %exp3A_307 : vector<16xf32>
      %add3A_354 = arith.addf %add3A_353, %exp3A_309 : vector<16xf32>
      %sub3A_355 = arith.subf %add3A_354, %exp3A_311 : vector<16xf32>
      %sub3A_356 = arith.subf %sub3A_355, %exp3A_313 : vector<16xf32>
      %sub3A_357 = arith.subf %sub3A_356, %exp3A_319 : vector<16xf32>
      %sub3A_358 = arith.subf %sub3A_357, %exp3A_321 : vector<16xf32>
      %mul3A_359 = arith.mulf %sub3A_358, %div3A_343 : vector<16xf32>
      %add3A_360 = arith.addf %exp3A_303, %exp3A_305 : vector<16xf32>
      %add3A_361 = arith.addf %add3A_360, %exp3A_307 : vector<16xf32>
      %add3A_362 = arith.addf %add3A_361, %exp3A_309 : vector<16xf32>
      %sub3A_363 = arith.subf %add3A_362, %exp3A_311 : vector<16xf32>
      %sub3A_364 = arith.subf %sub3A_363, %exp3A_313 : vector<16xf32>
      %sub3A_365 = arith.subf %sub3A_364, %exp3A_315 : vector<16xf32>
      %sub3A_366 = arith.subf %sub3A_365, %exp3A_317 : vector<16xf32>
      %mul3A_367 = arith.mulf %sub3A_366, %div3A_343 : vector<16xf32>
      %sub3A_368 = arith.subf %exp3A_297, %exp3A_299 : vector<16xf32>
      %sub3A_369 = arith.subf %sub3A_368, %exp3A_303 : vector<16xf32>
      %mul3A_370 = arith.constant 2.000000e+00 : f32
      %mul3A_371 = vector.broadcast %mul3A_370 : f32 to vector<16xf32>
      %mul3A_372 = arith.mulf %mul3A_371, %exp3A_307 : vector<16xf32>
      %sub3A_373 = arith.subf %sub3A_369, %mul3A_372 : vector<16xf32>
      %sub3A_374 = arith.subf %sub3A_373, %exp3A_309 : vector<16xf32>
      %add3A_375 = arith.addf %sub3A_374, %exp3A_311 : vector<16xf32>
      %mul3A_376 = arith.constant 2.000000e+00 : f32
      %mul3A_377 = vector.broadcast %mul3A_376 : f32 to vector<16xf32>
      %mul3A_378 = arith.mulf %mul3A_377, %exp3A_313 : vector<16xf32>
      %add3A_379 = arith.addf %add3A_375, %mul3A_378 : vector<16xf32>
      %add3A_380 = arith.addf %add3A_379, %exp3A_317 : vector<16xf32>
      %add3A_381 = arith.addf %add3A_380, %exp3A_321 : vector<16xf32>
      %sub3A_382 = arith.subf %add3A_381, %exp3A_323 : vector<16xf32>
      %mul3A_383 = arith.mulf %sub3A_382, %div3A_343 : vector<16xf32>
      %pack3A = tpu.pack_subelements %mul3A_351, %mul3A_359 {pack_format = #tpu.pack_format<interleaved>, positions = array<i32: 0, 1>} : vector<16xf32>, vector<16xf32> -> vector<32xbf16>
      %pack3A_384 = tpu.pack_subelements %mul3A_367, %mul3A_383 {pack_format = #tpu.pack_format<interleaved>, positions = array<i32: 0, 1>} : vector<16xf32>, vector<16xf32> -> vector<32xbf16>
      %bitcast3A = vector.bitcast %pack3A : vector<32xbf16> to vector<16xf32>
      %swap3A = arith.index_cast %mul3A_145 : i32 to index
      %swap3A_385 = tpu.vector_load %arg27[%swap3A] {strides = array<i32>} : memref<512xf32, #tpu.memory_space<vmem>>, vector<16xf32>,
      tpu.vector_store %arg27[%swap3A], %bitcast3A {strides = array<i32>} : memref<512xf32, #tpu.memory_space<vmem>>, vector<16xf32>,
      %bitcast3A_386 = vector.bitcast %pack3A_384 : vector<32xbf16> to vector<16xf32>
      %swap3A_387 = arith.index_cast %mul3A_145 : i32 to index
      %swap3A_388 = tpu.vector_load %arg28[%swap3A_387] {strides = array<i32>} : memref<512xf32, #tpu.memory_space<vmem>>, vector<16xf32>,
      tpu.vector_store %arg28[%swap3A_387], %bitcast3A_386 {strides = array<i32>} : memref<512xf32, #tpu.memory_space<vmem>>, vector<16xf32>,
    }
    %scan3A_86 = arith.constant 16 : i32
    %run_scoped3A = arith.constant 0 : i32
    "tpu.region"() ({
      %run_scoped3A_143 = tpu.sem_alloc : memref<!tpu.dma_semaphore, #tpu.memory_space<semaphore_mem>>
      %dma_start3A_144 = tpu.memref_slice %arg6[%arg0, %run_scoped3A, %mul3A_67] : memref<2x2x8192xf32, #tpu.memory_space<hbm>> -> memref<1x1x512xf32, #tpu.memory_space<hbm>>
      %dma_start3A_145 = tpu.memref_squeeze %dma_start3A_144 : memref<1x1x512xf32, #tpu.memory_space<hbm>> -> memref<512xf32, #tpu.memory_space<hbm>>
      %dma_start3A_146 = tpu.memref_slice %arg6[%arg0, %run_scoped3A, %mul3A_67] : memref<2x2x8192xf32, #tpu.memory_space<hbm>> -> memref<1x1x512xf32, #tpu.memory_space<hbm>>
      %dma_start3A_147 = tpu.memref_squeeze %dma_start3A_146 : memref<1x1x512xf32, #tpu.memory_space<hbm>> -> memref<512xf32, #tpu.memory_space<hbm>>
      tpu.enqueue_dma source(%arg27 : memref<512xf32, #tpu.memory_space<vmem>>) target(%dma_start3A_147 : memref<512xf32, #tpu.memory_space<hbm>>) target_semaphore(%run_scoped3A_143 : memref<!tpu.dma_semaphore, #tpu.memory_space<semaphore_mem>>)
      %dma_wait3A_148 = tpu.memref_slice %arg6[%arg0, %run_scoped3A, %mul3A_67] : memref<2x2x8192xf32, #tpu.memory_space<hbm>> -> memref<1x1x512xf32, #tpu.memory_space<hbm>>
      %dma_wait3A_149 = tpu.memref_squeeze %dma_wait3A_148 : memref<1x1x512xf32, #tpu.memory_space<hbm>> -> memref<512xf32, #tpu.memory_space<hbm>>
      %dma_wait3A_150 = tpu.memref_slice %arg6[%arg0, %run_scoped3A, %mul3A_67] : memref<2x2x8192xf32, #tpu.memory_space<hbm>> -> memref<1x1x512xf32, #tpu.memory_space<hbm>>
      %dma_wait3A_151 = tpu.memref_squeeze %dma_wait3A_150 : memref<1x1x512xf32, #tpu.memory_space<hbm>> -> memref<512xf32, #tpu.memory_space<hbm>>
      tpu.wait_dma2 semaphore(%run_scoped3A_143 : memref<!tpu.dma_semaphore, #tpu.memory_space<semaphore_mem>>) src(%arg27 : memref<512xf32, #tpu.memory_space<vmem>>) dst(%dma_wait3A_151 : memref<512xf32, #tpu.memory_space<hbm>>)
      tpu.yield
    }) : () -> ()
    %run_scoped3A_87 = arith.constant 1 : i32
    "tpu.region"() ({
      %run_scoped3A_143 = tpu.sem_alloc : memref<!tpu.dma_semaphore, #tpu.memory_space<semaphore_mem>>
      %dma_start3A_144 = tpu.memref_slice %arg6[%arg0, %run_scoped3A_87, %mul3A_67] : memref<2x2x8192xf32, #tpu.memory_space<hbm>> -> memref<1x1x512xf32, #tpu.memory_space<hbm>>
      %dma_start3A_145 = tpu.memref_squeeze %dma_start3A_144 : memref<1x1x512xf32, #tpu.memory_space<hbm>> -> memref<512xf32, #tpu.memory_space<hbm>>
      %dma_start3A_146 = tpu.memref_slice %arg6[%arg0, %run_scoped3A_87, %mul3A_67] : memref<2x2x8192xf32, #tpu.memory_space<hbm>> -> memref<1x1x512xf32, #tpu.memory_space<hbm>>
      %dma_start3A_147 = tpu.memref_squeeze %dma_start3A_146 : memref<1x1x512xf32, #tpu.memory_space<hbm>> -> memref<512xf32, #tpu.memory_space<hbm>>
      tpu.enqueue_dma source(%arg28 : memref<512xf32, #tpu.memory_space<vmem>>) target(%dma_start3A_147 : memref<512xf32, #tpu.memory_space<hbm>>) target_semaphore(%run_scoped3A_143 : memref<!tpu.dma_semaphore, #tpu.memory_space<semaphore_mem>>)
      %dma_wait3A_148 = tpu.memref_slice %arg6[%arg0, %run_scoped3A_87, %mul3A_67] : memref<2x2x8192xf32, #tpu.memory_space<hbm>> -> memref<1x1x512xf32, #tpu.memory_space<hbm>>
      %dma_wait3A_149 = tpu.memref_squeeze %dma_wait3A_148 : memref<1x1x512xf32, #tpu.memory_space<hbm>> -> memref<512xf32, #tpu.memory_space<hbm>>
      %dma_wait3A_150 = tpu.memref_slice %arg6[%arg0, %run_scoped3A_87, %mul3A_67] : memref<2x2x8192xf32, #tpu.memory_space<hbm>> -> memref<1x1x512xf32, #tpu.memory_space<hbm>>
      %dma_wait3A_151 = tpu.memref_squeeze %dma_wait3A_150 : memref<1x1x512xf32, #tpu.memory_space<hbm>> -> memref<512xf32, #tpu.memory_space<hbm>>
      tpu.wait_dma2 semaphore(%run_scoped3A_143 : memref<!tpu.dma_semaphore, #tpu.memory_space<semaphore_mem>>) src(%arg28 : memref<512xf32, #tpu.memory_space<vmem>>) dst(%dma_wait3A_151 : memref<512xf32, #tpu.memory_space<hbm>>)
      tpu.yield
    }) : () -> ()
    %barrier3A = arith.constant 0 : index
    tpu.barrier barrier_id(%barrier3A)
    %run_scoped3A_88 = arith.constant 0 : i32
    "tpu.region"() ({
      %run_scoped3A_143 = tpu.sem_alloc : memref<!tpu.dma_semaphore, #tpu.memory_space<semaphore_mem>>
      %dma_start3A_144 = arith.constant 0 : i32
      %dma_start3A_145 = tpu.memref_slice %arg6[%arg0, %run_scoped3A_88, %dma_start3A_144] : memref<2x2x8192xf32, #tpu.memory_space<hbm>> -> memref<1x1x8192xf32, #tpu.memory_space<hbm>>
      %dma_start3A_146 = tpu.memref_squeeze %dma_start3A_145 : memref<1x1x8192xf32, #tpu.memory_space<hbm>> -> memref<8192xf32, #tpu.memory_space<hbm>>
      %dma_start3A_147 = arith.constant 0 : i32
      %dma_start3A_148 = tpu.memref_slice %arg6[%arg0, %run_scoped3A_88, %dma_start3A_147] : memref<2x2x8192xf32, #tpu.memory_space<hbm>> -> memref<1x1x8192xf32, #tpu.memory_space<hbm>>
      %dma_start3A_149 = tpu.memref_squeeze %dma_start3A_148 : memref<1x1x8192xf32, #tpu.memory_space<hbm>> -> memref<8192xf32, #tpu.memory_space<hbm>>
      tpu.enqueue_dma source(%dma_start3A_149 : memref<8192xf32, #tpu.memory_space<hbm>>) target(%arg24 : memref<8192xf32, #tpu.memory_space<vmem>>) target_semaphore(%run_scoped3A_143 : memref<!tpu.dma_semaphore, #tpu.memory_space<semaphore_mem>>)
      %dma_wait3A_150 = arith.constant 0 : i32
      %dma_wait3A_151 = tpu.memref_slice %arg6[%arg0, %run_scoped3A_88, %dma_wait3A_150] : memref<2x2x8192xf32, #tpu.memory_space<hbm>> -> memref<1x1x8192xf32, #tpu.memory_space<hbm>>
      %dma_wait3A_152 = tpu.memref_squeeze %dma_wait3A_151 : memref<1x1x8192xf32, #tpu.memory_space<hbm>> -> memref<8192xf32, #tpu.memory_space<hbm>>
      %dma_wait3A_153 = arith.constant 0 : i32
      %dma_wait3A_154 = tpu.memref_slice %arg6[%arg0, %run_scoped3A_88, %dma_wait3A_153] : memref<2x2x8192xf32, #tpu.memory_space<hbm>> -> memref<1x1x8192xf32, #tpu.memory_space<hbm>>
      %dma_wait3A_155 = tpu.memref_squeeze %dma_wait3A_154 : memref<1x1x8192xf32, #tpu.memory_space<hbm>> -> memref<8192xf32, #tpu.memory_space<hbm>>
      tpu.wait_dma2 semaphore(%run_scoped3A_143 : memref<!tpu.dma_semaphore, #tpu.memory_space<semaphore_mem>>) src(%dma_wait3A_155 : memref<8192xf32, #tpu.memory_space<hbm>>) dst(%arg24 : memref<8192xf32, #tpu.memory_space<vmem>>)
      tpu.yield
    }) : () -> ()
    %run_scoped3A_89 = arith.constant 1 : i32
    "tpu.region"() ({
      %run_scoped3A_143 = tpu.sem_alloc : memref<!tpu.dma_semaphore, #tpu.memory_space<semaphore_mem>>
      %dma_start3A_144 = arith.constant 0 : i32
      %dma_start3A_145 = tpu.memref_slice %arg6[%arg0, %run_scoped3A_89, %dma_start3A_144] : memref<2x2x8192xf32, #tpu.memory_space<hbm>> -> memref<1x1x8192xf32, #tpu.memory_space<hbm>>
      %dma_start3A_146 = tpu.memref_squeeze %dma_start3A_145 : memref<1x1x8192xf32, #tpu.memory_space<hbm>> -> memref<8192xf32, #tpu.memory_space<hbm>>
      %dma_start3A_147 = arith.constant 0 : i32
      %dma_start3A_148 = tpu.memref_slice %arg6[%arg0, %run_scoped3A_89, %dma_start3A_147] : memref<2x2x8192xf32, #tpu.memory_space<hbm>> -> memref<1x1x8192xf32, #tpu.memory_space<hbm>>
      %dma_start3A_149 = tpu.memref_squeeze %dma_start3A_148 : memref<1x1x8192xf32, #tpu.memory_space<hbm>> -> memref<8192xf32, #tpu.memory_space<hbm>>
      tpu.enqueue_dma source(%dma_start3A_149 : memref<8192xf32, #tpu.memory_space<hbm>>) target(%arg25 : memref<8192xf32, #tpu.memory_space<vmem>>) target_semaphore(%run_scoped3A_143 : memref<!tpu.dma_semaphore, #tpu.memory_space<semaphore_mem>>)
      %dma_wait3A_150 = arith.constant 0 : i32
      %dma_wait3A_151 = tpu.memref_slice %arg6[%arg0, %run_scoped3A_89, %dma_wait3A_150] : memref<2x2x8192xf32, #tpu.memory_space<hbm>> -> memref<1x1x8192xf32, #tpu.memory_space<hbm>>
      %dma_wait3A_152 = tpu.memref_squeeze %dma_wait3A_151 : memref<1x1x8192xf32, #tpu.memory_space<hbm>> -> memref<8192xf32, #tpu.memory_space<hbm>>
      %dma_wait3A_153 = arith.constant 0 : i32
      %dma_wait3A_154 = tpu.memref_slice %arg6[%arg0, %run_scoped3A_89, %dma_wait3A_153] : memref<2x2x8192xf32, #tpu.memory_space<hbm>> -> memref<1x1x8192xf32, #tpu.memory_space<hbm>>
      %dma_wait3A_155 = tpu.memref_squeeze %dma_wait3A_154 : memref<1x1x8192xf32, #tpu.memory_space<hbm>> -> memref<8192xf32, #tpu.memory_space<hbm>>
      tpu.wait_dma2 semaphore(%run_scoped3A_143 : memref<!tpu.dma_semaphore, #tpu.memory_space<semaphore_mem>>) src(%dma_wait3A_155 : memref<8192xf32, #tpu.memory_space<hbm>>) dst(%arg25 : memref<8192xf32, #tpu.memory_space<vmem>>)
      tpu.yield
    }) : () -> ()
    tpu.wait_dma2 semaphore(%arg45 : memref<!tpu.dma_semaphore, #tpu.memory_space<semaphore_mem>>) src(%arg4 : memref<8192xi32, #tpu.memory_space<hbm>>) dst(%arg23 : memref<8192xi32, #tpu.memory_space<vmem>>)
    %scan3A_90 = arith.constant 0 : i32
    %scan3A_91 = arith.constant 0 : i32
    %scan3A_92 = arith.constant 8 : i32
    %scan3A_93 = arith.addi %scan3A_91, %scan3A_92 : i32
    %scan3A_94 = arith.constant 1 : i32
    scf.for %scan3A_143 = %scan3A_91 to %scan3A_93 step %scan3A_94  : i32 {
      %mul3A_144 = arith.constant 2 : i32
      %mul3A_145 = arith.muli %mul3A_144, %scan3A_143 : i32
      %add3A_146 = arith.constant 0 : i32
      %add3A_147 = arith.addi %mul3A_145, %add3A_146 : i32
      %dma_wait3A_148 = arith.constant 0 : i32
      %dma_wait3A_149 = tpu.memref_slice %arg2[%mul3A_2, %dma_wait3A_148] : memref<2048x8192xf32, #tpu.memory_space<hbm>> -> memref<1x8192xf32, #tpu.memory_space<hbm>>
      %dma_wait3A_150 = tpu.memref_squeeze %dma_wait3A_149 : memref<1x8192xf32, #tpu.memory_space<hbm>> -> memref<8192xf32, #tpu.memory_space<hbm>>
      %dma_wait3A_151 = arith.constant 0 : i32
      %dma_wait3A_152 = tpu.memref_slice %arg2[%mul3A_2, %dma_wait3A_151] : memref<2048x8192xf32, #tpu.memory_space<hbm>> -> memref<1x8192xf32, #tpu.memory_space<hbm>>
      %dma_wait3A_153 = tpu.memref_squeeze %dma_wait3A_152 : memref<1x8192xf32, #tpu.memory_space<hbm>> -> memref<8192xf32, #tpu.memory_space<hbm>>
      tpu.wait_dma2 semaphore(%arg29 : memref<!tpu.dma_semaphore, #tpu.memory_space<semaphore_mem>>) src(%dma_wait3A_153 : memref<8192xf32, #tpu.memory_space<hbm>>) dst(%arg7 : memref<8192xf32, #tpu.memory_space<vmem>>)
      %dma_wait3A_154 = arith.constant 0 : i32
      %dma_wait3A_155 = tpu.memref_slice %arg2[%mul3A_2, %dma_wait3A_154] : memref<2048x8192xf32, #tpu.memory_space<hbm>> -> memref<1x8192xf32, #tpu.memory_space<hbm>>
      %dma_wait3A_156 = tpu.memref_squeeze %dma_wait3A_155 : memref<1x8192xf32, #tpu.memory_space<hbm>> -> memref<8192xf32, #tpu.memory_space<hbm>>
      %dma_wait3A_157 = arith.constant 0 : i32
      %dma_wait3A_158 = tpu.memref_slice %arg2[%mul3A_2, %dma_wait3A_157] : memref<2048x8192xf32, #tpu.memory_space<hbm>> -> memref<1x8192xf32, #tpu.memory_space<hbm>>
      %dma_wait3A_159 = tpu.memref_squeeze %dma_wait3A_158 : memref<1x8192xf32, #tpu.memory_space<hbm>> -> memref<8192xf32, #tpu.memory_space<hbm>>
      tpu.wait_dma2 semaphore(%arg30 : memref<!tpu.dma_semaphore, #tpu.memory_space<semaphore_mem>>) src(%dma_wait3A_159 : memref<8192xf32, #tpu.memory_space<hbm>>) dst(%arg8 : memref<8192xf32, #tpu.memory_space<vmem>>)
      %dma_wait3A_160 = arith.constant 0 : i32
      %dma_wait3A_161 = tpu.memref_slice %arg2[%mul3A_2, %dma_wait3A_160] : memref<2048x8192xf32, #tpu.memory_space<hbm>> -> memref<1x8192xf32, #tpu.memory_space<hbm>>
      %dma_wait3A_162 = tpu.memref_squeeze %dma_wait3A_161 : memref<1x8192xf32, #tpu.memory_space<hbm>> -> memref<8192xf32, #tpu.memory_space<hbm>>
      %dma_wait3A_163 = arith.constant 0 : i32
      %dma_wait3A_164 = tpu.memref_slice %arg2[%mul3A_2, %dma_wait3A_163] : memref<2048x8192xf32, #tpu.memory_space<hbm>> -> memref<1x8192xf32, #tpu.memory_space<hbm>>
      %dma_wait3A_165 = tpu.memref_squeeze %dma_wait3A_164 : memref<1x8192xf32, #tpu.memory_space<hbm>> -> memref<8192xf32, #tpu.memory_space<hbm>>
      tpu.wait_dma2 semaphore(%arg31 : memref<!tpu.dma_semaphore, #tpu.memory_space<semaphore_mem>>) src(%dma_wait3A_165 : memref<8192xf32, #tpu.memory_space<hbm>>) dst(%arg9 : memref<8192xf32, #tpu.memory_space<vmem>>)
      %dma_wait3A_166 = arith.constant 0 : i32
      %dma_wait3A_167 = tpu.memref_slice %arg2[%mul3A_2, %dma_wait3A_166] : memref<2048x8192xf32, #tpu.memory_space<hbm>> -> memref<1x8192xf32, #tpu.memory_space<hbm>>
      %dma_wait3A_168 = tpu.memref_squeeze %dma_wait3A_167 : memref<1x8192xf32, #tpu.memory_space<hbm>> -> memref<8192xf32, #tpu.memory_space<hbm>>
      %dma_wait3A_169 = arith.constant 0 : i32
      %dma_wait3A_170 = tpu.memref_slice %arg2[%mul3A_2, %dma_wait3A_169] : memref<2048x8192xf32, #tpu.memory_space<hbm>> -> memref<1x8192xf32, #tpu.memory_space<hbm>>
      %dma_wait3A_171 = tpu.memref_squeeze %dma_wait3A_170 : memref<1x8192xf32, #tpu.memory_space<hbm>> -> memref<8192xf32, #tpu.memory_space<hbm>>
      tpu.wait_dma2 semaphore(%arg32 : memref<!tpu.dma_semaphore, #tpu.memory_space<semaphore_mem>>) src(%dma_wait3A_171 : memref<8192xf32, #tpu.memory_space<hbm>>) dst(%arg10 : memref<8192xf32, #tpu.memory_space<vmem>>)
      %ge3A = arith.constant 1 : i32
      %ge3A_172 = arith.cmpi sge, %add3A_147, %ge3A : i32
      %convert_element_type3A = arith.extui %ge3A_172 : i1 to i32
      %cond3A = arith.constant 0 : i32
      %cond3A_173 = arith.cmpi ne, %convert_element_type3A, %cond3A : i32
      scf.if %cond3A_173 {
        %dma_wait3A_413 = arith.constant 0 : i32
        %dma_wait3A_414 = tpu.memref_slice %arg5[%mul3A_2, %dma_wait3A_413] : memref<2048x8192xf32, #tpu.memory_space<hbm>> -> memref<1x4096xf32, #tpu.memory_space<hbm>>
        %dma_wait3A_415 = tpu.memref_squeeze %dma_wait3A_414 : memref<1x4096xf32, #tpu.memory_space<hbm>> -> memref<4096xf32, #tpu.memory_space<hbm>>
        %dma_wait3A_416 = arith.constant 0 : i32
        %dma_wait3A_417 = tpu.memref_slice %arg5[%mul3A_2, %dma_wait3A_416] : memref<2048x8192xf32, #tpu.memory_space<hbm>> -> memref<1x4096xf32, #tpu.memory_space<hbm>>
        %dma_wait3A_418 = tpu.memref_squeeze %dma_wait3A_417 : memref<1x4096xf32, #tpu.memory_space<hbm>> -> memref<4096xf32, #tpu.memory_space<hbm>>
        tpu.wait_dma2 semaphore(%arg37 : memref<!tpu.dma_semaphore, #tpu.memory_space<semaphore_mem>>) src(%arg15 : memref<4096xf32, #tpu.memory_space<vmem>>) dst(%dma_wait3A_418 : memref<4096xf32, #tpu.memory_space<hbm>>)
        %dma_wait3A_419 = arith.constant 0 : i32
        %dma_wait3A_420 = tpu.memref_slice %arg5[%mul3A_2, %dma_wait3A_419] : memref<2048x8192xf32, #tpu.memory_space<hbm>> -> memref<1x4096xf32, #tpu.memory_space<hbm>>
        %dma_wait3A_421 = tpu.memref_squeeze %dma_wait3A_420 : memref<1x4096xf32, #tpu.memory_space<hbm>> -> memref<4096xf32, #tpu.memory_space<hbm>>
        %dma_wait3A_422 = arith.constant 0 : i32
        %dma_wait3A_423 = tpu.memref_slice %arg5[%mul3A_2, %dma_wait3A_422] : memref<2048x8192xf32, #tpu.memory_space<hbm>> -> memref<1x4096xf32, #tpu.memory_space<hbm>>
        %dma_wait3A_424 = tpu.memref_squeeze %dma_wait3A_423 : memref<1x4096xf32, #tpu.memory_space<hbm>> -> memref<4096xf32, #tpu.memory_space<hbm>>
        tpu.wait_dma2 semaphore(%arg39 : memref<!tpu.dma_semaphore, #tpu.memory_space<semaphore_mem>>) src(%arg17 : memref<4096xf32, #tpu.memory_space<vmem>>) dst(%dma_wait3A_424 : memref<4096xf32, #tpu.memory_space<hbm>>)
        %dma_wait3A_425 = arith.constant 0 : i32
        %dma_wait3A_426 = tpu.memref_slice %arg5[%mul3A_2, %dma_wait3A_425] : memref<2048x8192xf32, #tpu.memory_space<hbm>> -> memref<1x4096xf32, #tpu.memory_space<hbm>>
        %dma_wait3A_427 = tpu.memref_squeeze %dma_wait3A_426 : memref<1x4096xf32, #tpu.memory_space<hbm>> -> memref<4096xf32, #tpu.memory_space<hbm>>
        %dma_wait3A_428 = arith.constant 0 : i32
        %dma_wait3A_429 = tpu.memref_slice %arg5[%mul3A_2, %dma_wait3A_428] : memref<2048x8192xf32, #tpu.memory_space<hbm>> -> memref<1x4096xf32, #tpu.memory_space<hbm>>
        %dma_wait3A_430 = tpu.memref_squeeze %dma_wait3A_429 : memref<1x4096xf32, #tpu.memory_space<hbm>> -> memref<4096xf32, #tpu.memory_space<hbm>>
        tpu.wait_dma2 semaphore(%arg41 : memref<!tpu.dma_semaphore, #tpu.memory_space<semaphore_mem>>) src(%arg19 : memref<4096xf32, #tpu.memory_space<vmem>>) dst(%dma_wait3A_430 : memref<4096xf32, #tpu.memory_space<hbm>>)
        %dma_wait3A_431 = arith.constant 0 : i32
        %dma_wait3A_432 = tpu.memref_slice %arg5[%mul3A_2, %dma_wait3A_431] : memref<2048x8192xf32, #tpu.memory_space<hbm>> -> memref<1x4096xf32, #tpu.memory_space<hbm>>
        %dma_wait3A_433 = tpu.memref_squeeze %dma_wait3A_432 : memref<1x4096xf32, #tpu.memory_space<hbm>> -> memref<4096xf32, #tpu.memory_space<hbm>>
        %dma_wait3A_434 = arith.constant 0 : i32
        %dma_wait3A_435 = tpu.memref_slice %arg5[%mul3A_2, %dma_wait3A_434] : memref<2048x8192xf32, #tpu.memory_space<hbm>> -> memref<1x4096xf32, #tpu.memory_space<hbm>>
        %dma_wait3A_436 = tpu.memref_squeeze %dma_wait3A_435 : memref<1x4096xf32, #tpu.memory_space<hbm>> -> memref<4096xf32, #tpu.memory_space<hbm>>
        tpu.wait_dma2 semaphore(%arg43 : memref<!tpu.dma_semaphore, #tpu.memory_space<semaphore_mem>>) src(%arg21 : memref<4096xf32, #tpu.memory_space<vmem>>) dst(%dma_wait3A_436 : memref<4096xf32, #tpu.memory_space<hbm>>)
      } else {
      }
      %parallel_loop3A = arith.constant 0 : i32
      %parallel_loop3A_174 = arith.constant 256 : i32
      %parallel_loop3A_175 = arith.constant 1 : i32
      scf.for %parallel_loop3A_413 = %parallel_loop3A to %parallel_loop3A_174 step %parallel_loop3A_175  : i32 {
        %parallel_loop3A_414 = arith.constant 16 : i32
        %parallel_loop3A_415 = arith.muli %parallel_loop3A_413, %parallel_loop3A_414 : i32
        %parallel_loop3A_416 = arith.constant 0 : i32
        %parallel_loop3A_417 = arith.addi %parallel_loop3A_416, %parallel_loop3A_415 : i32
        %parallel_loop3A_418 = arith.index_cast %parallel_loop3A_417 : i32 to index
        %parallel_loop3A_419 = tpu.vector_load %arg23[%parallel_loop3A_418] {strides = array<i32>} : memref<8192xi32, #tpu.memory_space<vmem>>, vector<16xi32>,
        %parallel_loop3A_420 = arith.constant 65535 : i32
        %parallel_loop3A_421 = vector.broadcast %parallel_loop3A_420 : i32 to vector<16xi32>
        %parallel_loop3A_422 = arith.andi %parallel_loop3A_419, %parallel_loop3A_421 : vector<16xi32>
        %parallel_loop3A_423 = arith.constant 16 : i32
        %parallel_loop3A_424 = vector.broadcast %parallel_loop3A_423 : i32 to vector<16xi32>
        %parallel_loop3A_425 = arith.shrui %parallel_loop3A_419, %parallel_loop3A_424 : vector<16xi32>
        %parallel_loop3A_426 = arith.index_cast %parallel_loop3A_417 : i32 to index
        %parallel_loop3A_427 = tpu.vector_load %arg24[%parallel_loop3A_426] {strides = array<i32>} : memref<8192xf32, #tpu.memory_space<vmem>>, vector<16xf32>,
        %parallel_loop3A_428 = vector.bitcast %parallel_loop3A_427 : vector<16xf32> to vector<32xbf16>
        %parallel_loop3A_429 = arith.index_cast %parallel_loop3A_417 : i32 to index
        %parallel_loop3A_430 = tpu.vector_load %arg25[%parallel_loop3A_429] {strides = array<i32>} : memref<8192xf32, #tpu.memory_space<vmem>>, vector<16xf32>,
        %parallel_loop3A_431 = vector.bitcast %parallel_loop3A_430 : vector<16xf32> to vector<32xbf16>
        %parallel_loop3A_432 = tpu.unpack_subelements %parallel_loop3A_428, 0 {pack_format = #tpu.pack_format<interleaved>} : vector<32xbf16> -> vector<16xf32>
        %parallel_loop3A_433 = tpu.unpack_subelements %parallel_loop3A_428, 1 {pack_format = #tpu.pack_format<interleaved>} : vector<32xbf16> -> vector<16xf32>
        %parallel_loop3A_434 = tpu.unpack_subelements %parallel_loop3A_431, 0 {pack_format = #tpu.pack_format<interleaved>} : vector<32xbf16> -> vector<16xf32>
        %parallel_loop3A_435 = tpu.unpack_subelements %parallel_loop3A_431, 1 {pack_format = #tpu.pack_format<interleaved>} : vector<32xbf16> -> vector<16xf32>
        %parallel_loop3A_436 = tpu.vector_load_idx %arg7[%parallel_loop3A_422] : memref<8192xf32, #tpu.memory_space<vmem>>[vector<16xi32>], vector<16xf32>,
        %parallel_loop3A_437 = tpu.vector_load_idx %arg7[%parallel_loop3A_425] : memref<8192xf32, #tpu.memory_space<vmem>>[vector<16xi32>], vector<16xf32>,
        %parallel_loop3A_438 = tpu.vector_load_idx %arg8[%parallel_loop3A_422] : memref<8192xf32, #tpu.memory_space<vmem>>[vector<16xi32>], vector<16xf32>,
        %parallel_loop3A_439 = tpu.vector_load_idx %arg8[%parallel_loop3A_425] : memref<8192xf32, #tpu.memory_space<vmem>>[vector<16xi32>], vector<16xf32>,
        %parallel_loop3A_440 = tpu.vector_load_idx %arg9[%parallel_loop3A_422] : memref<8192xf32, #tpu.memory_space<vmem>>[vector<16xi32>], vector<16xf32>,
        %parallel_loop3A_441 = tpu.vector_load_idx %arg9[%parallel_loop3A_425] : memref<8192xf32, #tpu.memory_space<vmem>>[vector<16xi32>], vector<16xf32>,
        %parallel_loop3A_442 = tpu.vector_load_idx %arg10[%parallel_loop3A_422] : memref<8192xf32, #tpu.memory_space<vmem>>[vector<16xi32>], vector<16xf32>,
        %parallel_loop3A_443 = tpu.vector_load_idx %arg10[%parallel_loop3A_425] : memref<8192xf32, #tpu.memory_space<vmem>>[vector<16xi32>], vector<16xf32>,
        %parallel_loop3A_444 = arith.mulf %parallel_loop3A_433, %parallel_loop3A_436 : vector<16xf32>
        %parallel_loop3A_445 = arith.addf %parallel_loop3A_432, %parallel_loop3A_444 : vector<16xf32>
        %parallel_loop3A_446 = arith.mulf %parallel_loop3A_435, %parallel_loop3A_436 : vector<16xf32>
        %parallel_loop3A_447 = arith.addf %parallel_loop3A_434, %parallel_loop3A_446 : vector<16xf32>
        %parallel_loop3A_448 = arith.mulf %parallel_loop3A_437, %parallel_loop3A_447 : vector<16xf32>
        %parallel_loop3A_449 = arith.addf %parallel_loop3A_445, %parallel_loop3A_448 : vector<16xf32>
        %parallel_loop3A_450 = arith.index_cast %parallel_loop3A_415 : i32 to index
        %parallel_loop3A_451 = tpu.vector_load %arg15[%parallel_loop3A_450] {strides = array<i32>} : memref<4096xf32, #tpu.memory_space<vmem>>, vector<16xf32>,
        tpu.vector_store %arg15[%parallel_loop3A_450], %parallel_loop3A_449 {strides = array<i32>} : memref<4096xf32, #tpu.memory_space<vmem>>, vector<16xf32>,
        %parallel_loop3A_452 = arith.mulf %parallel_loop3A_433, %parallel_loop3A_438 : vector<16xf32>
        %parallel_loop3A_453 = arith.addf %parallel_loop3A_432, %parallel_loop3A_452 : vector<16xf32>
        %parallel_loop3A_454 = arith.mulf %parallel_loop3A_435, %parallel_loop3A_438 : vector<16xf32>
        %parallel_loop3A_455 = arith.addf %parallel_loop3A_434, %parallel_loop3A_454 : vector<16xf32>
        %parallel_loop3A_456 = arith.mulf %parallel_loop3A_439, %parallel_loop3A_455 : vector<16xf32>
        %parallel_loop3A_457 = arith.addf %parallel_loop3A_453, %parallel_loop3A_456 : vector<16xf32>
        %parallel_loop3A_458 = arith.index_cast %parallel_loop3A_415 : i32 to index
        %parallel_loop3A_459 = tpu.vector_load %arg17[%parallel_loop3A_458] {strides = array<i32>} : memref<4096xf32, #tpu.memory_space<vmem>>, vector<16xf32>,
        tpu.vector_store %arg17[%parallel_loop3A_458], %parallel_loop3A_457 {strides = array<i32>} : memref<4096xf32, #tpu.memory_space<vmem>>, vector<16xf32>,
        %parallel_loop3A_460 = arith.mulf %parallel_loop3A_433, %parallel_loop3A_440 : vector<16xf32>
        %parallel_loop3A_461 = arith.addf %parallel_loop3A_432, %parallel_loop3A_460 : vector<16xf32>
        %parallel_loop3A_462 = arith.mulf %parallel_loop3A_435, %parallel_loop3A_440 : vector<16xf32>
        %parallel_loop3A_463 = arith.addf %parallel_loop3A_434, %parallel_loop3A_462 : vector<16xf32>
        %parallel_loop3A_464 = arith.mulf %parallel_loop3A_441, %parallel_loop3A_463 : vector<16xf32>
        %parallel_loop3A_465 = arith.addf %parallel_loop3A_461, %parallel_loop3A_464 : vector<16xf32>
        %parallel_loop3A_466 = arith.index_cast %parallel_loop3A_415 : i32 to index
        %parallel_loop3A_467 = tpu.vector_load %arg19[%parallel_loop3A_466] {strides = array<i32>} : memref<4096xf32, #tpu.memory_space<vmem>>, vector<16xf32>,
        tpu.vector_store %arg19[%parallel_loop3A_466], %parallel_loop3A_465 {strides = array<i32>} : memref<4096xf32, #tpu.memory_space<vmem>>, vector<16xf32>,
        %parallel_loop3A_468 = arith.mulf %parallel_loop3A_433, %parallel_loop3A_442 : vector<16xf32>
        %parallel_loop3A_469 = arith.addf %parallel_loop3A_432, %parallel_loop3A_468 : vector<16xf32>
        %parallel_loop3A_470 = arith.mulf %parallel_loop3A_435, %parallel_loop3A_442 : vector<16xf32>
        %parallel_loop3A_471 = arith.addf %parallel_loop3A_434, %parallel_loop3A_470 : vector<16xf32>
        %parallel_loop3A_472 = arith.mulf %parallel_loop3A_443, %parallel_loop3A_471 : vector<16xf32>
        %parallel_loop3A_473 = arith.addf %parallel_loop3A_469, %parallel_loop3A_472 : vector<16xf32>
        %parallel_loop3A_474 = arith.index_cast %parallel_loop3A_415 : i32 to index
        %parallel_loop3A_475 = tpu.vector_load %arg21[%parallel_loop3A_474] {strides = array<i32>} : memref<4096xf32, #tpu.memory_space<vmem>>, vector<16xf32>,
        tpu.vector_store %arg21[%parallel_loop3A_474], %parallel_loop3A_473 {strides = array<i32>} : memref<4096xf32, #tpu.memory_space<vmem>>, vector<16xf32>,
      } {sc.loop_unroll_factor = 4 : i64, sc.parallel_access}
      %mul3A_176 = arith.constant 4 : i32
      %mul3A_177 = arith.muli %mul3A_176, %add3A_147 : i32
      %add3A_178 = arith.addi %mul3A_2, %mul3A_177 : i32
      %add3A_179 = arith.constant 0 : i32
      %add3A_180 = arith.addi %add3A_178, %add3A_179 : i32
      %dma_start3A_181 = arith.constant 0 : i32
      %dma_start3A_182 = tpu.memref_slice %arg5[%add3A_180, %dma_start3A_181] : memref<2048x8192xf32, #tpu.memory_space<hbm>> -> memref<1x4096xf32, #tpu.memory_space<hbm>>
      %dma_start3A_183 = tpu.memref_squeeze %dma_start3A_182 : memref<1x4096xf32, #tpu.memory_space<hbm>> -> memref<4096xf32, #tpu.memory_space<hbm>>
      %dma_start3A_184 = arith.constant 0 : i32
      %dma_start3A_185 = tpu.memref_slice %arg5[%add3A_180, %dma_start3A_184] : memref<2048x8192xf32, #tpu.memory_space<hbm>> -> memref<1x4096xf32, #tpu.memory_space<hbm>>
      %dma_start3A_186 = tpu.memref_squeeze %dma_start3A_185 : memref<1x4096xf32, #tpu.memory_space<hbm>> -> memref<4096xf32, #tpu.memory_space<hbm>>
      tpu.enqueue_dma source(%arg15 : memref<4096xf32, #tpu.memory_space<vmem>>) target(%dma_start3A_186 : memref<4096xf32, #tpu.memory_space<hbm>>) target_semaphore(%arg37 : memref<!tpu.dma_semaphore, #tpu.memory_space<semaphore_mem>>)
      %mul3A_187 = arith.constant 4 : i32
      %mul3A_188 = arith.muli %mul3A_187, %add3A_147 : i32
      %add3A_189 = arith.addi %mul3A_2, %mul3A_188 : i32
      %add3A_190 = arith.constant 1 : i32
      %add3A_191 = arith.addi %add3A_189, %add3A_190 : i32
      %dma_start3A_192 = arith.constant 0 : i32
      %dma_start3A_193 = tpu.memref_slice %arg5[%add3A_191, %dma_start3A_192] : memref<2048x8192xf32, #tpu.memory_space<hbm>> -> memref<1x4096xf32, #tpu.memory_space<hbm>>
      %dma_start3A_194 = tpu.memref_squeeze %dma_start3A_193 : memref<1x4096xf32, #tpu.memory_space<hbm>> -> memref<4096xf32, #tpu.memory_space<hbm>>
      %dma_start3A_195 = arith.constant 0 : i32
      %dma_start3A_196 = tpu.memref_slice %arg5[%add3A_191, %dma_start3A_195] : memref<2048x8192xf32, #tpu.memory_space<hbm>> -> memref<1x4096xf32, #tpu.memory_space<hbm>>
      %dma_start3A_197 = tpu.memref_squeeze %dma_start3A_196 : memref<1x4096xf32, #tpu.memory_space<hbm>> -> memref<4096xf32, #tpu.memory_space<hbm>>
      tpu.enqueue_dma source(%arg17 : memref<4096xf32, #tpu.memory_space<vmem>>) target(%dma_start3A_197 : memref<4096xf32, #tpu.memory_space<hbm>>) target_semaphore(%arg39 : memref<!tpu.dma_semaphore, #tpu.memory_space<semaphore_mem>>)
      %mul3A_198 = arith.constant 4 : i32
      %mul3A_199 = arith.muli %mul3A_198, %add3A_147 : i32
      %add3A_200 = arith.addi %mul3A_2, %mul3A_199 : i32
      %add3A_201 = arith.constant 2 : i32
      %add3A_202 = arith.addi %add3A_200, %add3A_201 : i32
      %dma_start3A_203 = arith.constant 0 : i32
      %dma_start3A_204 = tpu.memref_slice %arg5[%add3A_202, %dma_start3A_203] : memref<2048x8192xf32, #tpu.memory_space<hbm>> -> memref<1x4096xf32, #tpu.memory_space<hbm>>
      %dma_start3A_205 = tpu.memref_squeeze %dma_start3A_204 : memref<1x4096xf32, #tpu.memory_space<hbm>> -> memref<4096xf32, #tpu.memory_space<hbm>>
      %dma_start3A_206 = arith.constant 0 : i32
      %dma_start3A_207 = tpu.memref_slice %arg5[%add3A_202, %dma_start3A_206] : memref<2048x8192xf32, #tpu.memory_space<hbm>> -> memref<1x4096xf32, #tpu.memory_space<hbm>>
      %dma_start3A_208 = tpu.memref_squeeze %dma_start3A_207 : memref<1x4096xf32, #tpu.memory_space<hbm>> -> memref<4096xf32, #tpu.memory_space<hbm>>
      tpu.enqueue_dma source(%arg19 : memref<4096xf32, #tpu.memory_space<vmem>>) target(%dma_start3A_208 : memref<4096xf32, #tpu.memory_space<hbm>>) target_semaphore(%arg41 : memref<!tpu.dma_semaphore, #tpu.memory_space<semaphore_mem>>)
      %mul3A_209 = arith.constant 4 : i32
      %mul3A_210 = arith.muli %mul3A_209, %add3A_147 : i32
      %add3A_211 = arith.addi %mul3A_2, %mul3A_210 : i32
      %add3A_212 = arith.constant 3 : i32
      %add3A_213 = arith.addi %add3A_211, %add3A_212 : i32
      %dma_start3A_214 = arith.constant 0 : i32
      %dma_start3A_215 = tpu.memref_slice %arg5[%add3A_213, %dma_start3A_214] : memref<2048x8192xf32, #tpu.memory_space<hbm>> -> memref<1x4096xf32, #tpu.memory_space<hbm>>
      %dma_start3A_216 = tpu.memref_squeeze %dma_start3A_215 : memref<1x4096xf32, #tpu.memory_space<hbm>> -> memref<4096xf32, #tpu.memory_space<hbm>>
      %dma_start3A_217 = arith.constant 0 : i32
      %dma_start3A_218 = tpu.memref_slice %arg5[%add3A_213, %dma_start3A_217] : memref<2048x8192xf32, #tpu.memory_space<hbm>> -> memref<1x4096xf32, #tpu.memory_space<hbm>>
      %dma_start3A_219 = tpu.memref_squeeze %dma_start3A_218 : memref<1x4096xf32, #tpu.memory_space<hbm>> -> memref<4096xf32, #tpu.memory_space<hbm>>
      tpu.enqueue_dma source(%arg21 : memref<4096xf32, #tpu.memory_space<vmem>>) target(%dma_start3A_219 : memref<4096xf32, #tpu.memory_space<hbm>>) target_semaphore(%arg43 : memref<!tpu.dma_semaphore, #tpu.memory_space<semaphore_mem>>)
      %ge3A_220 = arith.constant 1 : i32
      %ge3A_221 = arith.cmpi sge, %add3A_147, %ge3A_220 : i32
      %convert_element_type3A_222 = arith.extui %ge3A_221 : i1 to i32
      %cond3A_223 = arith.constant 0 : i32
      %cond3A_224 = arith.cmpi ne, %convert_element_type3A_222, %cond3A_223 : i32
      scf.if %cond3A_224 {
        %dma_wait3A_413 = arith.constant 4096 : i32
        %dma_wait3A_414 = tpu.memref_slice %arg5[%mul3A_2, %dma_wait3A_413] : memref<2048x8192xf32, #tpu.memory_space<hbm>> -> memref<1x4096xf32, #tpu.memory_space<hbm>>
        %dma_wait3A_415 = tpu.memref_squeeze %dma_wait3A_414 : memref<1x4096xf32, #tpu.memory_space<hbm>> -> memref<4096xf32, #tpu.memory_space<hbm>>
        %dma_wait3A_416 = arith.constant 4096 : i32
        %dma_wait3A_417 = tpu.memref_slice %arg5[%mul3A_2, %dma_wait3A_416] : memref<2048x8192xf32, #tpu.memory_space<hbm>> -> memref<1x4096xf32, #tpu.memory_space<hbm>>
        %dma_wait3A_418 = tpu.memref_squeeze %dma_wait3A_417 : memref<1x4096xf32, #tpu.memory_space<hbm>> -> memref<4096xf32, #tpu.memory_space<hbm>>
        tpu.wait_dma2 semaphore(%arg38 : memref<!tpu.dma_semaphore, #tpu.memory_space<semaphore_mem>>) src(%arg16 : memref<4096xf32, #tpu.memory_space<vmem>>) dst(%dma_wait3A_418 : memref<4096xf32, #tpu.memory_space<hbm>>)
        %dma_wait3A_419 = arith.constant 4096 : i32
        %dma_wait3A_420 = tpu.memref_slice %arg5[%mul3A_2, %dma_wait3A_419] : memref<2048x8192xf32, #tpu.memory_space<hbm>> -> memref<1x4096xf32, #tpu.memory_space<hbm>>
        %dma_wait3A_421 = tpu.memref_squeeze %dma_wait3A_420 : memref<1x4096xf32, #tpu.memory_space<hbm>> -> memref<4096xf32, #tpu.memory_space<hbm>>
        %dma_wait3A_422 = arith.constant 4096 : i32
        %dma_wait3A_423 = tpu.memref_slice %arg5[%mul3A_2, %dma_wait3A_422] : memref<2048x8192xf32, #tpu.memory_space<hbm>> -> memref<1x4096xf32, #tpu.memory_space<hbm>>
        %dma_wait3A_424 = tpu.memref_squeeze %dma_wait3A_423 : memref<1x4096xf32, #tpu.memory_space<hbm>> -> memref<4096xf32, #tpu.memory_space<hbm>>
        tpu.wait_dma2 semaphore(%arg40 : memref<!tpu.dma_semaphore, #tpu.memory_space<semaphore_mem>>) src(%arg18 : memref<4096xf32, #tpu.memory_space<vmem>>) dst(%dma_wait3A_424 : memref<4096xf32, #tpu.memory_space<hbm>>)
        %dma_wait3A_425 = arith.constant 4096 : i32
        %dma_wait3A_426 = tpu.memref_slice %arg5[%mul3A_2, %dma_wait3A_425] : memref<2048x8192xf32, #tpu.memory_space<hbm>> -> memref<1x4096xf32, #tpu.memory_space<hbm>>
        %dma_wait3A_427 = tpu.memref_squeeze %dma_wait3A_426 : memref<1x4096xf32, #tpu.memory_space<hbm>> -> memref<4096xf32, #tpu.memory_space<hbm>>
        %dma_wait3A_428 = arith.constant 4096 : i32
        %dma_wait3A_429 = tpu.memref_slice %arg5[%mul3A_2, %dma_wait3A_428] : memref<2048x8192xf32, #tpu.memory_space<hbm>> -> memref<1x4096xf32, #tpu.memory_space<hbm>>
        %dma_wait3A_430 = tpu.memref_squeeze %dma_wait3A_429 : memref<1x4096xf32, #tpu.memory_space<hbm>> -> memref<4096xf32, #tpu.memory_space<hbm>>
        tpu.wait_dma2 semaphore(%arg42 : memref<!tpu.dma_semaphore, #tpu.memory_space<semaphore_mem>>) src(%arg20 : memref<4096xf32, #tpu.memory_space<vmem>>) dst(%dma_wait3A_430 : memref<4096xf32, #tpu.memory_space<hbm>>)
        %dma_wait3A_431 = arith.constant 4096 : i32
        %dma_wait3A_432 = tpu.memref_slice %arg5[%mul3A_2, %dma_wait3A_431] : memref<2048x8192xf32, #tpu.memory_space<hbm>> -> memref<1x4096xf32, #tpu.memory_space<hbm>>
        %dma_wait3A_433 = tpu.memref_squeeze %dma_wait3A_432 : memref<1x4096xf32, #tpu.memory_space<hbm>> -> memref<4096xf32, #tpu.memory_space<hbm>>
        %dma_wait3A_434 = arith.constant 4096 : i32
        %dma_wait3A_435 = tpu.memref_slice %arg5[%mul3A_2, %dma_wait3A_434] : memref<2048x8192xf32, #tpu.memory_space<hbm>> -> memref<1x4096xf32, #tpu.memory_space<hbm>>
        %dma_wait3A_436 = tpu.memref_squeeze %dma_wait3A_435 : memref<1x4096xf32, #tpu.memory_space<hbm>> -> memref<4096xf32, #tpu.memory_space<hbm>>
        tpu.wait_dma2 semaphore(%arg44 : memref<!tpu.dma_semaphore, #tpu.memory_space<semaphore_mem>>) src(%arg22 : memref<4096xf32, #tpu.memory_space<vmem>>) dst(%dma_wait3A_436 : memref<4096xf32, #tpu.memory_space<hbm>>)
      } else {
      }
      %parallel_loop3A_225 = arith.constant 0 : i32
      %parallel_loop3A_226 = arith.constant 256 : i32
      %parallel_loop3A_227 = arith.constant 1 : i32
      scf.for %parallel_loop3A_413 = %parallel_loop3A_225 to %parallel_loop3A_226 step %parallel_loop3A_227  : i32 {
        %parallel_loop3A_414 = arith.constant 16 : i32
        %parallel_loop3A_415 = arith.muli %parallel_loop3A_413, %parallel_loop3A_414 : i32
        %parallel_loop3A_416 = arith.constant 4096 : i32
        %parallel_loop3A_417 = arith.addi %parallel_loop3A_416, %parallel_loop3A_415 : i32
        %parallel_loop3A_418 = arith.index_cast %parallel_loop3A_417 : i32 to index
        %parallel_loop3A_419 = tpu.vector_load %arg23[%parallel_loop3A_418] {strides = array<i32>} : memref<8192xi32, #tpu.memory_space<vmem>>, vector<16xi32>,
        %parallel_loop3A_420 = arith.constant 65535 : i32
        %parallel_loop3A_421 = vector.broadcast %parallel_loop3A_420 : i32 to vector<16xi32>
        %parallel_loop3A_422 = arith.andi %parallel_loop3A_419, %parallel_loop3A_421 : vector<16xi32>
        %parallel_loop3A_423 = arith.constant 16 : i32
        %parallel_loop3A_424 = vector.broadcast %parallel_loop3A_423 : i32 to vector<16xi32>
        %parallel_loop3A_425 = arith.shrui %parallel_loop3A_419, %parallel_loop3A_424 : vector<16xi32>
        %parallel_loop3A_426 = arith.index_cast %parallel_loop3A_417 : i32 to index
        %parallel_loop3A_427 = tpu.vector_load %arg24[%parallel_loop3A_426] {strides = array<i32>} : memref<8192xf32, #tpu.memory_space<vmem>>, vector<16xf32>,
        %parallel_loop3A_428 = vector.bitcast %parallel_loop3A_427 : vector<16xf32> to vector<32xbf16>
        %parallel_loop3A_429 = arith.index_cast %parallel_loop3A_417 : i32 to index
        %parallel_loop3A_430 = tpu.vector_load %arg25[%parallel_loop3A_429] {strides = array<i32>} : memref<8192xf32, #tpu.memory_space<vmem>>, vector<16xf32>,
        %parallel_loop3A_431 = vector.bitcast %parallel_loop3A_430 : vector<16xf32> to vector<32xbf16>
        %parallel_loop3A_432 = tpu.unpack_subelements %parallel_loop3A_428, 0 {pack_format = #tpu.pack_format<interleaved>} : vector<32xbf16> -> vector<16xf32>
        %parallel_loop3A_433 = tpu.unpack_subelements %parallel_loop3A_428, 1 {pack_format = #tpu.pack_format<interleaved>} : vector<32xbf16> -> vector<16xf32>
        %parallel_loop3A_434 = tpu.unpack_subelements %parallel_loop3A_431, 0 {pack_format = #tpu.pack_format<interleaved>} : vector<32xbf16> -> vector<16xf32>
        %parallel_loop3A_435 = tpu.unpack_subelements %parallel_loop3A_431, 1 {pack_format = #tpu.pack_format<interleaved>} : vector<32xbf16> -> vector<16xf32>
        %parallel_loop3A_436 = tpu.vector_load_idx %arg7[%parallel_loop3A_422] : memref<8192xf32, #tpu.memory_space<vmem>>[vector<16xi32>], vector<16xf32>,
        %parallel_loop3A_437 = tpu.vector_load_idx %arg7[%parallel_loop3A_425] : memref<8192xf32, #tpu.memory_space<vmem>>[vector<16xi32>], vector<16xf32>,
        %parallel_loop3A_438 = tpu.vector_load_idx %arg8[%parallel_loop3A_422] : memref<8192xf32, #tpu.memory_space<vmem>>[vector<16xi32>], vector<16xf32>,
        %parallel_loop3A_439 = tpu.vector_load_idx %arg8[%parallel_loop3A_425] : memref<8192xf32, #tpu.memory_space<vmem>>[vector<16xi32>], vector<16xf32>,
        %parallel_loop3A_440 = tpu.vector_load_idx %arg9[%parallel_loop3A_422] : memref<8192xf32, #tpu.memory_space<vmem>>[vector<16xi32>], vector<16xf32>,
        %parallel_loop3A_441 = tpu.vector_load_idx %arg9[%parallel_loop3A_425] : memref<8192xf32, #tpu.memory_space<vmem>>[vector<16xi32>], vector<16xf32>,
        %parallel_loop3A_442 = tpu.vector_load_idx %arg10[%parallel_loop3A_422] : memref<8192xf32, #tpu.memory_space<vmem>>[vector<16xi32>], vector<16xf32>,
        %parallel_loop3A_443 = tpu.vector_load_idx %arg10[%parallel_loop3A_425] : memref<8192xf32, #tpu.memory_space<vmem>>[vector<16xi32>], vector<16xf32>,
        %parallel_loop3A_444 = arith.mulf %parallel_loop3A_433, %parallel_loop3A_436 : vector<16xf32>
        %parallel_loop3A_445 = arith.addf %parallel_loop3A_432, %parallel_loop3A_444 : vector<16xf32>
        %parallel_loop3A_446 = arith.mulf %parallel_loop3A_435, %parallel_loop3A_436 : vector<16xf32>
        %parallel_loop3A_447 = arith.addf %parallel_loop3A_434, %parallel_loop3A_446 : vector<16xf32>
        %parallel_loop3A_448 = arith.mulf %parallel_loop3A_437, %parallel_loop3A_447 : vector<16xf32>
        %parallel_loop3A_449 = arith.addf %parallel_loop3A_445, %parallel_loop3A_448 : vector<16xf32>
        %parallel_loop3A_450 = arith.index_cast %parallel_loop3A_415 : i32 to index
        %parallel_loop3A_451 = tpu.vector_load %arg16[%parallel_loop3A_450] {strides = array<i32>} : memref<4096xf32, #tpu.memory_space<vmem>>, vector<16xf32>,
        tpu.vector_store %arg16[%parallel_loop3A_450], %parallel_loop3A_449 {strides = array<i32>} : memref<4096xf32, #tpu.memory_space<vmem>>, vector<16xf32>,
        %parallel_loop3A_452 = arith.mulf %parallel_loop3A_433, %parallel_loop3A_438 : vector<16xf32>
        %parallel_loop3A_453 = arith.addf %parallel_loop3A_432, %parallel_loop3A_452 : vector<16xf32>
        %parallel_loop3A_454 = arith.mulf %parallel_loop3A_435, %parallel_loop3A_438 : vector<16xf32>
        %parallel_loop3A_455 = arith.addf %parallel_loop3A_434, %parallel_loop3A_454 : vector<16xf32>
        %parallel_loop3A_456 = arith.mulf %parallel_loop3A_439, %parallel_loop3A_455 : vector<16xf32>
        %parallel_loop3A_457 = arith.addf %parallel_loop3A_453, %parallel_loop3A_456 : vector<16xf32>
        %parallel_loop3A_458 = arith.index_cast %parallel_loop3A_415 : i32 to index
        %parallel_loop3A_459 = tpu.vector_load %arg18[%parallel_loop3A_458] {strides = array<i32>} : memref<4096xf32, #tpu.memory_space<vmem>>, vector<16xf32>,
        tpu.vector_store %arg18[%parallel_loop3A_458], %parallel_loop3A_457 {strides = array<i32>} : memref<4096xf32, #tpu.memory_space<vmem>>, vector<16xf32>,
        %parallel_loop3A_460 = arith.mulf %parallel_loop3A_433, %parallel_loop3A_440 : vector<16xf32>
        %parallel_loop3A_461 = arith.addf %parallel_loop3A_432, %parallel_loop3A_460 : vector<16xf32>
        %parallel_loop3A_462 = arith.mulf %parallel_loop3A_435, %parallel_loop3A_440 : vector<16xf32>
        %parallel_loop3A_463 = arith.addf %parallel_loop3A_434, %parallel_loop3A_462 : vector<16xf32>
        %parallel_loop3A_464 = arith.mulf %parallel_loop3A_441, %parallel_loop3A_463 : vector<16xf32>
        %parallel_loop3A_465 = arith.addf %parallel_loop3A_461, %parallel_loop3A_464 : vector<16xf32>
        %parallel_loop3A_466 = arith.index_cast %parallel_loop3A_415 : i32 to index
        %parallel_loop3A_467 = tpu.vector_load %arg20[%parallel_loop3A_466] {strides = array<i32>} : memref<4096xf32, #tpu.memory_space<vmem>>, vector<16xf32>,
        tpu.vector_store %arg20[%parallel_loop3A_466], %parallel_loop3A_465 {strides = array<i32>} : memref<4096xf32, #tpu.memory_space<vmem>>, vector<16xf32>,
        %parallel_loop3A_468 = arith.mulf %parallel_loop3A_433, %parallel_loop3A_442 : vector<16xf32>
        %parallel_loop3A_469 = arith.addf %parallel_loop3A_432, %parallel_loop3A_468 : vector<16xf32>
        %parallel_loop3A_470 = arith.mulf %parallel_loop3A_435, %parallel_loop3A_442 : vector<16xf32>
        %parallel_loop3A_471 = arith.addf %parallel_loop3A_434, %parallel_loop3A_470 : vector<16xf32>
        %parallel_loop3A_472 = arith.mulf %parallel_loop3A_443, %parallel_loop3A_471 : vector<16xf32>
        %parallel_loop3A_473 = arith.addf %parallel_loop3A_469, %parallel_loop3A_472 : vector<16xf32>
        %parallel_loop3A_474 = arith.index_cast %parallel_loop3A_415 : i32 to index
        %parallel_loop3A_475 = tpu.vector_load %arg22[%parallel_loop3A_474] {strides = array<i32>} : memref<4096xf32, #tpu.memory_space<vmem>>, vector<16xf32>,
        tpu.vector_store %arg22[%parallel_loop3A_474], %parallel_loop3A_473 {strides = array<i32>} : memref<4096xf32, #tpu.memory_space<vmem>>, vector<16xf32>,
      } {sc.loop_unroll_factor = 4 : i64, sc.parallel_access}
      %mul3A_228 = arith.constant 4 : i32
      %mul3A_229 = arith.muli %mul3A_228, %add3A_147 : i32
      %add3A_230 = arith.addi %mul3A_2, %mul3A_229 : i32
      %add3A_231 = arith.constant 0 : i32
      %add3A_232 = arith.addi %add3A_230, %add3A_231 : i32
      %dma_start3A_233 = arith.constant 4096 : i32
      %dma_start3A_234 = tpu.memref_slice %arg5[%add3A_232, %dma_start3A_233] : memref<2048x8192xf32, #tpu.memory_space<hbm>> -> memref<1x4096xf32, #tpu.memory_space<hbm>>
      %dma_start3A_235 = tpu.memref_squeeze %dma_start3A_234 : memref<1x4096xf32, #tpu.memory_space<hbm>> -> memref<4096xf32, #tpu.memory_space<hbm>>
      %dma_start3A_236 = arith.constant 4096 : i32
      %dma_start3A_237 = tpu.memref_slice %arg5[%add3A_232, %dma_start3A_236] : memref<2048x8192xf32, #tpu.memory_space<hbm>> -> memref<1x4096xf32, #tpu.memory_space<hbm>>
      %dma_start3A_238 = tpu.memref_squeeze %dma_start3A_237 : memref<1x4096xf32, #tpu.memory_space<hbm>> -> memref<4096xf32, #tpu.memory_space<hbm>>
      tpu.enqueue_dma source(%arg16 : memref<4096xf32, #tpu.memory_space<vmem>>) target(%dma_start3A_238 : memref<4096xf32, #tpu.memory_space<hbm>>) target_semaphore(%arg38 : memref<!tpu.dma_semaphore, #tpu.memory_space<semaphore_mem>>)
      %mul3A_239 = arith.constant 4 : i32
      %mul3A_240 = arith.muli %mul3A_239, %add3A_147 : i32
      %add3A_241 = arith.addi %mul3A_2, %mul3A_240 : i32
      %add3A_242 = arith.constant 1 : i32
      %add3A_243 = arith.addi %add3A_241, %add3A_242 : i32
      %dma_start3A_244 = arith.constant 4096 : i32
      %dma_start3A_245 = tpu.memref_slice %arg5[%add3A_243, %dma_start3A_244] : memref<2048x8192xf32, #tpu.memory_space<hbm>> -> memref<1x4096xf32, #tpu.memory_space<hbm>>
      %dma_start3A_246 = tpu.memref_squeeze %dma_start3A_245 : memref<1x4096xf32, #tpu.memory_space<hbm>> -> memref<4096xf32, #tpu.memory_space<hbm>>
      %dma_start3A_247 = arith.constant 4096 : i32
      %dma_start3A_248 = tpu.memref_slice %arg5[%add3A_243, %dma_start3A_247] : memref<2048x8192xf32, #tpu.memory_space<hbm>> -> memref<1x4096xf32, #tpu.memory_space<hbm>>
      %dma_start3A_249 = tpu.memref_squeeze %dma_start3A_248 : memref<1x4096xf32, #tpu.memory_space<hbm>> -> memref<4096xf32, #tpu.memory_space<hbm>>
      tpu.enqueue_dma source(%arg18 : memref<4096xf32, #tpu.memory_space<vmem>>) target(%dma_start3A_249 : memref<4096xf32, #tpu.memory_space<hbm>>) target_semaphore(%arg40 : memref<!tpu.dma_semaphore, #tpu.memory_space<semaphore_mem>>)
      %mul3A_250 = arith.constant 4 : i32
      %mul3A_251 = arith.muli %mul3A_250, %add3A_147 : i32
      %add3A_252 = arith.addi %mul3A_2, %mul3A_251 : i32
      %add3A_253 = arith.constant 2 : i32
      %add3A_254 = arith.addi %add3A_252, %add3A_253 : i32
      %dma_start3A_255 = arith.constant 4096 : i32
      %dma_start3A_256 = tpu.memref_slice %arg5[%add3A_254, %dma_start3A_255] : memref<2048x8192xf32, #tpu.memory_space<hbm>> -> memref<1x4096xf32, #tpu.memory_space<hbm>>
      %dma_start3A_257 = tpu.memref_squeeze %dma_start3A_256 : memref<1x4096xf32, #tpu.memory_space<hbm>> -> memref<4096xf32, #tpu.memory_space<hbm>>
      %dma_start3A_258 = arith.constant 4096 : i32
      %dma_start3A_259 = tpu.memref_slice %arg5[%add3A_254, %dma_start3A_258] : memref<2048x8192xf32, #tpu.memory_space<hbm>> -> memref<1x4096xf32, #tpu.memory_space<hbm>>
      %dma_start3A_260 = tpu.memref_squeeze %dma_start3A_259 : memref<1x4096xf32, #tpu.memory_space<hbm>> -> memref<4096xf32, #tpu.memory_space<hbm>>
      tpu.enqueue_dma source(%arg20 : memref<4096xf32, #tpu.memory_space<vmem>>) target(%dma_start3A_260 : memref<4096xf32, #tpu.memory_space<hbm>>) target_semaphore(%arg42 : memref<!tpu.dma_semaphore, #tpu.memory_space<semaphore_mem>>)
      %mul3A_261 = arith.constant 4 : i32
      %mul3A_262 = arith.muli %mul3A_261, %add3A_147 : i32
      %add3A_263 = arith.addi %mul3A_2, %mul3A_262 : i32
      %add3A_264 = arith.constant 3 : i32
      %add3A_265 = arith.addi %add3A_263, %add3A_264 : i32
      %dma_start3A_266 = arith.constant 4096 : i32
      %dma_start3A_267 = tpu.memref_slice %arg5[%add3A_265, %dma_start3A_266] : memref<2048x8192xf32, #tpu.memory_space<hbm>> -> memref<1x4096xf32, #tpu.memory_space<hbm>>
      %dma_start3A_268 = tpu.memref_squeeze %dma_start3A_267 : memref<1x4096xf32, #tpu.memory_space<hbm>> -> memref<4096xf32, #tpu.memory_space<hbm>>
      %dma_start3A_269 = arith.constant 4096 : i32
      %dma_start3A_270 = tpu.memref_slice %arg5[%add3A_265, %dma_start3A_269] : memref<2048x8192xf32, #tpu.memory_space<hbm>> -> memref<1x4096xf32, #tpu.memory_space<hbm>>
      %dma_start3A_271 = tpu.memref_squeeze %dma_start3A_270 : memref<1x4096xf32, #tpu.memory_space<hbm>> -> memref<4096xf32, #tpu.memory_space<hbm>>
      tpu.enqueue_dma source(%arg22 : memref<4096xf32, #tpu.memory_space<vmem>>) target(%dma_start3A_271 : memref<4096xf32, #tpu.memory_space<hbm>>) target_semaphore(%arg44 : memref<!tpu.dma_semaphore, #tpu.memory_space<semaphore_mem>>)
      %lt3A = arith.constant 14 : i32
      %lt3A_272 = arith.cmpi slt, %add3A_147, %lt3A : i32
      %convert_element_type3A_273 = arith.extui %lt3A_272 : i1 to i32
      %cond3A_274 = arith.constant 0 : i32
      %cond3A_275 = arith.cmpi ne, %convert_element_type3A_273, %cond3A_274 : i32
      scf.if %cond3A_275 {
        %mul3A_413 = arith.constant 4 : i32
        %mul3A_414 = arith.muli %mul3A_413, %add3A_147 : i32
        %add3A_415 = arith.addi %mul3A_2, %mul3A_414 : i32
        %add3A_416 = arith.constant 8 : i32
        %add3A_417 = arith.addi %add3A_415, %add3A_416 : i32
        %add3A_418 = arith.constant 0 : i32
        %add3A_419 = arith.addi %add3A_417, %add3A_418 : i32
        %dma_start3A_420 = arith.constant 0 : i32
        %dma_start3A_421 = tpu.memref_slice %arg2[%add3A_419, %dma_start3A_420] : memref<2048x8192xf32, #tpu.memory_space<hbm>> -> memref<1x8192xf32, #tpu.memory_space<hbm>>
        %dma_start3A_422 = tpu.memref_squeeze %dma_start3A_421 : memref<1x8192xf32, #tpu.memory_space<hbm>> -> memref<8192xf32, #tpu.memory_space<hbm>>
        %dma_start3A_423 = arith.constant 0 : i32
        %dma_start3A_424 = tpu.memref_slice %arg2[%add3A_419, %dma_start3A_423] : memref<2048x8192xf32, #tpu.memory_space<hbm>> -> memref<1x8192xf32, #tpu.memory_space<hbm>>
        %dma_start3A_425 = tpu.memref_squeeze %dma_start3A_424 : memref<1x8192xf32, #tpu.memory_space<hbm>> -> memref<8192xf32, #tpu.memory_space<hbm>>
        tpu.enqueue_dma source(%dma_start3A_425 : memref<8192xf32, #tpu.memory_space<hbm>>) target(%arg7 : memref<8192xf32, #tpu.memory_space<vmem>>) target_semaphore(%arg29 : memref<!tpu.dma_semaphore, #tpu.memory_space<semaphore_mem>>)
        %mul3A_426 = arith.constant 4 : i32
        %mul3A_427 = arith.muli %mul3A_426, %add3A_147 : i32
        %add3A_428 = arith.addi %mul3A_2, %mul3A_427 : i32
        %add3A_429 = arith.constant 8 : i32
        %add3A_430 = arith.addi %add3A_428, %add3A_429 : i32
        %add3A_431 = arith.constant 1 : i32
        %add3A_432 = arith.addi %add3A_430, %add3A_431 : i32
        %dma_start3A_433 = arith.constant 0 : i32
        %dma_start3A_434 = tpu.memref_slice %arg2[%add3A_432, %dma_start3A_433] : memref<2048x8192xf32, #tpu.memory_space<hbm>> -> memref<1x8192xf32, #tpu.memory_space<hbm>>
        %dma_start3A_435 = tpu.memref_squeeze %dma_start3A_434 : memref<1x8192xf32, #tpu.memory_space<hbm>> -> memref<8192xf32, #tpu.memory_space<hbm>>
        %dma_start3A_436 = arith.constant 0 : i32
        %dma_start3A_437 = tpu.memref_slice %arg2[%add3A_432, %dma_start3A_436] : memref<2048x8192xf32, #tpu.memory_space<hbm>> -> memref<1x8192xf32, #tpu.memory_space<hbm>>
        %dma_start3A_438 = tpu.memref_squeeze %dma_start3A_437 : memref<1x8192xf32, #tpu.memory_space<hbm>> -> memref<8192xf32, #tpu.memory_space<hbm>>
        tpu.enqueue_dma source(%dma_start3A_438 : memref<8192xf32, #tpu.memory_space<hbm>>) target(%arg8 : memref<8192xf32, #tpu.memory_space<vmem>>) target_semaphore(%arg30 : memref<!tpu.dma_semaphore, #tpu.memory_space<semaphore_mem>>)
        %mul3A_439 = arith.constant 4 : i32
        %mul3A_440 = arith.muli %mul3A_439, %add3A_147 : i32
        %add3A_441 = arith.addi %mul3A_2, %mul3A_440 : i32
        %add3A_442 = arith.constant 8 : i32
        %add3A_443 = arith.addi %add3A_441, %add3A_442 : i32
        %add3A_444 = arith.constant 2 : i32
        %add3A_445 = arith.addi %add3A_443, %add3A_444 : i32
        %dma_start3A_446 = arith.constant 0 : i32
        %dma_start3A_447 = tpu.memref_slice %arg2[%add3A_445, %dma_start3A_446] : memref<2048x8192xf32, #tpu.memory_space<hbm>> -> memref<1x8192xf32, #tpu.memory_space<hbm>>
        %dma_start3A_448 = tpu.memref_squeeze %dma_start3A_447 : memref<1x8192xf32, #tpu.memory_space<hbm>> -> memref<8192xf32, #tpu.memory_space<hbm>>
        %dma_start3A_449 = arith.constant 0 : i32
        %dma_start3A_450 = tpu.memref_slice %arg2[%add3A_445, %dma_start3A_449] : memref<2048x8192xf32, #tpu.memory_space<hbm>> -> memref<1x8192xf32, #tpu.memory_space<hbm>>
        %dma_start3A_451 = tpu.memref_squeeze %dma_start3A_450 : memref<1x8192xf32, #tpu.memory_space<hbm>> -> memref<8192xf32, #tpu.memory_space<hbm>>
        tpu.enqueue_dma source(%dma_start3A_451 : memref<8192xf32, #tpu.memory_space<hbm>>) target(%arg9 : memref<8192xf32, #tpu.memory_space<vmem>>) target_semaphore(%arg31 : memref<!tpu.dma_semaphore, #tpu.memory_space<semaphore_mem>>)
        %mul3A_452 = arith.constant 4 : i32
        %mul3A_453 = arith.muli %mul3A_452, %add3A_147 : i32
        %add3A_454 = arith.addi %mul3A_2, %mul3A_453 : i32
        %add3A_455 = arith.constant 8 : i32
        %add3A_456 = arith.addi %add3A_454, %add3A_455 : i32
        %add3A_457 = arith.constant 3 : i32
        %add3A_458 = arith.addi %add3A_456, %add3A_457 : i32
        %dma_start3A_459 = arith.constant 0 : i32
        %dma_start3A_460 = tpu.memref_slice %arg2[%add3A_458, %dma_start3A_459] : memref<2048x8192xf32, #tpu.memory_space<hbm>> -> memref<1x8192xf32, #tpu.memory_space<hbm>>
        %dma_start3A_461 = tpu.memref_squeeze %dma_start3A_460 : memref<1x8192xf32, #tpu.memory_space<hbm>> -> memref<8192xf32, #tpu.memory_space<hbm>>
        %dma_start3A_462 = arith.constant 0 : i32
        %dma_start3A_463 = tpu.memref_slice %arg2[%add3A_458, %dma_start3A_462] : memref<2048x8192xf32, #tpu.memory_space<hbm>> -> memref<1x8192xf32, #tpu.memory_space<hbm>>
        %dma_start3A_464 = tpu.memref_squeeze %dma_start3A_463 : memref<1x8192xf32, #tpu.memory_space<hbm>> -> memref<8192xf32, #tpu.memory_space<hbm>>
        tpu.enqueue_dma source(%dma_start3A_464 : memref<8192xf32, #tpu.memory_space<hbm>>) target(%arg10 : memref<8192xf32, #tpu.memory_space<vmem>>) target_semaphore(%arg32 : memref<!tpu.dma_semaphore, #tpu.memory_space<semaphore_mem>>)
      } else {
      }
      %mul3A_276 = arith.constant 2 : i32
      %mul3A_277 = arith.muli %mul3A_276, %scan3A_143 : i32
      %add3A_278 = arith.constant 1 : i32
      %add3A_279 = arith.addi %mul3A_277, %add3A_278 : i32
      %dma_wait3A_280 = arith.constant 0 : i32
      %dma_wait3A_281 = tpu.memref_slice %arg2[%mul3A_2, %dma_wait3A_280] : memref<2048x8192xf32, #tpu.memory_space<hbm>> -> memref<1x8192xf32, #tpu.memory_space<hbm>>
      %dma_wait3A_282 = tpu.memref_squeeze %dma_wait3A_281 : memref<1x8192xf32, #tpu.memory_space<hbm>> -> memref<8192xf32, #tpu.memory_space<hbm>>
      %dma_wait3A_283 = arith.constant 0 : i32
      %dma_wait3A_284 = tpu.memref_slice %arg2[%mul3A_2, %dma_wait3A_283] : memref<2048x8192xf32, #tpu.memory_space<hbm>> -> memref<1x8192xf32, #tpu.memory_space<hbm>>
      %dma_wait3A_285 = tpu.memref_squeeze %dma_wait3A_284 : memref<1x8192xf32, #tpu.memory_space<hbm>> -> memref<8192xf32, #tpu.memory_space<hbm>>
      tpu.wait_dma2 semaphore(%arg33 : memref<!tpu.dma_semaphore, #tpu.memory_space<semaphore_mem>>) src(%dma_wait3A_285 : memref<8192xf32, #tpu.memory_space<hbm>>) dst(%arg11 : memref<8192xf32, #tpu.memory_space<vmem>>)
      %dma_wait3A_286 = arith.constant 0 : i32
      %dma_wait3A_287 = tpu.memref_slice %arg2[%mul3A_2, %dma_wait3A_286] : memref<2048x8192xf32, #tpu.memory_space<hbm>> -> memref<1x8192xf32, #tpu.memory_space<hbm>>
      %dma_wait3A_288 = tpu.memref_squeeze %dma_wait3A_287 : memref<1x8192xf32, #tpu.memory_space<hbm>> -> memref<8192xf32, #tpu.memory_space<hbm>>
      %dma_wait3A_289 = arith.constant 0 : i32
      %dma_wait3A_290 = tpu.memref_slice %arg2[%mul3A_2, %dma_wait3A_289] : memref<2048x8192xf32, #tpu.memory_space<hbm>> -> memref<1x8192xf32, #tpu.memory_space<hbm>>
      %dma_wait3A_291 = tpu.memref_squeeze %dma_wait3A_290 : memref<1x8192xf32, #tpu.memory_space<hbm>> -> memref<8192xf32, #tpu.memory_space<hbm>>
      tpu.wait_dma2 semaphore(%arg34 : memref<!tpu.dma_semaphore, #tpu.memory_space<semaphore_mem>>) src(%dma_wait3A_291 : memref<8192xf32, #tpu.memory_space<hbm>>) dst(%arg12 : memref<8192xf32, #tpu.memory_space<vmem>>)
      %dma_wait3A_292 = arith.constant 0 : i32
      %dma_wait3A_293 = tpu.memref_slice %arg2[%mul3A_2, %dma_wait3A_292] : memref<2048x8192xf32, #tpu.memory_space<hbm>> -> memref<1x8192xf32, #tpu.memory_space<hbm>>
      %dma_wait3A_294 = tpu.memref_squeeze %dma_wait3A_293 : memref<1x8192xf32, #tpu.memory_space<hbm>> -> memref<8192xf32, #tpu.memory_space<hbm>>
      %dma_wait3A_295 = arith.constant 0 : i32
      %dma_wait3A_296 = tpu.memref_slice %arg2[%mul3A_2, %dma_wait3A_295] : memref<2048x8192xf32, #tpu.memory_space<hbm>> -> memref<1x8192xf32, #tpu.memory_space<hbm>>
      %dma_wait3A_297 = tpu.memref_squeeze %dma_wait3A_296 : memref<1x8192xf32, #tpu.memory_space<hbm>> -> memref<8192xf32, #tpu.memory_space<hbm>>
      tpu.wait_dma2 semaphore(%arg35 : memref<!tpu.dma_semaphore, #tpu.memory_space<semaphore_mem>>) src(%dma_wait3A_297 : memref<8192xf32, #tpu.memory_space<hbm>>) dst(%arg13 : memref<8192xf32, #tpu.memory_space<vmem>>)
      %dma_wait3A_298 = arith.constant 0 : i32
      %dma_wait3A_299 = tpu.memref_slice %arg2[%mul3A_2, %dma_wait3A_298] : memref<2048x8192xf32, #tpu.memory_space<hbm>> -> memref<1x8192xf32, #tpu.memory_space<hbm>>
      %dma_wait3A_300 = tpu.memref_squeeze %dma_wait3A_299 : memref<1x8192xf32, #tpu.memory_space<hbm>> -> memref<8192xf32, #tpu.memory_space<hbm>>
      %dma_wait3A_301 = arith.constant 0 : i32
      %dma_wait3A_302 = tpu.memref_slice %arg2[%mul3A_2, %dma_wait3A_301] : memref<2048x8192xf32, #tpu.memory_space<hbm>> -> memref<1x8192xf32, #tpu.memory_space<hbm>>
      %dma_wait3A_303 = tpu.memref_squeeze %dma_wait3A_302 : memref<1x8192xf32, #tpu.memory_space<hbm>> -> memref<8192xf32, #tpu.memory_space<hbm>>
      tpu.wait_dma2 semaphore(%arg36 : memref<!tpu.dma_semaphore, #tpu.memory_space<semaphore_mem>>) src(%dma_wait3A_303 : memref<8192xf32, #tpu.memory_space<hbm>>) dst(%arg14 : memref<8192xf32, #tpu.memory_space<vmem>>)
      %ge3A_304 = arith.constant 1 : i32
      %ge3A_305 = arith.cmpi sge, %add3A_279, %ge3A_304 : i32
      %convert_element_type3A_306 = arith.extui %ge3A_305 : i1 to i32
      %cond3A_307 = arith.constant 0 : i32
      %cond3A_308 = arith.cmpi ne, %convert_element_type3A_306, %cond3A_307 : i32
      scf.if %cond3A_308 {
        %dma_wait3A_413 = arith.constant 0 : i32
        %dma_wait3A_414 = tpu.memref_slice %arg5[%mul3A_2, %dma_wait3A_413] : memref<2048x8192xf32, #tpu.memory_space<hbm>> -> memref<1x4096xf32, #tpu.memory_space<hbm>>
        %dma_wait3A_415 = tpu.memref_squeeze %dma_wait3A_414 : memref<1x4096xf32, #tpu.memory_space<hbm>> -> memref<4096xf32, #tpu.memory_space<hbm>>
        %dma_wait3A_416 = arith.constant 0 : i32
        %dma_wait3A_417 = tpu.memref_slice %arg5[%mul3A_2, %dma_wait3A_416] : memref<2048x8192xf32, #tpu.memory_space<hbm>> -> memref<1x4096xf32, #tpu.memory_space<hbm>>
        %dma_wait3A_418 = tpu.memref_squeeze %dma_wait3A_417 : memref<1x4096xf32, #tpu.memory_space<hbm>> -> memref<4096xf32, #tpu.memory_space<hbm>>
        tpu.wait_dma2 semaphore(%arg37 : memref<!tpu.dma_semaphore, #tpu.memory_space<semaphore_mem>>) src(%arg15 : memref<4096xf32, #tpu.memory_space<vmem>>) dst(%dma_wait3A_418 : memref<4096xf32, #tpu.memory_space<hbm>>)
        %dma_wait3A_419 = arith.constant 0 : i32
        %dma_wait3A_420 = tpu.memref_slice %arg5[%mul3A_2, %dma_wait3A_419] : memref<2048x8192xf32, #tpu.memory_space<hbm>> -> memref<1x4096xf32, #tpu.memory_space<hbm>>
        %dma_wait3A_421 = tpu.memref_squeeze %dma_wait3A_420 : memref<1x4096xf32, #tpu.memory_space<hbm>> -> memref<4096xf32, #tpu.memory_space<hbm>>
        %dma_wait3A_422 = arith.constant 0 : i32
        %dma_wait3A_423 = tpu.memref_slice %arg5[%mul3A_2, %dma_wait3A_422] : memref<2048x8192xf32, #tpu.memory_space<hbm>> -> memref<1x4096xf32, #tpu.memory_space<hbm>>
        %dma_wait3A_424 = tpu.memref_squeeze %dma_wait3A_423 : memref<1x4096xf32, #tpu.memory_space<hbm>> -> memref<4096xf32, #tpu.memory_space<hbm>>
        tpu.wait_dma2 semaphore(%arg39 : memref<!tpu.dma_semaphore, #tpu.memory_space<semaphore_mem>>) src(%arg17 : memref<4096xf32, #tpu.memory_space<vmem>>) dst(%dma_wait3A_424 : memref<4096xf32, #tpu.memory_space<hbm>>)
        %dma_wait3A_425 = arith.constant 0 : i32
        %dma_wait3A_426 = tpu.memref_slice %arg5[%mul3A_2, %dma_wait3A_425] : memref<2048x8192xf32, #tpu.memory_space<hbm>> -> memref<1x4096xf32, #tpu.memory_space<hbm>>
        %dma_wait3A_427 = tpu.memref_squeeze %dma_wait3A_426 : memref<1x4096xf32, #tpu.memory_space<hbm>> -> memref<4096xf32, #tpu.memory_space<hbm>>
        %dma_wait3A_428 = arith.constant 0 : i32
        %dma_wait3A_429 = tpu.memref_slice %arg5[%mul3A_2, %dma_wait3A_428] : memref<2048x8192xf32, #tpu.memory_space<hbm>> -> memref<1x4096xf32, #tpu.memory_space<hbm>>
        %dma_wait3A_430 = tpu.memref_squeeze %dma_wait3A_429 : memref<1x4096xf32, #tpu.memory_space<hbm>> -> memref<4096xf32, #tpu.memory_space<hbm>>
        tpu.wait_dma2 semaphore(%arg41 : memref<!tpu.dma_semaphore, #tpu.memory_space<semaphore_mem>>) src(%arg19 : memref<4096xf32, #tpu.memory_space<vmem>>) dst(%dma_wait3A_430 : memref<4096xf32, #tpu.memory_space<hbm>>)
        %dma_wait3A_431 = arith.constant 0 : i32
        %dma_wait3A_432 = tpu.memref_slice %arg5[%mul3A_2, %dma_wait3A_431] : memref<2048x8192xf32, #tpu.memory_space<hbm>> -> memref<1x4096xf32, #tpu.memory_space<hbm>>
        %dma_wait3A_433 = tpu.memref_squeeze %dma_wait3A_432 : memref<1x4096xf32, #tpu.memory_space<hbm>> -> memref<4096xf32, #tpu.memory_space<hbm>>
        %dma_wait3A_434 = arith.constant 0 : i32
        %dma_wait3A_435 = tpu.memref_slice %arg5[%mul3A_2, %dma_wait3A_434] : memref<2048x8192xf32, #tpu.memory_space<hbm>> -> memref<1x4096xf32, #tpu.memory_space<hbm>>
        %dma_wait3A_436 = tpu.memref_squeeze %dma_wait3A_435 : memref<1x4096xf32, #tpu.memory_space<hbm>> -> memref<4096xf32, #tpu.memory_space<hbm>>
        tpu.wait_dma2 semaphore(%arg43 : memref<!tpu.dma_semaphore, #tpu.memory_space<semaphore_mem>>) src(%arg21 : memref<4096xf32, #tpu.memory_space<vmem>>) dst(%dma_wait3A_436 : memref<4096xf32, #tpu.memory_space<hbm>>)
      } else {
      }
      %parallel_loop3A_309 = arith.constant 0 : i32
      %parallel_loop3A_310 = arith.constant 256 : i32
      %parallel_loop3A_311 = arith.constant 1 : i32
      scf.for %parallel_loop3A_413 = %parallel_loop3A_309 to %parallel_loop3A_310 step %parallel_loop3A_311  : i32 {
        %parallel_loop3A_414 = arith.constant 16 : i32
        %parallel_loop3A_415 = arith.muli %parallel_loop3A_413, %parallel_loop3A_414 : i32
        %parallel_loop3A_416 = arith.constant 0 : i32
        %parallel_loop3A_417 = arith.addi %parallel_loop3A_416, %parallel_loop3A_415 : i32
        %parallel_loop3A_418 = arith.index_cast %parallel_loop3A_417 : i32 to index
        %parallel_loop3A_419 = tpu.vector_load %arg23[%parallel_loop3A_418] {strides = array<i32>} : memref<8192xi32, #tpu.memory_space<vmem>>, vector<16xi32>,
        %parallel_loop3A_420 = arith.constant 65535 : i32
        %parallel_loop3A_421 = vector.broadcast %parallel_loop3A_420 : i32 to vector<16xi32>
        %parallel_loop3A_422 = arith.andi %parallel_loop3A_419, %parallel_loop3A_421 : vector<16xi32>
        %parallel_loop3A_423 = arith.constant 16 : i32
        %parallel_loop3A_424 = vector.broadcast %parallel_loop3A_423 : i32 to vector<16xi32>
        %parallel_loop3A_425 = arith.shrui %parallel_loop3A_419, %parallel_loop3A_424 : vector<16xi32>
        %parallel_loop3A_426 = arith.index_cast %parallel_loop3A_417 : i32 to index
        %parallel_loop3A_427 = tpu.vector_load %arg24[%parallel_loop3A_426] {strides = array<i32>} : memref<8192xf32, #tpu.memory_space<vmem>>, vector<16xf32>,
        %parallel_loop3A_428 = vector.bitcast %parallel_loop3A_427 : vector<16xf32> to vector<32xbf16>
        %parallel_loop3A_429 = arith.index_cast %parallel_loop3A_417 : i32 to index
        %parallel_loop3A_430 = tpu.vector_load %arg25[%parallel_loop3A_429] {strides = array<i32>} : memref<8192xf32, #tpu.memory_space<vmem>>, vector<16xf32>,
        %parallel_loop3A_431 = vector.bitcast %parallel_loop3A_430 : vector<16xf32> to vector<32xbf16>
        %parallel_loop3A_432 = tpu.unpack_subelements %parallel_loop3A_428, 0 {pack_format = #tpu.pack_format<interleaved>} : vector<32xbf16> -> vector<16xf32>
        %parallel_loop3A_433 = tpu.unpack_subelements %parallel_loop3A_428, 1 {pack_format = #tpu.pack_format<interleaved>} : vector<32xbf16> -> vector<16xf32>
        %parallel_loop3A_434 = tpu.unpack_subelements %parallel_loop3A_431, 0 {pack_format = #tpu.pack_format<interleaved>} : vector<32xbf16> -> vector<16xf32>
        %parallel_loop3A_435 = tpu.unpack_subelements %parallel_loop3A_431, 1 {pack_format = #tpu.pack_format<interleaved>} : vector<32xbf16> -> vector<16xf32>
        %parallel_loop3A_436 = tpu.vector_load_idx %arg11[%parallel_loop3A_422] : memref<8192xf32, #tpu.memory_space<vmem>>[vector<16xi32>], vector<16xf32>,
        %parallel_loop3A_437 = tpu.vector_load_idx %arg11[%parallel_loop3A_425] : memref<8192xf32, #tpu.memory_space<vmem>>[vector<16xi32>], vector<16xf32>,
        %parallel_loop3A_438 = tpu.vector_load_idx %arg12[%parallel_loop3A_422] : memref<8192xf32, #tpu.memory_space<vmem>>[vector<16xi32>], vector<16xf32>,
        %parallel_loop3A_439 = tpu.vector_load_idx %arg12[%parallel_loop3A_425] : memref<8192xf32, #tpu.memory_space<vmem>>[vector<16xi32>], vector<16xf32>,
        %parallel_loop3A_440 = tpu.vector_load_idx %arg13[%parallel_loop3A_422] : memref<8192xf32, #tpu.memory_space<vmem>>[vector<16xi32>], vector<16xf32>,
        %parallel_loop3A_441 = tpu.vector_load_idx %arg13[%parallel_loop3A_425] : memref<8192xf32, #tpu.memory_space<vmem>>[vector<16xi32>], vector<16xf32>,
        %parallel_loop3A_442 = tpu.vector_load_idx %arg14[%parallel_loop3A_422] : memref<8192xf32, #tpu.memory_space<vmem>>[vector<16xi32>], vector<16xf32>,
        %parallel_loop3A_443 = tpu.vector_load_idx %arg14[%parallel_loop3A_425] : memref<8192xf32, #tpu.memory_space<vmem>>[vector<16xi32>], vector<16xf32>,
        %parallel_loop3A_444 = arith.mulf %parallel_loop3A_433, %parallel_loop3A_436 : vector<16xf32>
        %parallel_loop3A_445 = arith.addf %parallel_loop3A_432, %parallel_loop3A_444 : vector<16xf32>
        %parallel_loop3A_446 = arith.mulf %parallel_loop3A_435, %parallel_loop3A_436 : vector<16xf32>
        %parallel_loop3A_447 = arith.addf %parallel_loop3A_434, %parallel_loop3A_446 : vector<16xf32>
        %parallel_loop3A_448 = arith.mulf %parallel_loop3A_437, %parallel_loop3A_447 : vector<16xf32>
        %parallel_loop3A_449 = arith.addf %parallel_loop3A_445, %parallel_loop3A_448 : vector<16xf32>
        %parallel_loop3A_450 = arith.index_cast %parallel_loop3A_415 : i32 to index
        %parallel_loop3A_451 = tpu.vector_load %arg15[%parallel_loop3A_450] {strides = array<i32>} : memref<4096xf32, #tpu.memory_space<vmem>>, vector<16xf32>,
        tpu.vector_store %arg15[%parallel_loop3A_450], %parallel_loop3A_449 {strides = array<i32>} : memref<4096xf32, #tpu.memory_space<vmem>>, vector<16xf32>,
        %parallel_loop3A_452 = arith.mulf %parallel_loop3A_433, %parallel_loop3A_438 : vector<16xf32>
        %parallel_loop3A_453 = arith.addf %parallel_loop3A_432, %parallel_loop3A_452 : vector<16xf32>
        %parallel_loop3A_454 = arith.mulf %parallel_loop3A_435, %parallel_loop3A_438 : vector<16xf32>
        %parallel_loop3A_455 = arith.addf %parallel_loop3A_434, %parallel_loop3A_454 : vector<16xf32>
        %parallel_loop3A_456 = arith.mulf %parallel_loop3A_439, %parallel_loop3A_455 : vector<16xf32>
        %parallel_loop3A_457 = arith.addf %parallel_loop3A_453, %parallel_loop3A_456 : vector<16xf32>
        %parallel_loop3A_458 = arith.index_cast %parallel_loop3A_415 : i32 to index
        %parallel_loop3A_459 = tpu.vector_load %arg17[%parallel_loop3A_458] {strides = array<i32>} : memref<4096xf32, #tpu.memory_space<vmem>>, vector<16xf32>,
        tpu.vector_store %arg17[%parallel_loop3A_458], %parallel_loop3A_457 {strides = array<i32>} : memref<4096xf32, #tpu.memory_space<vmem>>, vector<16xf32>,
        %parallel_loop3A_460 = arith.mulf %parallel_loop3A_433, %parallel_loop3A_440 : vector<16xf32>
        %parallel_loop3A_461 = arith.addf %parallel_loop3A_432, %parallel_loop3A_460 : vector<16xf32>
        %parallel_loop3A_462 = arith.mulf %parallel_loop3A_435, %parallel_loop3A_440 : vector<16xf32>
        %parallel_loop3A_463 = arith.addf %parallel_loop3A_434, %parallel_loop3A_462 : vector<16xf32>
        %parallel_loop3A_464 = arith.mulf %parallel_loop3A_441, %parallel_loop3A_463 : vector<16xf32>
        %parallel_loop3A_465 = arith.addf %parallel_loop3A_461, %parallel_loop3A_464 : vector<16xf32>
        %parallel_loop3A_466 = arith.index_cast %parallel_loop3A_415 : i32 to index
        %parallel_loop3A_467 = tpu.vector_load %arg19[%parallel_loop3A_466] {strides = array<i32>} : memref<4096xf32, #tpu.memory_space<vmem>>, vector<16xf32>,
        tpu.vector_store %arg19[%parallel_loop3A_466], %parallel_loop3A_465 {strides = array<i32>} : memref<4096xf32, #tpu.memory_space<vmem>>, vector<16xf32>,
        %parallel_loop3A_468 = arith.mulf %parallel_loop3A_433, %parallel_loop3A_442 : vector<16xf32>
        %parallel_loop3A_469 = arith.addf %parallel_loop3A_432, %parallel_loop3A_468 : vector<16xf32>
        %parallel_loop3A_470 = arith.mulf %parallel_loop3A_435, %parallel_loop3A_442 : vector<16xf32>
        %parallel_loop3A_471 = arith.addf %parallel_loop3A_434, %parallel_loop3A_470 : vector<16xf32>
        %parallel_loop3A_472 = arith.mulf %parallel_loop3A_443, %parallel_loop3A_471 : vector<16xf32>
        %parallel_loop3A_473 = arith.addf %parallel_loop3A_469, %parallel_loop3A_472 : vector<16xf32>
        %parallel_loop3A_474 = arith.index_cast %parallel_loop3A_415 : i32 to index
        %parallel_loop3A_475 = tpu.vector_load %arg21[%parallel_loop3A_474] {strides = array<i32>} : memref<4096xf32, #tpu.memory_space<vmem>>, vector<16xf32>,
        tpu.vector_store %arg21[%parallel_loop3A_474], %parallel_loop3A_473 {strides = array<i32>} : memref<4096xf32, #tpu.memory_space<vmem>>, vector<16xf32>,
      } {sc.loop_unroll_factor = 4 : i64, sc.parallel_access}
      %mul3A_312 = arith.constant 4 : i32
      %mul3A_313 = arith.muli %mul3A_312, %add3A_279 : i32
      %add3A_314 = arith.addi %mul3A_2, %mul3A_313 : i32
      %add3A_315 = arith.constant 0 : i32
      %add3A_316 = arith.addi %add3A_314, %add3A_315 : i32
      %dma_start3A_317 = arith.constant 0 : i32
      %dma_start3A_318 = tpu.memref_slice %arg5[%add3A_316, %dma_start3A_317] : memref<2048x8192xf32, #tpu.memory_space<hbm>> -> memref<1x4096xf32, #tpu.memory_space<hbm>>
      %dma_start3A_319 = tpu.memref_squeeze %dma_start3A_318 : memref<1x4096xf32, #tpu.memory_space<hbm>> -> memref<4096xf32, #tpu.memory_space<hbm>>
      %dma_start3A_320 = arith.constant 0 : i32
      %dma_start3A_321 = tpu.memref_slice %arg5[%add3A_316, %dma_start3A_320] : memref<2048x8192xf32, #tpu.memory_space<hbm>> -> memref<1x4096xf32, #tpu.memory_space<hbm>>
      %dma_start3A_322 = tpu.memref_squeeze %dma_start3A_321 : memref<1x4096xf32, #tpu.memory_space<hbm>> -> memref<4096xf32, #tpu.memory_space<hbm>>
      tpu.enqueue_dma source(%arg15 : memref<4096xf32, #tpu.memory_space<vmem>>) target(%dma_start3A_322 : memref<4096xf32, #tpu.memory_space<hbm>>) target_semaphore(%arg37 : memref<!tpu.dma_semaphore, #tpu.memory_space<semaphore_mem>>)
      %mul3A_323 = arith.constant 4 : i32
      %mul3A_324 = arith.muli %mul3A_323, %add3A_279 : i32
      %add3A_325 = arith.addi %mul3A_2, %mul3A_324 : i32
      %add3A_326 = arith.constant 1 : i32
      %add3A_327 = arith.addi %add3A_325, %add3A_326 : i32
      %dma_start3A_328 = arith.constant 0 : i32
      %dma_start3A_329 = tpu.memref_slice %arg5[%add3A_327, %dma_start3A_328] : memref<2048x8192xf32, #tpu.memory_space<hbm>> -> memref<1x4096xf32, #tpu.memory_space<hbm>>
      %dma_start3A_330 = tpu.memref_squeeze %dma_start3A_329 : memref<1x4096xf32, #tpu.memory_space<hbm>> -> memref<4096xf32, #tpu.memory_space<hbm>>
      %dma_start3A_331 = arith.constant 0 : i32
      %dma_start3A_332 = tpu.memref_slice %arg5[%add3A_327, %dma_start3A_331] : memref<2048x8192xf32, #tpu.memory_space<hbm>> -> memref<1x4096xf32, #tpu.memory_space<hbm>>
      %dma_start3A_333 = tpu.memref_squeeze %dma_start3A_332 : memref<1x4096xf32, #tpu.memory_space<hbm>> -> memref<4096xf32, #tpu.memory_space<hbm>>
      tpu.enqueue_dma source(%arg17 : memref<4096xf32, #tpu.memory_space<vmem>>) target(%dma_start3A_333 : memref<4096xf32, #tpu.memory_space<hbm>>) target_semaphore(%arg39 : memref<!tpu.dma_semaphore, #tpu.memory_space<semaphore_mem>>)
      %mul3A_334 = arith.constant 4 : i32
      %mul3A_335 = arith.muli %mul3A_334, %add3A_279 : i32
      %add3A_336 = arith.addi %mul3A_2, %mul3A_335 : i32
      %add3A_337 = arith.constant 2 : i32
      %add3A_338 = arith.addi %add3A_336, %add3A_337 : i32
      %dma_start3A_339 = arith.constant 0 : i32
      %dma_start3A_340 = tpu.memref_slice %arg5[%add3A_338, %dma_start3A_339] : memref<2048x8192xf32, #tpu.memory_space<hbm>> -> memref<1x4096xf32, #tpu.memory_space<hbm>>
      %dma_start3A_341 = tpu.memref_squeeze %dma_start3A_340 : memref<1x4096xf32, #tpu.memory_space<hbm>> -> memref<4096xf32, #tpu.memory_space<hbm>>
      %dma_start3A_342 = arith.constant 0 : i32
      %dma_start3A_343 = tpu.memref_slice %arg5[%add3A_338, %dma_start3A_342] : memref<2048x8192xf32, #tpu.memory_space<hbm>> -> memref<1x4096xf32, #tpu.memory_space<hbm>>
      %dma_start3A_344 = tpu.memref_squeeze %dma_start3A_343 : memref<1x4096xf32, #tpu.memory_space<hbm>> -> memref<4096xf32, #tpu.memory_space<hbm>>
      tpu.enqueue_dma source(%arg19 : memref<4096xf32, #tpu.memory_space<vmem>>) target(%dma_start3A_344 : memref<4096xf32, #tpu.memory_space<hbm>>) target_semaphore(%arg41 : memref<!tpu.dma_semaphore, #tpu.memory_space<semaphore_mem>>)
      %mul3A_345 = arith.constant 4 : i32
      %mul3A_346 = arith.muli %mul3A_345, %add3A_279 : i32
      %add3A_347 = arith.addi %mul3A_2, %mul3A_346 : i32
      %add3A_348 = arith.constant 3 : i32
      %add3A_349 = arith.addi %add3A_347, %add3A_348 : i32
      %dma_start3A_350 = arith.constant 0 : i32
      %dma_start3A_351 = tpu.memref_slice %arg5[%add3A_349, %dma_start3A_350] : memref<2048x8192xf32, #tpu.memory_space<hbm>> -> memref<1x4096xf32, #tpu.memory_space<hbm>>
      %dma_start3A_352 = tpu.memref_squeeze %dma_start3A_351 : memref<1x4096xf32, #tpu.memory_space<hbm>> -> memref<4096xf32, #tpu.memory_space<hbm>>
      %dma_start3A_353 = arith.constant 0 : i32
      %dma_start3A_354 = tpu.memref_slice %arg5[%add3A_349, %dma_start3A_353] : memref<2048x8192xf32, #tpu.memory_space<hbm>> -> memref<1x4096xf32, #tpu.memory_space<hbm>>
      %dma_start3A_355 = tpu.memref_squeeze %dma_start3A_354 : memref<1x4096xf32, #tpu.memory_space<hbm>> -> memref<4096xf32, #tpu.memory_space<hbm>>
      tpu.enqueue_dma source(%arg21 : memref<4096xf32, #tpu.memory_space<vmem>>) target(%dma_start3A_355 : memref<4096xf32, #tpu.memory_space<hbm>>) target_semaphore(%arg43 : memref<!tpu.dma_semaphore, #tpu.memory_space<semaphore_mem>>)
      %ge3A_356 = arith.constant 1 : i32
      %ge3A_357 = arith.cmpi sge, %add3A_279, %ge3A_356 : i32
      %convert_element_type3A_358 = arith.extui %ge3A_357 : i1 to i32
      %cond3A_359 = arith.constant 0 : i32
      %cond3A_360 = arith.cmpi ne, %convert_element_type3A_358, %cond3A_359 : i32
      scf.if %cond3A_360 {
        %dma_wait3A_413 = arith.constant 4096 : i32
        %dma_wait3A_414 = tpu.memref_slice %arg5[%mul3A_2, %dma_wait3A_413] : memref<2048x8192xf32, #tpu.memory_space<hbm>> -> memref<1x4096xf32, #tpu.memory_space<hbm>>
        %dma_wait3A_415 = tpu.memref_squeeze %dma_wait3A_414 : memref<1x4096xf32, #tpu.memory_space<hbm>> -> memref<4096xf32, #tpu.memory_space<hbm>>
        %dma_wait3A_416 = arith.constant 4096 : i32
        %dma_wait3A_417 = tpu.memref_slice %arg5[%mul3A_2, %dma_wait3A_416] : memref<2048x8192xf32, #tpu.memory_space<hbm>> -> memref<1x4096xf32, #tpu.memory_space<hbm>>
        %dma_wait3A_418 = tpu.memref_squeeze %dma_wait3A_417 : memref<1x4096xf32, #tpu.memory_space<hbm>> -> memref<4096xf32, #tpu.memory_space<hbm>>
        tpu.wait_dma2 semaphore(%arg38 : memref<!tpu.dma_semaphore, #tpu.memory_space<semaphore_mem>>) src(%arg16 : memref<4096xf32, #tpu.memory_space<vmem>>) dst(%dma_wait3A_418 : memref<4096xf32, #tpu.memory_space<hbm>>)
        %dma_wait3A_419 = arith.constant 4096 : i32
        %dma_wait3A_420 = tpu.memref_slice %arg5[%mul3A_2, %dma_wait3A_419] : memref<2048x8192xf32, #tpu.memory_space<hbm>> -> memref<1x4096xf32, #tpu.memory_space<hbm>>
        %dma_wait3A_421 = tpu.memref_squeeze %dma_wait3A_420 : memref<1x4096xf32, #tpu.memory_space<hbm>> -> memref<4096xf32, #tpu.memory_space<hbm>>
        %dma_wait3A_422 = arith.constant 4096 : i32
        %dma_wait3A_423 = tpu.memref_slice %arg5[%mul3A_2, %dma_wait3A_422] : memref<2048x8192xf32, #tpu.memory_space<hbm>> -> memref<1x4096xf32, #tpu.memory_space<hbm>>
        %dma_wait3A_424 = tpu.memref_squeeze %dma_wait3A_423 : memref<1x4096xf32, #tpu.memory_space<hbm>> -> memref<4096xf32, #tpu.memory_space<hbm>>
        tpu.wait_dma2 semaphore(%arg40 : memref<!tpu.dma_semaphore, #tpu.memory_space<semaphore_mem>>) src(%arg18 : memref<4096xf32, #tpu.memory_space<vmem>>) dst(%dma_wait3A_424 : memref<4096xf32, #tpu.memory_space<hbm>>)
        %dma_wait3A_425 = arith.constant 4096 : i32
        %dma_wait3A_426 = tpu.memref_slice %arg5[%mul3A_2, %dma_wait3A_425] : memref<2048x8192xf32, #tpu.memory_space<hbm>> -> memref<1x4096xf32, #tpu.memory_space<hbm>>
        %dma_wait3A_427 = tpu.memref_squeeze %dma_wait3A_426 : memref<1x4096xf32, #tpu.memory_space<hbm>> -> memref<4096xf32, #tpu.memory_space<hbm>>
        %dma_wait3A_428 = arith.constant 4096 : i32
        %dma_wait3A_429 = tpu.memref_slice %arg5[%mul3A_2, %dma_wait3A_428] : memref<2048x8192xf32, #tpu.memory_space<hbm>> -> memref<1x4096xf32, #tpu.memory_space<hbm>>
        %dma_wait3A_430 = tpu.memref_squeeze %dma_wait3A_429 : memref<1x4096xf32, #tpu.memory_space<hbm>> -> memref<4096xf32, #tpu.memory_space<hbm>>
        tpu.wait_dma2 semaphore(%arg42 : memref<!tpu.dma_semaphore, #tpu.memory_space<semaphore_mem>>) src(%arg20 : memref<4096xf32, #tpu.memory_space<vmem>>) dst(%dma_wait3A_430 : memref<4096xf32, #tpu.memory_space<hbm>>)
        %dma_wait3A_431 = arith.constant 4096 : i32
        %dma_wait3A_432 = tpu.memref_slice %arg5[%mul3A_2, %dma_wait3A_431] : memref<2048x8192xf32, #tpu.memory_space<hbm>> -> memref<1x4096xf32, #tpu.memory_space<hbm>>
        %dma_wait3A_433 = tpu.memref_squeeze %dma_wait3A_432 : memref<1x4096xf32, #tpu.memory_space<hbm>> -> memref<4096xf32, #tpu.memory_space<hbm>>
        %dma_wait3A_434 = arith.constant 4096 : i32
        %dma_wait3A_435 = tpu.memref_slice %arg5[%mul3A_2, %dma_wait3A_434] : memref<2048x8192xf32, #tpu.memory_space<hbm>> -> memref<1x4096xf32, #tpu.memory_space<hbm>>
        %dma_wait3A_436 = tpu.memref_squeeze %dma_wait3A_435 : memref<1x4096xf32, #tpu.memory_space<hbm>> -> memref<4096xf32, #tpu.memory_space<hbm>>
        tpu.wait_dma2 semaphore(%arg44 : memref<!tpu.dma_semaphore, #tpu.memory_space<semaphore_mem>>) src(%arg22 : memref<4096xf32, #tpu.memory_space<vmem>>) dst(%dma_wait3A_436 : memref<4096xf32, #tpu.memory_space<hbm>>)
      } else {
      }
      %parallel_loop3A_361 = arith.constant 0 : i32
      %parallel_loop3A_362 = arith.constant 256 : i32
      %parallel_loop3A_363 = arith.constant 1 : i32
      scf.for %parallel_loop3A_413 = %parallel_loop3A_361 to %parallel_loop3A_362 step %parallel_loop3A_363  : i32 {
        %parallel_loop3A_414 = arith.constant 16 : i32
        %parallel_loop3A_415 = arith.muli %parallel_loop3A_413, %parallel_loop3A_414 : i32
        %parallel_loop3A_416 = arith.constant 4096 : i32
        %parallel_loop3A_417 = arith.addi %parallel_loop3A_416, %parallel_loop3A_415 : i32
        %parallel_loop3A_418 = arith.index_cast %parallel_loop3A_417 : i32 to index
        %parallel_loop3A_419 = tpu.vector_load %arg23[%parallel_loop3A_418] {strides = array<i32>} : memref<8192xi32, #tpu.memory_space<vmem>>, vector<16xi32>,
        %parallel_loop3A_420 = arith.constant 65535 : i32
        %parallel_loop3A_421 = vector.broadcast %parallel_loop3A_420 : i32 to vector<16xi32>
        %parallel_loop3A_422 = arith.andi %parallel_loop3A_419, %parallel_loop3A_421 : vector<16xi32>
        %parallel_loop3A_423 = arith.constant 16 : i32
        %parallel_loop3A_424 = vector.broadcast %parallel_loop3A_423 : i32 to vector<16xi32>
        %parallel_loop3A_425 = arith.shrui %parallel_loop3A_419, %parallel_loop3A_424 : vector<16xi32>
        %parallel_loop3A_426 = arith.index_cast %parallel_loop3A_417 : i32 to index
        %parallel_loop3A_427 = tpu.vector_load %arg24[%parallel_loop3A_426] {strides = array<i32>} : memref<8192xf32, #tpu.memory_space<vmem>>, vector<16xf32>,
        %parallel_loop3A_428 = vector.bitcast %parallel_loop3A_427 : vector<16xf32> to vector<32xbf16>
        %parallel_loop3A_429 = arith.index_cast %parallel_loop3A_417 : i32 to index
        %parallel_loop3A_430 = tpu.vector_load %arg25[%parallel_loop3A_429] {strides = array<i32>} : memref<8192xf32, #tpu.memory_space<vmem>>, vector<16xf32>,
        %parallel_loop3A_431 = vector.bitcast %parallel_loop3A_430 : vector<16xf32> to vector<32xbf16>
        %parallel_loop3A_432 = tpu.unpack_subelements %parallel_loop3A_428, 0 {pack_format = #tpu.pack_format<interleaved>} : vector<32xbf16> -> vector<16xf32>
        %parallel_loop3A_433 = tpu.unpack_subelements %parallel_loop3A_428, 1 {pack_format = #tpu.pack_format<interleaved>} : vector<32xbf16> -> vector<16xf32>
        %parallel_loop3A_434 = tpu.unpack_subelements %parallel_loop3A_431, 0 {pack_format = #tpu.pack_format<interleaved>} : vector<32xbf16> -> vector<16xf32>
        %parallel_loop3A_435 = tpu.unpack_subelements %parallel_loop3A_431, 1 {pack_format = #tpu.pack_format<interleaved>} : vector<32xbf16> -> vector<16xf32>
        %parallel_loop3A_436 = tpu.vector_load_idx %arg11[%parallel_loop3A_422] : memref<8192xf32, #tpu.memory_space<vmem>>[vector<16xi32>], vector<16xf32>,
        %parallel_loop3A_437 = tpu.vector_load_idx %arg11[%parallel_loop3A_425] : memref<8192xf32, #tpu.memory_space<vmem>>[vector<16xi32>], vector<16xf32>,
        %parallel_loop3A_438 = tpu.vector_load_idx %arg12[%parallel_loop3A_422] : memref<8192xf32, #tpu.memory_space<vmem>>[vector<16xi32>], vector<16xf32>,
        %parallel_loop3A_439 = tpu.vector_load_idx %arg12[%parallel_loop3A_425] : memref<8192xf32, #tpu.memory_space<vmem>>[vector<16xi32>], vector<16xf32>,
        %parallel_loop3A_440 = tpu.vector_load_idx %arg13[%parallel_loop3A_422] : memref<8192xf32, #tpu.memory_space<vmem>>[vector<16xi32>], vector<16xf32>,
        %parallel_loop3A_441 = tpu.vector_load_idx %arg13[%parallel_loop3A_425] : memref<8192xf32, #tpu.memory_space<vmem>>[vector<16xi32>], vector<16xf32>,
        %parallel_loop3A_442 = tpu.vector_load_idx %arg14[%parallel_loop3A_422] : memref<8192xf32, #tpu.memory_space<vmem>>[vector<16xi32>], vector<16xf32>,
        %parallel_loop3A_443 = tpu.vector_load_idx %arg14[%parallel_loop3A_425] : memref<8192xf32, #tpu.memory_space<vmem>>[vector<16xi32>], vector<16xf32>,
        %parallel_loop3A_444 = arith.mulf %parallel_loop3A_433, %parallel_loop3A_436 : vector<16xf32>
        %parallel_loop3A_445 = arith.addf %parallel_loop3A_432, %parallel_loop3A_444 : vector<16xf32>
        %parallel_loop3A_446 = arith.mulf %parallel_loop3A_435, %parallel_loop3A_436 : vector<16xf32>
        %parallel_loop3A_447 = arith.addf %parallel_loop3A_434, %parallel_loop3A_446 : vector<16xf32>
        %parallel_loop3A_448 = arith.mulf %parallel_loop3A_437, %parallel_loop3A_447 : vector<16xf32>
        %parallel_loop3A_449 = arith.addf %parallel_loop3A_445, %parallel_loop3A_448 : vector<16xf32>
        %parallel_loop3A_450 = arith.index_cast %parallel_loop3A_415 : i32 to index
        %parallel_loop3A_451 = tpu.vector_load %arg16[%parallel_loop3A_450] {strides = array<i32>} : memref<4096xf32, #tpu.memory_space<vmem>>, vector<16xf32>,
        tpu.vector_store %arg16[%parallel_loop3A_450], %parallel_loop3A_449 {strides = array<i32>} : memref<4096xf32, #tpu.memory_space<vmem>>, vector<16xf32>,
        %parallel_loop3A_452 = arith.mulf %parallel_loop3A_433, %parallel_loop3A_438 : vector<16xf32>
        %parallel_loop3A_453 = arith.addf %parallel_loop3A_432, %parallel_loop3A_452 : vector<16xf32>
        %parallel_loop3A_454 = arith.mulf %parallel_loop3A_435, %parallel_loop3A_438 : vector<16xf32>
        %parallel_loop3A_455 = arith.addf %parallel_loop3A_434, %parallel_loop3A_454 : vector<16xf32>
        %parallel_loop3A_456 = arith.mulf %parallel_loop3A_439, %parallel_loop3A_455 : vector<16xf32>
        %parallel_loop3A_457 = arith.addf %parallel_loop3A_453, %parallel_loop3A_456 : vector<16xf32>
        %parallel_loop3A_458 = arith.index_cast %parallel_loop3A_415 : i32 to index
        %parallel_loop3A_459 = tpu.vector_load %arg18[%parallel_loop3A_458] {strides = array<i32>} : memref<4096xf32, #tpu.memory_space<vmem>>, vector<16xf32>,
        tpu.vector_store %arg18[%parallel_loop3A_458], %parallel_loop3A_457 {strides = array<i32>} : memref<4096xf32, #tpu.memory_space<vmem>>, vector<16xf32>,
        %parallel_loop3A_460 = arith.mulf %parallel_loop3A_433, %parallel_loop3A_440 : vector<16xf32>
        %parallel_loop3A_461 = arith.addf %parallel_loop3A_432, %parallel_loop3A_460 : vector<16xf32>
        %parallel_loop3A_462 = arith.mulf %parallel_loop3A_435, %parallel_loop3A_440 : vector<16xf32>
        %parallel_loop3A_463 = arith.addf %parallel_loop3A_434, %parallel_loop3A_462 : vector<16xf32>
        %parallel_loop3A_464 = arith.mulf %parallel_loop3A_441, %parallel_loop3A_463 : vector<16xf32>
        %parallel_loop3A_465 = arith.addf %parallel_loop3A_461, %parallel_loop3A_464 : vector<16xf32>
        %parallel_loop3A_466 = arith.index_cast %parallel_loop3A_415 : i32 to index
        %parallel_loop3A_467 = tpu.vector_load %arg20[%parallel_loop3A_466] {strides = array<i32>} : memref<4096xf32, #tpu.memory_space<vmem>>, vector<16xf32>,
        tpu.vector_store %arg20[%parallel_loop3A_466], %parallel_loop3A_465 {strides = array<i32>} : memref<4096xf32, #tpu.memory_space<vmem>>, vector<16xf32>,
        %parallel_loop3A_468 = arith.mulf %parallel_loop3A_433, %parallel_loop3A_442 : vector<16xf32>
        %parallel_loop3A_469 = arith.addf %parallel_loop3A_432, %parallel_loop3A_468 : vector<16xf32>
        %parallel_loop3A_470 = arith.mulf %parallel_loop3A_435, %parallel_loop3A_442 : vector<16xf32>
        %parallel_loop3A_471 = arith.addf %parallel_loop3A_434, %parallel_loop3A_470 : vector<16xf32>
        %parallel_loop3A_472 = arith.mulf %parallel_loop3A_443, %parallel_loop3A_471 : vector<16xf32>
        %parallel_loop3A_473 = arith.addf %parallel_loop3A_469, %parallel_loop3A_472 : vector<16xf32>
        %parallel_loop3A_474 = arith.index_cast %parallel_loop3A_415 : i32 to index
        %parallel_loop3A_475 = tpu.vector_load %arg22[%parallel_loop3A_474] {strides = array<i32>} : memref<4096xf32, #tpu.memory_space<vmem>>, vector<16xf32>,
        tpu.vector_store %arg22[%parallel_loop3A_474], %parallel_loop3A_473 {strides = array<i32>} : memref<4096xf32, #tpu.memory_space<vmem>>, vector<16xf32>,
      } {sc.loop_unroll_factor = 4 : i64, sc.parallel_access}
      %mul3A_364 = arith.constant 4 : i32
      %mul3A_365 = arith.muli %mul3A_364, %add3A_279 : i32
      %add3A_366 = arith.addi %mul3A_2, %mul3A_365 : i32
      %add3A_367 = arith.constant 0 : i32
      %add3A_368 = arith.addi %add3A_366, %add3A_367 : i32
      %dma_start3A_369 = arith.constant 4096 : i32
      %dma_start3A_370 = tpu.memref_slice %arg5[%add3A_368, %dma_start3A_369] : memref<2048x8192xf32, #tpu.memory_space<hbm>> -> memref<1x4096xf32, #tpu.memory_space<hbm>>
      %dma_start3A_371 = tpu.memref_squeeze %dma_start3A_370 : memref<1x4096xf32, #tpu.memory_space<hbm>> -> memref<4096xf32, #tpu.memory_space<hbm>>
      %dma_start3A_372 = arith.constant 4096 : i32
      %dma_start3A_373 = tpu.memref_slice %arg5[%add3A_368, %dma_start3A_372] : memref<2048x8192xf32, #tpu.memory_space<hbm>> -> memref<1x4096xf32, #tpu.memory_space<hbm>>
      %dma_start3A_374 = tpu.memref_squeeze %dma_start3A_373 : memref<1x4096xf32, #tpu.memory_space<hbm>> -> memref<4096xf32, #tpu.memory_space<hbm>>
      tpu.enqueue_dma source(%arg16 : memref<4096xf32, #tpu.memory_space<vmem>>) target(%dma_start3A_374 : memref<4096xf32, #tpu.memory_space<hbm>>) target_semaphore(%arg38 : memref<!tpu.dma_semaphore, #tpu.memory_space<semaphore_mem>>)
      %mul3A_375 = arith.constant 4 : i32
      %mul3A_376 = arith.muli %mul3A_375, %add3A_279 : i32
      %add3A_377 = arith.addi %mul3A_2, %mul3A_376 : i32
      %add3A_378 = arith.constant 1 : i32
      %add3A_379 = arith.addi %add3A_377, %add3A_378 : i32
      %dma_start3A_380 = arith.constant 4096 : i32
      %dma_start3A_381 = tpu.memref_slice %arg5[%add3A_379, %dma_start3A_380] : memref<2048x8192xf32, #tpu.memory_space<hbm>> -> memref<1x4096xf32, #tpu.memory_space<hbm>>
      %dma_start3A_382 = tpu.memref_squeeze %dma_start3A_381 : memref<1x4096xf32, #tpu.memory_space<hbm>> -> memref<4096xf32, #tpu.memory_space<hbm>>
      %dma_start3A_383 = arith.constant 4096 : i32
      %dma_start3A_384 = tpu.memref_slice %arg5[%add3A_379, %dma_start3A_383] : memref<2048x8192xf32, #tpu.memory_space<hbm>> -> memref<1x4096xf32, #tpu.memory_space<hbm>>
      %dma_start3A_385 = tpu.memref_squeeze %dma_start3A_384 : memref<1x4096xf32, #tpu.memory_space<hbm>> -> memref<4096xf32, #tpu.memory_space<hbm>>
      tpu.enqueue_dma source(%arg18 : memref<4096xf32, #tpu.memory_space<vmem>>) target(%dma_start3A_385 : memref<4096xf32, #tpu.memory_space<hbm>>) target_semaphore(%arg40 : memref<!tpu.dma_semaphore, #tpu.memory_space<semaphore_mem>>)
      %mul3A_386 = arith.constant 4 : i32
      %mul3A_387 = arith.muli %mul3A_386, %add3A_279 : i32
      %add3A_388 = arith.addi %mul3A_2, %mul3A_387 : i32
      %add3A_389 = arith.constant 2 : i32
      %add3A_390 = arith.addi %add3A_388, %add3A_389 : i32
      %dma_start3A_391 = arith.constant 4096 : i32
      %dma_start3A_392 = tpu.memref_slice %arg5[%add3A_390, %dma_start3A_391] : memref<2048x8192xf32, #tpu.memory_space<hbm>> -> memref<1x4096xf32, #tpu.memory_space<hbm>>
      %dma_start3A_393 = tpu.memref_squeeze %dma_start3A_392 : memref<1x4096xf32, #tpu.memory_space<hbm>> -> memref<4096xf32, #tpu.memory_space<hbm>>
      %dma_start3A_394 = arith.constant 4096 : i32
      %dma_start3A_395 = tpu.memref_slice %arg5[%add3A_390, %dma_start3A_394] : memref<2048x8192xf32, #tpu.memory_space<hbm>> -> memref<1x4096xf32, #tpu.memory_space<hbm>>
      %dma_start3A_396 = tpu.memref_squeeze %dma_start3A_395 : memref<1x4096xf32, #tpu.memory_space<hbm>> -> memref<4096xf32, #tpu.memory_space<hbm>>
      tpu.enqueue_dma source(%arg20 : memref<4096xf32, #tpu.memory_space<vmem>>) target(%dma_start3A_396 : memref<4096xf32, #tpu.memory_space<hbm>>) target_semaphore(%arg42 : memref<!tpu.dma_semaphore, #tpu.memory_space<semaphore_mem>>)
      %mul3A_397 = arith.constant 4 : i32
      %mul3A_398 = arith.muli %mul3A_397, %add3A_279 : i32
      %add3A_399 = arith.addi %mul3A_2, %mul3A_398 : i32
      %add3A_400 = arith.constant 3 : i32
      %add3A_401 = arith.addi %add3A_399, %add3A_400 : i32
      %dma_start3A_402 = arith.constant 4096 : i32
      %dma_start3A_403 = tpu.memref_slice %arg5[%add3A_401, %dma_start3A_402] : memref<2048x8192xf32, #tpu.memory_space<hbm>> -> memref<1x4096xf32, #tpu.memory_space<hbm>>
      %dma_start3A_404 = tpu.memref_squeeze %dma_start3A_403 : memref<1x4096xf32, #tpu.memory_space<hbm>> -> memref<4096xf32, #tpu.memory_space<hbm>>
      %dma_start3A_405 = arith.constant 4096 : i32
      %dma_start3A_406 = tpu.memref_slice %arg5[%add3A_401, %dma_start3A_405] : memref<2048x8192xf32, #tpu.memory_space<hbm>> -> memref<1x4096xf32, #tpu.memory_space<hbm>>
      %dma_start3A_407 = tpu.memref_squeeze %dma_start3A_406 : memref<1x4096xf32, #tpu.memory_space<hbm>> -> memref<4096xf32, #tpu.memory_space<hbm>>
      tpu.enqueue_dma source(%arg22 : memref<4096xf32, #tpu.memory_space<vmem>>) target(%dma_start3A_407 : memref<4096xf32, #tpu.memory_space<hbm>>) target_semaphore(%arg44 : memref<!tpu.dma_semaphore, #tpu.memory_space<semaphore_mem>>)
      %lt3A_408 = arith.constant 14 : i32
      %lt3A_409 = arith.cmpi slt, %add3A_279, %lt3A_408 : i32
      %convert_element_type3A_410 = arith.extui %lt3A_409 : i1 to i32
      %cond3A_411 = arith.constant 0 : i32
      %cond3A_412 = arith.cmpi ne, %convert_element_type3A_410, %cond3A_411 : i32
      scf.if %cond3A_412 {
        %mul3A_413 = arith.constant 4 : i32
        %mul3A_414 = arith.muli %mul3A_413, %add3A_279 : i32
        %add3A_415 = arith.addi %mul3A_2, %mul3A_414 : i32
        %add3A_416 = arith.constant 8 : i32
        %add3A_417 = arith.addi %add3A_415, %add3A_416 : i32
        %add3A_418 = arith.constant 0 : i32
        %add3A_419 = arith.addi %add3A_417, %add3A_418 : i32
        %dma_start3A_420 = arith.constant 0 : i32
        %dma_start3A_421 = tpu.memref_slice %arg2[%add3A_419, %dma_start3A_420] : memref<2048x8192xf32, #tpu.memory_space<hbm>> -> memref<1x8192xf32, #tpu.memory_space<hbm>>
        %dma_start3A_422 = tpu.memref_squeeze %dma_start3A_421 : memref<1x8192xf32, #tpu.memory_space<hbm>> -> memref<8192xf32, #tpu.memory_space<hbm>>
        %dma_start3A_423 = arith.constant 0 : i32
        %dma_start3A_424 = tpu.memref_slice %arg2[%add3A_419, %dma_start3A_423] : memref<2048x8192xf32, #tpu.memory_space<hbm>> -> memref<1x8192xf32, #tpu.memory_space<hbm>>
        %dma_start3A_425 = tpu.memref_squeeze %dma_start3A_424 : memref<1x8192xf32, #tpu.memory_space<hbm>> -> memref<8192xf32, #tpu.memory_space<hbm>>
        tpu.enqueue_dma source(%dma_start3A_425 : memref<8192xf32, #tpu.memory_space<hbm>>) target(%arg11 : memref<8192xf32, #tpu.memory_space<vmem>>) target_semaphore(%arg33 : memref<!tpu.dma_semaphore, #tpu.memory_space<semaphore_mem>>)
        %mul3A_426 = arith.constant 4 : i32
        %mul3A_427 = arith.muli %mul3A_426, %add3A_279 : i32
        %add3A_428 = arith.addi %mul3A_2, %mul3A_427 : i32
        %add3A_429 = arith.constant 8 : i32
        %add3A_430 = arith.addi %add3A_428, %add3A_429 : i32
        %add3A_431 = arith.constant 1 : i32
        %add3A_432 = arith.addi %add3A_430, %add3A_431 : i32
        %dma_start3A_433 = arith.constant 0 : i32
        %dma_start3A_434 = tpu.memref_slice %arg2[%add3A_432, %dma_start3A_433] : memref<2048x8192xf32, #tpu.memory_space<hbm>> -> memref<1x8192xf32, #tpu.memory_space<hbm>>
        %dma_start3A_435 = tpu.memref_squeeze %dma_start3A_434 : memref<1x8192xf32, #tpu.memory_space<hbm>> -> memref<8192xf32, #tpu.memory_space<hbm>>
        %dma_start3A_436 = arith.constant 0 : i32
        %dma_start3A_437 = tpu.memref_slice %arg2[%add3A_432, %dma_start3A_436] : memref<2048x8192xf32, #tpu.memory_space<hbm>> -> memref<1x8192xf32, #tpu.memory_space<hbm>>
        %dma_start3A_438 = tpu.memref_squeeze %dma_start3A_437 : memref<1x8192xf32, #tpu.memory_space<hbm>> -> memref<8192xf32, #tpu.memory_space<hbm>>
        tpu.enqueue_dma source(%dma_start3A_438 : memref<8192xf32, #tpu.memory_space<hbm>>) target(%arg12 : memref<8192xf32, #tpu.memory_space<vmem>>) target_semaphore(%arg34 : memref<!tpu.dma_semaphore, #tpu.memory_space<semaphore_mem>>)
        %mul3A_439 = arith.constant 4 : i32
        %mul3A_440 = arith.muli %mul3A_439, %add3A_279 : i32
        %add3A_441 = arith.addi %mul3A_2, %mul3A_440 : i32
        %add3A_442 = arith.constant 8 : i32
        %add3A_443 = arith.addi %add3A_441, %add3A_442 : i32
        %add3A_444 = arith.constant 2 : i32
        %add3A_445 = arith.addi %add3A_443, %add3A_444 : i32
        %dma_start3A_446 = arith.constant 0 : i32
        %dma_start3A_447 = tpu.memref_slice %arg2[%add3A_445, %dma_start3A_446] : memref<2048x8192xf32, #tpu.memory_space<hbm>> -> memref<1x8192xf32, #tpu.memory_space<hbm>>
        %dma_start3A_448 = tpu.memref_squeeze %dma_start3A_447 : memref<1x8192xf32, #tpu.memory_space<hbm>> -> memref<8192xf32, #tpu.memory_space<hbm>>
        %dma_start3A_449 = arith.constant 0 : i32
        %dma_start3A_450 = tpu.memref_slice %arg2[%add3A_445, %dma_start3A_449] : memref<2048x8192xf32, #tpu.memory_space<hbm>> -> memref<1x8192xf32, #tpu.memory_space<hbm>>
        %dma_start3A_451 = tpu.memref_squeeze %dma_start3A_450 : memref<1x8192xf32, #tpu.memory_space<hbm>> -> memref<8192xf32, #tpu.memory_space<hbm>>
        tpu.enqueue_dma source(%dma_start3A_451 : memref<8192xf32, #tpu.memory_space<hbm>>) target(%arg13 : memref<8192xf32, #tpu.memory_space<vmem>>) target_semaphore(%arg35 : memref<!tpu.dma_semaphore, #tpu.memory_space<semaphore_mem>>)
        %mul3A_452 = arith.constant 4 : i32
        %mul3A_453 = arith.muli %mul3A_452, %add3A_279 : i32
        %add3A_454 = arith.addi %mul3A_2, %mul3A_453 : i32
        %add3A_455 = arith.constant 8 : i32
        %add3A_456 = arith.addi %add3A_454, %add3A_455 : i32
        %add3A_457 = arith.constant 3 : i32
        %add3A_458 = arith.addi %add3A_456, %add3A_457 : i32
        %dma_start3A_459 = arith.constant 0 : i32
        %dma_start3A_460 = tpu.memref_slice %arg2[%add3A_458, %dma_start3A_459] : memref<2048x8192xf32, #tpu.memory_space<hbm>> -> memref<1x8192xf32, #tpu.memory_space<hbm>>
        %dma_start3A_461 = tpu.memref_squeeze %dma_start3A_460 : memref<1x8192xf32, #tpu.memory_space<hbm>> -> memref<8192xf32, #tpu.memory_space<hbm>>
        %dma_start3A_462 = arith.constant 0 : i32
        %dma_start3A_463 = tpu.memref_slice %arg2[%add3A_458, %dma_start3A_462] : memref<2048x8192xf32, #tpu.memory_space<hbm>> -> memref<1x8192xf32, #tpu.memory_space<hbm>>
        %dma_start3A_464 = tpu.memref_squeeze %dma_start3A_463 : memref<1x8192xf32, #tpu.memory_space<hbm>> -> memref<8192xf32, #tpu.memory_space<hbm>>
        tpu.enqueue_dma source(%dma_start3A_464 : memref<8192xf32, #tpu.memory_space<hbm>>) target(%arg14 : memref<8192xf32, #tpu.memory_space<vmem>>) target_semaphore(%arg36 : memref<!tpu.dma_semaphore, #tpu.memory_space<semaphore_mem>>)
      } else {
      }
    }
    %scan3A_95 = arith.constant 8 : i32
    %dma_wait3A = arith.constant 0 : i32
    %dma_wait3A_96 = tpu.memref_slice %arg5[%mul3A_2, %dma_wait3A] : memref<2048x8192xf32, #tpu.memory_space<hbm>> -> memref<1x4096xf32, #tpu.memory_space<hbm>>
    %dma_wait3A_97 = tpu.memref_squeeze %dma_wait3A_96 : memref<1x4096xf32, #tpu.memory_space<hbm>> -> memref<4096xf32, #tpu.memory_space<hbm>>
    %dma_wait3A_98 = arith.constant 0 : i32
    %dma_wait3A_99 = tpu.memref_slice %arg5[%mul3A_2, %dma_wait3A_98] : memref<2048x8192xf32, #tpu.memory_space<hbm>> -> memref<1x4096xf32, #tpu.memory_space<hbm>>
    %dma_wait3A_100 = tpu.memref_squeeze %dma_wait3A_99 : memref<1x4096xf32, #tpu.memory_space<hbm>> -> memref<4096xf32, #tpu.memory_space<hbm>>
    tpu.wait_dma2 semaphore(%arg37 : memref<!tpu.dma_semaphore, #tpu.memory_space<semaphore_mem>>) src(%arg15 : memref<4096xf32, #tpu.memory_space<vmem>>) dst(%dma_wait3A_100 : memref<4096xf32, #tpu.memory_space<hbm>>)
    %dma_wait3A_101 = arith.constant 4096 : i32
    %dma_wait3A_102 = tpu.memref_slice %arg5[%mul3A_2, %dma_wait3A_101] : memref<2048x8192xf32, #tpu.memory_space<hbm>> -> memref<1x4096xf32, #tpu.memory_space<hbm>>
    %dma_wait3A_103 = tpu.memref_squeeze %dma_wait3A_102 : memref<1x4096xf32, #tpu.memory_space<hbm>> -> memref<4096xf32, #tpu.memory_space<hbm>>
    %dma_wait3A_104 = arith.constant 4096 : i32
    %dma_wait3A_105 = tpu.memref_slice %arg5[%mul3A_2, %dma_wait3A_104] : memref<2048x8192xf32, #tpu.memory_space<hbm>> -> memref<1x4096xf32, #tpu.memory_space<hbm>>
    %dma_wait3A_106 = tpu.memref_squeeze %dma_wait3A_105 : memref<1x4096xf32, #tpu.memory_space<hbm>> -> memref<4096xf32, #tpu.memory_space<hbm>>
    tpu.wait_dma2 semaphore(%arg38 : memref<!tpu.dma_semaphore, #tpu.memory_space<semaphore_mem>>) src(%arg16 : memref<4096xf32, #tpu.memory_space<vmem>>) dst(%dma_wait3A_106 : memref<4096xf32, #tpu.memory_space<hbm>>)
    %dma_wait3A_107 = arith.constant 0 : i32
    %dma_wait3A_108 = tpu.memref_slice %arg5[%mul3A_2, %dma_wait3A_107] : memref<2048x8192xf32, #tpu.memory_space<hbm>> -> memref<1x4096xf32, #tpu.memory_space<hbm>>
    %dma_wait3A_109 = tpu.memref_squeeze %dma_wait3A_108 : memref<1x4096xf32, #tpu.memory_space<hbm>> -> memref<4096xf32, #tpu.memory_space<hbm>>
    %dma_wait3A_110 = arith.constant 0 : i32
    %dma_wait3A_111 = tpu.memref_slice %arg5[%mul3A_2, %dma_wait3A_110] : memref<2048x8192xf32, #tpu.memory_space<hbm>> -> memref<1x4096xf32, #tpu.memory_space<hbm>>
    %dma_wait3A_112 = tpu.memref_squeeze %dma_wait3A_111 : memref<1x4096xf32, #tpu.memory_space<hbm>> -> memref<4096xf32, #tpu.memory_space<hbm>>
    tpu.wait_dma2 semaphore(%arg39 : memref<!tpu.dma_semaphore, #tpu.memory_space<semaphore_mem>>) src(%arg17 : memref<4096xf32, #tpu.memory_space<vmem>>) dst(%dma_wait3A_112 : memref<4096xf32, #tpu.memory_space<hbm>>)
    %dma_wait3A_113 = arith.constant 4096 : i32
    %dma_wait3A_114 = tpu.memref_slice %arg5[%mul3A_2, %dma_wait3A_113] : memref<2048x8192xf32, #tpu.memory_space<hbm>> -> memref<1x4096xf32, #tpu.memory_space<hbm>>
    %dma_wait3A_115 = tpu.memref_squeeze %dma_wait3A_114 : memref<1x4096xf32, #tpu.memory_space<hbm>> -> memref<4096xf32, #tpu.memory_space<hbm>>
    %dma_wait3A_116 = arith.constant 4096 : i32
    %dma_wait3A_117 = tpu.memref_slice %arg5[%mul3A_2, %dma_wait3A_116] : memref<2048x8192xf32, #tpu.memory_space<hbm>> -> memref<1x4096xf32, #tpu.memory_space<hbm>>
    %dma_wait3A_118 = tpu.memref_squeeze %dma_wait3A_117 : memref<1x4096xf32, #tpu.memory_space<hbm>> -> memref<4096xf32, #tpu.memory_space<hbm>>
    tpu.wait_dma2 semaphore(%arg40 : memref<!tpu.dma_semaphore, #tpu.memory_space<semaphore_mem>>) src(%arg18 : memref<4096xf32, #tpu.memory_space<vmem>>) dst(%dma_wait3A_118 : memref<4096xf32, #tpu.memory_space<hbm>>)
    %dma_wait3A_119 = arith.constant 0 : i32
    %dma_wait3A_120 = tpu.memref_slice %arg5[%mul3A_2, %dma_wait3A_119] : memref<2048x8192xf32, #tpu.memory_space<hbm>> -> memref<1x4096xf32, #tpu.memory_space<hbm>>
    %dma_wait3A_121 = tpu.memref_squeeze %dma_wait3A_120 : memref<1x4096xf32, #tpu.memory_space<hbm>> -> memref<4096xf32, #tpu.memory_space<hbm>>
    %dma_wait3A_122 = arith.constant 0 : i32
    %dma_wait3A_123 = tpu.memref_slice %arg5[%mul3A_2, %dma_wait3A_122] : memref<2048x8192xf32, #tpu.memory_space<hbm>> -> memref<1x4096xf32, #tpu.memory_space<hbm>>
    %dma_wait3A_124 = tpu.memref_squeeze %dma_wait3A_123 : memref<1x4096xf32, #tpu.memory_space<hbm>> -> memref<4096xf32, #tpu.memory_space<hbm>>
    tpu.wait_dma2 semaphore(%arg41 : memref<!tpu.dma_semaphore, #tpu.memory_space<semaphore_mem>>) src(%arg19 : memref<4096xf32, #tpu.memory_space<vmem>>) dst(%dma_wait3A_124 : memref<4096xf32, #tpu.memory_space<hbm>>)
    %dma_wait3A_125 = arith.constant 4096 : i32
    %dma_wait3A_126 = tpu.memref_slice %arg5[%mul3A_2, %dma_wait3A_125] : memref<2048x8192xf32, #tpu.memory_space<hbm>> -> memref<1x4096xf32, #tpu.memory_space<hbm>>
    %dma_wait3A_127 = tpu.memref_squeeze %dma_wait3A_126 : memref<1x4096xf32, #tpu.memory_space<hbm>> -> memref<4096xf32, #tpu.memory_space<hbm>>
    %dma_wait3A_128 = arith.constant 4096 : i32
    %dma_wait3A_129 = tpu.memref_slice %arg5[%mul3A_2, %dma_wait3A_128] : memref<2048x8192xf32, #tpu.memory_space<hbm>> -> memref<1x4096xf32, #tpu.memory_space<hbm>>
    %dma_wait3A_130 = tpu.memref_squeeze %dma_wait3A_129 : memref<1x4096xf32, #tpu.memory_space<hbm>> -> memref<4096xf32, #tpu.memory_space<hbm>>
    tpu.wait_dma2 semaphore(%arg42 : memref<!tpu.dma_semaphore, #tpu.memory_space<semaphore_mem>>) src(%arg20 : memref<4096xf32, #tpu.memory_space<vmem>>) dst(%dma_wait3A_130 : memref<4096xf32, #tpu.memory_space<hbm>>)
    %dma_wait3A_131 = arith.constant 0 : i32
    %dma_wait3A_132 = tpu.memref_slice %arg5[%mul3A_2, %dma_wait3A_131] : memref<2048x8192xf32, #tpu.memory_space<hbm>> -> memref<1x4096xf32, #tpu.memory_space<hbm>>
    %dma_wait3A_133 = tpu.memref_squeeze %dma_wait3A_132 : memref<1x4096xf32, #tpu.memory_space<hbm>> -> memref<4096xf32, #tpu.memory_space<hbm>>
    %dma_wait3A_134 = arith.constant 0 : i32
    %dma_wait3A_135 = tpu.memref_slice %arg5[%mul3A_2, %dma_wait3A_134] : memref<2048x8192xf32, #tpu.memory_space<hbm>> -> memref<1x4096xf32, #tpu.memory_space<hbm>>
    %dma_wait3A_136 = tpu.memref_squeeze %dma_wait3A_135 : memref<1x4096xf32, #tpu.memory_space<hbm>> -> memref<4096xf32, #tpu.memory_space<hbm>>
    tpu.wait_dma2 semaphore(%arg43 : memref<!tpu.dma_semaphore, #tpu.memory_space<semaphore_mem>>) src(%arg21 : memref<4096xf32, #tpu.memory_space<vmem>>) dst(%dma_wait3A_136 : memref<4096xf32, #tpu.memory_space<hbm>>)
    %dma_wait3A_137 = arith.constant 4096 : i32
    %dma_wait3A_138 = tpu.memref_slice %arg5[%mul3A_2, %dma_wait3A_137] : memref<2048x8192xf32, #tpu.memory_space<hbm>> -> memref<1x4096xf32, #tpu.memory_space<hbm>>
    %dma_wait3A_139 = tpu.memref_squeeze %dma_wait3A_138 : memref<1x4096xf32, #tpu.memory_space<hbm>> -> memref<4096xf32, #tpu.memory_space<hbm>>
    %dma_wait3A_140 = arith.constant 4096 : i32
    %dma_wait3A_141 = tpu.memref_slice %arg5[%mul3A_2, %dma_wait3A_140] : memref<2048x8192xf32, #tpu.memory_space<hbm>> -> memref<1x4096xf32, #tpu.memory_space<hbm>>
    %dma_wait3A_142 = tpu.memref_squeeze %dma_wait3A_141 : memref<1x4096xf32, #tpu.memory_space<hbm>> -> memref<4096xf32, #tpu.memory_space<hbm>>
    tpu.wait_dma2 semaphore(%arg44 : memref<!tpu.dma_semaphore, #tpu.memory_space<semaphore_mem>>) src(%arg22 : memref<4096xf32, #tpu.memory_space<vmem>>) dst(%dma_wait3A_142 : memref<4096xf32, #tpu.memory_space<hbm>>)
    return
  }
}

</mosaic_0001>

<sc_bundles>
// kernel: kernel.3.cloned.1.call-start
scs
__scs_entry_jumppad:
0x0: {  	(pc) =	sbr.rel $0x88, $3  }
0x1: {  	(tag) =	ssettag $0x0;
	lr =	simm.s32 $0x1  }
0x2: {  	[smem:$0x3F9D] =	sst lr;
	_ =	strace $0xD0000000  }
0x3: {  	_ = 	snop  }
0x4: {  	_ = 	snop  }
0x5: {  	_ = 	snop  }
0x6: {  	_ = 	snop  }
0x7: {  	_ = 	snop  }
__scs_overlays_trampoline_lowered:
0x8: {  	[smem:$0x3FAC] =	sst s0  }
0x9: {  	[smem:$0x3FAD] =	sst s1  }
0xa: {  	[smem:$0x3FAE] =	sst s2  }
0xb: {  	[smem:$0x3FAF] =	sst s3  }
0xc: {  	[smem:$0x3FB0] =	sst s4  }
0xd: {  	[smem:$0x3FB1] =	sst s5  }
0xe: {  	[smem:$0x3FB2] =	sst s6  }
0xf: {  	[smem:$0x3FB3] =	sst s7  }
0x10: {  	[smem:$0x3FB4] =	sst s8  }
0x11: {  	[smem:$0x3FB5] =	sst s9;
	s0 =	simm.s32 @!p0 $0x0  }
0x12: {  	s1 =	sld [smem:$0x3F9B];
	s0 =	simm.s32 @p0 $0x1  }
0x13: {  	[smem:$0x3FB6] =	sst s0;
	s0 =	simm.s32 @!p1 $0x0  }
0x14: {  	s2 =	sld [smem:$0x3F9A];
	s0 =	simm.s32 @p1 $0x1  }
0x15: {  	[smem:$0x3FB7] =	sst s0;
	s0 =	simm.s32 @!p2 $0x0  }
0x16: {  	s3 =	sld [smem:$0x3FDB];
	s0 =	simm.s32 @p2 $0x1  }
0x17: {  	s4 =	simm.s32 $0x1BF5;
	[smem:$0x3FB9] =	sst s0  }
0x18: {  	s0 =	sld [smem:$0x3F9C];
	_ =	swait.ge [sflag:s4], $0x0  }
0x19: {  	s7 =	sld [smem:$0x3F9D]  }
0x1a: {  	s8 =	sadd.s32 $0xFFFFE003, lr  }
0x1b: {  	s9 =	sadd.s32 $0xFFFFFEF7, lr;
	s5 =	simm.s32 $0xFFFFFFFF;
	p2 =	slt.u32 s8, $0xFFFFF086  }
0x1c: {  	p1 =	slt.u32 s9, $0xF7A;
	s5 =	simm.s32 @!p2 $0x0  }
0x1d: {  	s5 =	simm.s32 @p1 $0x1;
	p0 =	seq.s32 s7, s2  }
0x1e: {  	s7 =	smul.u32 @!p0 $0xF7A, s2;
	p2 =	seq.s32 @!p0 s5, $0x0  }
0x1f: {  	s9 =	smul.u32 $0xF7A, s1;
	s8 =	simm.s32 @!p0 $0x1BF5;
	p2 =	por !p2, p0  }
0x20: {  	[sflag:s8] =	ssyncset.s32 @!p0 $0xFFFFF086;
	s6 =	sadd.s32 @!p0 s3, s7;
	s7 =	simm.s32 @!p0 $0x108  }
0x21: {  	s3 =	sadd.s32 s3, s9;
	s6 =	sadd.s32 @!p0 $0x88, s6;
	s7 =	simm.s32 @p2 $0x1082  }
0x22: {  	[simem:s7], [sflag:s8] =	dma.local @!p0 [hbm:s6], $0xF7A  }
0x23: {  	s9 =	sor.u32 $0xD0000000, s2;
	s6 =	simm.s32 $0x108;
	_ =	swait.ge @!p0 [sflag:s8], $0x0  }
0x24: {  	s3 =	sadd.s32 $0x88, s3;
	s6 =	simm.s32 @!p1 $0x1082;
	[sflag:s4] =	ssyncset.s32 $0xFFFFF086  }
0x25: {  	[simem:s6], [sflag:s4] =	dma.local [hbm:s3], $0xF7A  }
0x26: {  	[smem:$0x3F9D] =	sst s1;
	(tag) =	ssettag s2;
	_ =	strace s9  }
0x27: {  	s1 =	sld [smem:$0x3FAD]  }
0x28: {  	s2 =	sld [smem:$0x3FAE]  }
0x29: {  	s4 =	sld [smem:$0x3FB0]  }
0x2a: {  	p0 =	seq.s32 s5, $0x0;
	s5 =	sld [smem:$0x3FB1]  }
0x2b: {  	s6 =	sld [smem:$0x3FB2]  }
0x2c: {  	s7 =	sld [smem:$0x3FB3]  }
0x2d: {  	s3 =	simm.s32 $0x108;
	s8 =	sld [smem:$0x3FB4]  }
0x2e: {  	s3 =	simm.s32 @!p0 $0x1082;
	s9 =	sld [smem:$0x3FB5]  }
0x2f: {  	lr =	sadd.s32 s0, s3;
	s0 =	sld [smem:$0x3FAC]  }
0x30: {  	s3 =	sld [smem:$0x3FAF]  }
0x31: {  	[smem:$0x3FB8] =	sst s10  }
0x32: {  	s10 =	sld [smem:$0x3FB6];
	_ =	sdelay $0x3  }
0x33: {  	p0 =	seq.s32 s10, $0x1;
	s10 =	sld [smem:$0x3FB8];
	_ =	sdelay $0x3  }
0x34: {  	[smem:$0x3FB8] =	sst s10  }
0x35: {  	s10 =	sld [smem:$0x3FB7];
	_ =	sdelay $0x3  }
0x36: {  	p1 =	seq.s32 s10, $0x1;
	s10 =	sld [smem:$0x3FB8];
	_ =	sdelay $0x3  }
0x37: {  	[smem:$0x3FB8] =	sst s10  }
0x38: {  	s10 =	sld [smem:$0x3FB9]  }
0x39: {  	_ = 	snop;
	(pc) =	sbr.ind lr, $3  }
0x3a: {  	_ = 	snop  }
0x3b: {  	_ = 	snop  }
0x3c: {  	p2 =	seq.s32 s10, $0x1;
	s10 =	sld [smem:$0x3FB8]  }
0x3d: {  	_ =	shalt  }
0x3e: {  	_ =	shalt  }
0x3f: {  	_ =	shalt  }
0x40: {  	_ =	shalt  }
0x41: {  	_ =	shalt  }
0x42: {  	_ =	shalt  }
0x43: {  	_ =	shalt  }
0x44: {  	_ =	shalt  }
0x45: {  	_ =	shalt  }
0x46: {  	_ =	shalt  }
0x47: {  	_ =	shalt  }
0x48: {  	_ =	shalt  }
0x49: {  	_ =	shalt  }
0x4a: {  	_ =	shalt  }
0x4b: {  	_ =	shalt  }
0x4c: {  	_ =	shalt  }
0x4d: {  	_ =	shalt  }
0x4e: {  	_ =	shalt  }
0x4f: {  	_ =	shalt  }
0x50: {  	_ =	shalt  }
0x51: {  	_ =	shalt  }
0x52: {  	_ =	shalt  }
0x53: {  	_ =	shalt  }
0x54: {  	_ =	shalt  }
0x55: {  	_ =	shalt  }
0x56: {  	_ =	shalt  }
0x57: {  	_ =	shalt  }
0x58: {  	_ =	shalt  }
0x59: {  	_ =	shalt  }
0x5a: {  	_ =	shalt  }
0x5b: {  	_ =	shalt  }
0x5c: {  	_ =	shalt  }
0x5d: {  	_ =	shalt  }
0x5e: {  	_ =	shalt  }
0x5f: {  	_ =	shalt  }
0x60: {  	_ =	shalt  }
0x61: {  	_ =	shalt  }
0x62: {  	_ =	shalt  }
0x63: {  	_ =	shalt  }
0x64: {  	_ =	shalt  }
0x65: {  	_ =	shalt  }
0x66: {  	_ =	shalt  }
0x67: {  	_ =	shalt  }
0x68: {  	_ =	shalt  }
0x69: {  	_ =	shalt  }
0x6a: {  	_ =	shalt  }
0x6b: {  	_ =	shalt  }
0x6c: {  	_ =	shalt  }
0x6d: {  	_ =	shalt  }
0x6e: {  	_ =	shalt  }
0x6f: {  	_ =	shalt  }
0x70: {  	_ =	shalt  }
0x71: {  	_ =	shalt  }
0x72: {  	_ =	shalt  }
0x73: {  	_ =	shalt  }
0x74: {  	_ =	shalt  }
0x75: {  	_ =	shalt  }
0x76: {  	_ =	shalt  }
0x77: {  	_ =	shalt  }
0x78: {  	_ =	shalt  }
0x79: {  	_ =	shalt  }
0x7a: {  	_ =	shalt  }
0x7b: {  	_ =	shalt  }
0x7c: {  	_ =	shalt  }
0x7d: {  	_ =	shalt  }
0x7e: {  	_ =	shalt  }
0x7f: {  	_ =	shalt  }
0x80: {  	_ =	shalt  }
0x81: {  	_ =	shalt  }
0x82: {  	_ =	shalt  }
0x83: {  	_ =	shalt  }
0x84: {  	_ =	shalt  }
0x85: {  	_ =	shalt  }
0x86: {  	_ =	shalt  }
0x87: {  	_ =	shalt  }
.Lfunc_end0:
.L_simem_size_0:
called_computation_lowered:
.L_overlay_start_0:
0x88: {  	s2 =	sld [smem:$0x3FD9]  }
0x89: {  	s3 =	sld [smem:$0x3FFE];
	_ =	sdelay $0x1  }
0x8a: {  	s1 =	srdreg.scid  }
0x8b: {  	s0 =	sand.u32 $0x1, s1  }
0x8c: {  	s17 =	sshll.u32 s0, $0xA;
	s2 =	sadd.s32 s3, s2  }
0x8d: {  	s2 =	sadd.s32 s2, s17  }
0x8e: {  	[smem:$0x3FC4] =	sst s2  }
0x8f: {  	_ = 	snop  }
0x90: {  	s2 =	sld [smem:$0x3FC9]  }
0x91: {  	s18 =	sld [smem:$0x3FD0];
	(tm) =	ssettm $0x1  }
0x92: {  	s4 =	sld [smem:$0x3FFB];
	_ =	sdelay $0x3  }
0x93: {  	_ =	strace s4  }
0x94: {  	s4 =	sld [smem:$0x3FFC];
	_ =	sdelay $0x3  }
0x95: {  	_ =	strace s4  }
0x96: {  	s4 =	sld [smem:$0x3FFD];
	_ =	sdelay $0x3  }
0x97: {  	_ =	strace s4  }
0x98: {  	_ =	strace $0x8FFFFFFF  }
0x99: {  	s19 =	sld [smem:$0x3FDB];
	_ =	sdelay $0x1  }
0x9a: {  	s5 =	simm.s32 $_scs_section_size  }
0x9b: {  	s6 =	simm.s32 $_size__tile_overlayer_lowered;
	s7 =	simm.s32 $_tile_overlayer_lowered  }
0x9c: {  	s22 =	simm.s32 $0x1BFF;
	s21 =	sshll.u32 s7, $0x1;
	s4 =	sadd.s32 s5, s19  }
0x9d: {  	s8 =	simm.s32 $0x0;
	s20 =	sshll.u32 s6, $0x1;
	s6 =	sadd.s32 s21, s4  }
0x9e: {  	[timem:s8], [sflag:s22] =	dma.local [hbm:s6], s20  }
0x9f: {  	_ =	swait.ge [sflag:s22], s20  }
0xa0: {  	s5 =	ssub.s32 $0x0, s20;
	[sflag:s22] =	ssyncset.done $0x0  }
0xa1: {  	[sflag:s22] =	ssyncadd.s32 s5;
	_ =	sdelay $0x1  }
0xa2: {  	s23 =	simm.s32 $0x1B8B  }
0xa3: {  	_ =	swait.ge [sflag:s23], $0x1  }
0xa4: {  	[sflag:s23] =	ssyncset.done $0x0  }
0xa5: {  	s25 =	simm.s32 $0x1B8E;
	s24 =	sld [smem:$0x3FFE];
	[sflag:s23] =	ssyncadd.s32 $0xFFFFFFFF  }
0xa6: {  	s26 =	simm.s32 $execute0_lowered;
	[smem:$0x3FD2] =	sst s25  }
0xa7: {  	s6 =	sshll.u32 s26, $0x1;
	_ =	strace $0x80000046;
	[dreg:$0x1] =	wrdreg $0xFFFFFFFF  }
0xa8: {  	s28 =	simm.s32 $_size_execute0_lowered;
	s4 =	sadd.s32 s4, s6;
	[dreg:$0x0] =	wrdreg $0x0  }
0xa9: {  	s6 =	sshll.u32 s28, $0x1;
	[dreg:$0x2] =	wrdreg s4  }
0xaa: {  	[dreg:$0x3] =	wrdreg s6  }
0xab: {  	[dreg:$0x4] =	wrdreg $0xC0  }
0xac: {  	_ =	task [dreg:s8], $0x5FFFF  }
0xad: {  	[dreg:$0x1] =	wrdreg $0xFFFFFFFF  }
0xae: {  	[dreg:$0x0] =	wrdreg $0x60  }
0xaf: {  	[dreg:$0x2] =	wrdreg s2  }
0xb0: {  	[dreg:$0x3] =	wrdreg s24  }
0xb1: {  	[dreg:$0x4] =	wrdreg s18  }
0xb2: {  	[dreg:$0x5] =	wrdreg $0x9  }
0xb3: {  	_ =	task.clear_ibuf [dreg:s8], $0x6FFFF;
	_ =	strace $0x90000046  }
0xb4: {  	s29 =	simm.s32 $0x9;
	_ =	strace $0x80000048  }
0xb5: {  	_ =	swait.ge [sflag:s29], $0x1  }
0xb6: {  	[sflag:s29] =	ssyncadd.s32 $0xFFFFFFFF  }
0xb7: {  	_ =	strace $0x90000048  }
0xb8: {  	_ =	sfence  }
0xb9: {  	s30 =	sld [smem:$0x0];
	_ =	sdelay $0x2  }
0xba: {  	s31 =	sshll.u32 s1, $0xD;
	s1 =	sshrl.u32 s1, $0x2  }
0xbb: {  	s3 =	sand.u32 $0x4000, s31;
	s1 =	sadd.s32 s1, s30  }
0xbc: {  	s0 =	sor.u32 s3, s0;
	s1 =	sshll.u32 s1, $0x11  }
0xbd: {  	s0 =	sor.u32 s1, s0  }
0xbe: {  	s0 =	sadd.s32 $0x8F2B, s0  }
0xbf: {  	[sflag:s0] =	ssyncadd.remote.s32 $0x1  }
0xc0: {  	_ =	sfence.sel $0xFFFF  }
0xc1: {  	[dreg:$0x0] =	wrdreg $0xFFFFFFFF;
	(pc) =	sbr.abs _section_cstart, $3  }
0xc2: {  	[dreg:$0x1] =	wrdreg $0xFFFFFFFF  }
0xc3: {  	_ =	task.clear_ibuf [dreg:s8], $0x2FFFF;
	_ =	strace $0x9FFFFFFF  }
0xc4: {  	(tm) =	ssettm $0x7FFFFFFF  }
0xc5: {  	_ =	shalt  }
tec
execute0_lowered:
.L_overlay_start_1:
0x0: {  	(tag) =	ssettag $0x1  }
0x1: {  	s0 =	rddreg [dreg:$0x0]  }
0x2: {  	s1 =	rddreg [dreg:$0x1]  }
0x3: {  	s12 =	rddreg [dreg:$0x2];
	s3 =	simm.s32 $0x0;
	s7 =	stileid.u32  }
0x4: {  	s4 =	srdreg.scid;
	[smem:$0x7FF] =	sst s3  }
0x5: {  	s2 =	sshll.u32 s7, $0xA;
	s4 =	sand.u32 $0x1, s4;
	s9 =	sadd.s32 $0x4800, s1  }
0x6: {  	s11 =	sadd.s32 $0x2020, s0;
	_ =	strace $0x80000047;
	[dreg:$0x4] =	wrdreg s9  }
0x7: {  	s7 =	sshll.u32 s7, $0x11;
	s13 =	sadd.s32 $0x2030, s0;
	[dreg:$0x13] =	wrdreg s11  }
0x8: {  	s21 =	sadd.s32 $0x4C00, s1;
	s14 =	sadd.s32 $0x2040, s0;
	[dreg:$0x14] =	wrdreg s13  }
0x9: {  	s15 =	sadd.s32 $0x2050, s0;
	s16 =	sadd.s32 $0x2060, s0;
	[dreg:$0x15] =	wrdreg s14  }
0xa: {  	s5 =	sadd.s32 s2, s1;
	s8 =	sshll.u32 s4, $0x10;
	[dreg:$0x16] =	wrdreg s15  }
0xb: {  	s6 =	ssub.s32 $0x2, s4;
	[dreg:$0x17] =	wrdreg s16;
	s8 =	sor.u32 s8, s7  }
0xc: {  	s24 =	sshll.u32 s4, $0xE;
	s26 =	sadd.s32 $0x800, s5;
	[dreg:$0x5] =	wrdreg s8  }
0xd: {  	s4 =	sshll.u32 s4, $0xB;
	s5 =	sadd.s32 $0xA00, s5;
	[dreg:$0xb] =	wrdreg s26  }
0xe: {  	s7 =	sadd.s32 s21, s4;
	[dreg:$0xc] =	wrdreg s5  }
0xf: {  	s2 =	sor.u32 s2, s24;
	s24 =	sadd.s32 $0x1000, s12;
	[dreg:$0xf] =	wrdreg s7  }
0x10: {  	s22 =	sadd.s32 s0, s8;
	[smem:$0x7FA] =	sst s24  }
0x11: {  	s26 =	sadd.s32 $0x1020, s12;
	[dreg:$0x6] =	wrdreg s22  }
0x12: {  	s8 =	sadd.s32 $0x10, s22;
	[smem:$0x7FC] =	sst s26  }
0x13: {  	s28 =	simm.s32 $0xA000;
	s23 =	sadd.s32 $0x20, s22;
	[dreg:$0x7] =	wrdreg s8  }
0x14: {  	s29 =	simm.s32 $0xC000;
	s10 =	sadd.s32 $0x30, s22;
	[dreg:$0x8] =	wrdreg s23  }
0x15: {  	s2 =	sshrl.u32 s2, $0x3;
	s25 =	sadd.s32 $0x40, s22;
	[dreg:$0x9] =	wrdreg s10  }
0x16: {  	s1 =	sadd.s32 $0x4C10, s1;
	s30 =	sadd.s32 s21, s2;
	[dreg:$0xa] =	wrdreg s25  }
0x17: {  	s20 =	sshrl.u32 s6, $0x1;
	s2 =	sadd.s32 s2, s1;
	[dreg:$0xd] =	wrdreg s30  }
0x18: {  	s6 =	ssub.s32 s6, s20;
	s1 =	sadd.s32 s4, s1;
	[dreg:$0xe] =	wrdreg s2  }
0x19: {  	s31 =	simm.s32 $0xE;
	s17 =	smax.u32 s6, $0x1;
	[dreg:$0x10] =	wrdreg s1  }
0x1a: {  	s9 =	sadd.s32 $0x40, s12;
	s18 =	sadd.s32 $0x50, s22;
	[dreg:$0x19] =	wrdreg s17  }
0x1b: {  	s11 =	sadd.s32 $0x60, s12;
	s19 =	sadd.s32 $0x60, s22;
	[dreg:$0x1a] =	wrdreg s18  }
0x1c: {  	s13 =	simm.s32 $0x80;
	s20 =	sadd.s32 $0x70, s22;
	[dreg:$0x1b] =	wrdreg s19  }
0x1d: {  	s14 =	simm.s32 $0x400;
	s21 =	sadd.s32 $0x10, s12;
	[dreg:$0x1c] =	wrdreg s20  }
0x1e: {  	s15 =	simm.s32 $0x2000;
	s22 =	sadd.s32 $0x20, s12;
	[dreg:$0x1d] =	wrdreg s21  }
0x1f: {  	s16 =	simm.s32 $0x4000;
	s8 =	sadd.s32 $0x2000, s0;
	[dreg:$0x1e] =	wrdreg s22  }
0x20: {  	s26 =	simm.s32 $0x8000;
	s10 =	sadd.s32 $0x2010, s0;
	[dreg:$0x11] =	wrdreg s8  }
0x21: {  	s6 =	simm.s32 $0xE000;
	s0 =	sadd.s32 $0x2070, s0;
	[dreg:$0x12] =	wrdreg s10  }
.Ltmp0:
0x22: {  	s23 =	sadd.s32 $0x30, s12;
	[dreg:$0x18] =	wrdreg s0;
	(pc) =	sbr.rel .LBB2_1-.Ltmp0, $4  }
0x23: {  	s4 =	simm.s32 $0x0;
	s25 =	sadd.s32 $0x1010, s12;
	[dreg:$0x1f] =	wrdreg s23  }
0x24: {  	v0 =	vlaneseq.u32;
	s30 =	sadd.s32 $0x1030, s12;
	s2 =	simm.s32 $0x1E000;
	[smem:$0x7FB] =	sst s25  }
0x25: {  	v0 =	vmul.u32 $0x10, v0;
	s18 =	simm.s32 $0x12;
	[smem:$0x7FD] =	sst s30;
	s10 =	sadd.s32 $0x50, s12  }
0x26: {  	s12 =	sadd.s32 $0x70, s12;
	s25 =	simm.s32 $0x6000;
	s0 =	simm.s32 $0x10  }
.LBB2_16:
0x27: {  	s1 =	simm.s32 $0x9  }
0x28: {  	_ =	swait.ge [sflag:s1], $0x1000  }
0x29: {  	[sflag:s1] =	ssyncset.done $0x0  }
0x2a: {  	s20 =	simm.s32 $0xA;
	[sflag:s1] =	ssyncadd.s32 $0xFFFFF000  }
0x2b: {  	_ =	swait.ge [sflag:s20], $0x1000  }
0x2c: {  	[sflag:s20] =	ssyncset.done $0x0  }
0x2d: {  	s21 =	simm.s32 $0xB;
	[sflag:s20] =	ssyncadd.s32 $0xFFFFF000  }
0x2e: {  	_ =	swait.ge [sflag:s21], $0x1000  }
0x2f: {  	[sflag:s21] =	ssyncset.done $0x0  }
0x30: {  	s22 =	simm.s32 $0xC;
	[sflag:s21] =	ssyncadd.s32 $0xFFFFF000  }
0x31: {  	_ =	swait.ge [sflag:s22], $0x1000  }
0x32: {  	[sflag:s22] =	ssyncset.done $0x0  }
0x33: {  	s23 =	simm.s32 $0xD;
	[sflag:s22] =	ssyncadd.s32 $0xFFFFF000  }
0x34: {  	_ =	swait.ge [sflag:s23], $0x1000  }
0x35: {  	[sflag:s23] =	ssyncset.done $0x0  }
0x36: {  	[sflag:s23] =	ssyncadd.s32 $0xFFFFF000  }
0x37: {  	_ =	swait.ge [sflag:s31], $0x1000  }
0x38: {  	[sflag:s31] =	ssyncset.done $0x0  }
0x39: {  	s24 =	simm.s32 $0xF;
	[sflag:s31] =	ssyncadd.s32 $0xFFFFF000  }
0x3a: {  	_ =	swait.ge [sflag:s24], $0x1000  }
0x3b: {  	[sflag:s24] =	ssyncset.done $0x0  }
0x3c: {  	[sflag:s24] =	ssyncadd.s32 $0xFFFFF000  }
0x3d: {  	_ =	swait.ge [sflag:s0], $0x1000  }
0x3e: {  	s4 =	sld [smem:$0x7F9];
	_ =	sdelay $0x2  }
0x3f: {  	s30 =	rddreg [dreg:$0x19];
	s4 =	sadd.s32 $0x1, s4  }
0x40: {  	p0 =	sne.s32 s4, s30  }
.Ltmp1:
0x41: {  	_ = 	snop;
	(pc) =	sbr.rel @!p0 .LBB2_17-.Ltmp1, $3  }
0x42: {  	_ =	sdelay $0x1  }
0x43: {  	[sflag:s0] =	ssyncset.done $0x0  }
0x44: {  	s18 =	simm.s32 $0x12;
	[sflag:s0] =	ssyncadd.s32 $0xFFFFF000  }
.LBB2_1:
0x45: {  	[smem:$0x7F9] =	sst s4  }
0x46: {  	s1 =	rddreg [dreg:$0x4];
	s24 =	simm.s32 $0x18000  }
0x47: {  	[tilespmem:s24], [sflag:$0x11] =	stream.linear.gather [hbm4b:s1+s3], $0x2000, $0x38;
	[tilespmem:$0x1F400] =	vst v63  }
0x48: {  	s30 =	rddreg [dreg:$0x6]  }
0x49: {  	[tilespmem:s3], [sflag:$0x1] =	stream.strided.gather [hbm4b:s30+s13], $0x2000, s14, s13, $0x38;
	[tilespmem:$0x1F400] =	vst v63  }
0x4a: {  	s4 =	rddreg [dreg:$0x7]  }
0x4b: {  	[tilespmem:s15], [sflag:$0x2] =	stream.strided.gather [hbm4b:s4+s13], $0x2000, s14, s13, $0x38;
	[tilespmem:$0x1F400] =	vst v63  }
0x4c: {  	s5 =	rddreg [dreg:$0x8]  }
0x4d: {  	[tilespmem:s16], [sflag:$0x3] =	stream.strided.gather [hbm4b:s5+s13], $0x2000, s14, s13, $0x38;
	[tilespmem:$0x1F400] =	vst v63  }
0x4e: {  	s7 =	rddreg [dreg:$0x9]  }
0x4f: {  	[tilespmem:s25], [sflag:$0x4] =	stream.strided.gather [hbm4b:s7+s13], $0x2000, s14, s13, $0x38;
	[tilespmem:$0x1F400] =	vst v63  }
0x50: {  	s8 =	rddreg [dreg:$0xa]  }
0x51: {  	[tilespmem:s26], [sflag:$0x5] =	stream.strided.gather [hbm4b:s8+s13], $0x2000, s14, s13, $0x38;
	[tilespmem:$0x1F400] =	vst v63  }
0x52: {  	s17 =	rddreg [dreg:$0x1a]  }
0x53: {  	[tilespmem:s28], [sflag:$0x6] =	stream.strided.gather [hbm4b:s17+s13], $0x2000, s14, s13, $0x38;
	[tilespmem:$0x1F400] =	vst v63  }
0x54: {  	s19 =	rddreg [dreg:$0x1b]  }
0x55: {  	[tilespmem:s29], [sflag:$0x7] =	stream.strided.gather [hbm4b:s19+s13], $0x2000, s14, s13, $0x38;
	[tilespmem:$0x1F400] =	vst v63  }
0x56: {  	s20 =	rddreg [dreg:$0x1c];
	s21 =	simm.s32 $0x1  }
0x57: {  	[tilespmem:s6], [sflag:$0x8] =	stream.strided.gather [hbm4b:s20+s13], $0x2000, s14, s13, $0x38;
	[tilespmem:$0x1F400] =	vst v63  }
0x58: {  	s22 =	rddreg [dreg:$0xb];
	s23 =	simm.s32 $0x2;
	v1 =	vor.u32 s21, v0  }
0x59: {  	v2 =	vor.u32 s3, v0;
	[tilespmem:s2], [sflag:$0x12] =	stream.linear.gather [hbm4b:s22+s3], $0x1000, $0x38;
	[tilespmem:$0x1F400] =	vst v63  }
0x5a: {  	v3 =	vor.u32 s23, v0;
	s24 =	simm.s32 $0x3;
	_ =	swait.ge [sflag:s18], $0x1000  }
0x5b: {  	v4 =	vor.u32 s24, v0;
	s30 =	simm.s32 $0x4;
	[sflag:s18] =	ssyncset.done $0x0  }
0x5c: {  	v5 =	vor.u32 s30, v0;
	s4 =	simm.s32 $0x5;
	[sflag:s18] =	ssyncadd.s32 $0xFFFFF000  }
0x5d: {  	v6 =	vor.u32 s4, v0;
	s5 =	simm.s32 $0x6;
	v1 =	vld.idx.msk [tilespmem:v1+s2+$0x0], $0xffff  }
0x5e: {  	v7 =	vor.u32 s5, v0;
	s7 =	simm.s32 $0x7;
	v2 =	vld.idx.msk [tilespmem:v2+s2+$0x0], $0xffff  }
0x5f: {  	v8 =	vor.u32 s7, v0;
	s8 =	simm.s32 $0x8;
	v3 =	vld.idx.msk [tilespmem:v3+s2+$0x0], $0xffff  }
0x60: {  	v9 =	vor.u32 s8, v0;
	s17 =	simm.s32 $0x9;
	v4 =	vld.idx.msk [tilespmem:v4+s2+$0x0], $0xffff  }
0x61: {  	v10 =	vor.u32 s17, v0;
	s19 =	simm.s32 $0xA;
	v5 =	vld.idx.msk [tilespmem:v5+s2+$0x0], $0xffff  }
0x62: {  	v11 =	vor.u32 s19, v0;
	s20 =	simm.s32 $0xB;
	v6 =	vld.idx.msk [tilespmem:v6+s2+$0x0], $0xffff  }
0x63: {  	s21 =	simm.s32 $0xC;
	v12 =	vor.u32 s20, v0;
	v7 =	vld.idx.msk [tilespmem:v7+s2+$0x0], $0xffff;
	v13 =	vmax.f32 v2, v1  }
0x64: {  	v14 =	vor.u32 s21, v0;
	s22 =	simm.s32 $0xD;
	v8 =	vld.idx.msk [tilespmem:v8+s2+$0x0], $0xffff;
	v13 =	vmax.f32 v13, v3  }
0x65: {  	s23 =	simm.s32 $0xE;
	v15 =	vor.u32 s22, v0;
	v9 =	vld.idx.msk [tilespmem:v9+s2+$0x0], $0xffff;
	v13 =	vmax.f32 v13, v4  }
0x66: {  	v16 =	vor.u32 s23, v0;
	s24 =	simm.s32 $0xF;
	v10 =	vld.idx.msk [tilespmem:v10+s2+$0x0], $0xffff;
	v13 =	vmax.f32 v13, v5  }
0x67: {  	v17 =	vor.u32 s24, v0;
	v11 =	vld.idx.msk [tilespmem:v11+s2+$0x0], $0xffff;
	v13 =	vmax.f32 v13, v6  }
0x68: {  	v12 =	vld.idx.msk [tilespmem:v12+s2+$0x0], $0xffff;
	v13 =	vmax.f32 v13, v7  }
0x69: {  	v14 =	vld.idx.msk [tilespmem:v14+s2+$0x0], $0xffff;
	v13 =	vmax.f32 v13, v8  }
0x6a: {  	v15 =	vld.idx.msk [tilespmem:v15+s2+$0x0], $0xffff;
	v13 =	vmax.f32 v13, v9  }
0x6b: {  	v16 =	vld.idx.msk [tilespmem:v16+s2+$0x0], $0xffff;
	v13 =	vmax.f32 v13, v10  }
0x6c: {  	v17 =	vld.idx.msk [tilespmem:v17+s2+$0x0], $0xffff;
	v13 =	vmax.f32 v13, v11  }
0x6d: {  	v13 =	vmax.f32 v13, v12  }
0x6e: {  	v13 =	vmax.f32 v13, v14  }
0x6f: {  	v13 =	vmax.f32 v13, v15  }
0x70: {  	v13 =	vmax.f32 v13, v16  }
0x71: {  	v13 =	vmax.f32 v13, v17  }
0x72: {  	v2 =	vsub.f32 v2, v13  }
0x73: {  	v1 =	vsub.f32 v1, v13  }
0x74: {  	v2 =	vmul.f32 $1.442695020e+00, v2  }
0x75: {  	v3 =	vsub.f32 v3, v13;
	v1 =	vmul.f32 $1.442695020e+00, v1  }
0x76: {  	(erf) = vpow2.f32 v2  }
0x77: {  	v3 =	vmul.f32 $1.442695020e+00, v3;
	v2 =	vsub.f32 v4, v13;
	(erf) = vpow2.f32 v1;
	_ =	sdelay $0x1  }
0x78: {  	v1 =	vsub.f32 v5, v13;
	v2 =	vmul.f32 $1.442695020e+00, v2;
	(erf) = vpow2.f32 v3;
	_ =	sdelay $0x1  }
0x79: {  	v3 =	vsub.f32 v6, v13;
	v1 =	vmul.f32 $1.442695020e+00, v1;
	(erf) = vpow2.f32 v2;
	_ =	sdelay $0x1  }
0x7a: {  	v2 =	vsub.f32 v7, v13;
	v3 =	vmul.f32 $1.442695020e+00, v3;
	(erf) = vpow2.f32 v1;
	_ =	sdelay $0x1  }
0x7b: {  	v1 =	vsub.f32 v8, v13;
	v2 =	vmul.f32 $1.442695020e+00, v2;
	v4 =	vpop (erf);
	(erf) = vpow2.f32 v3  }
0x7c: {  	v5 =	vpop (erf)  }
0x7d: {  	v1 =	vmul.f32 $1.442695020e+00, v1;
	(erf) = vpow2.f32 v2;
	v4 =	vadd.f32 v5, v4  }
0x7e: {  	v3 =	vsub.f32 v9, v13;
	v6 =	vpop (erf)  }
0x7f: {  	v2 =	vsub.f32 v10, v13;
	(erf) = vpow2.f32 v1;
	v4 =	vadd.f32 v4, v6  }
0x80: {  	v8 =	vsub.f32 v14, v13;
	v3 =	vmul.f32 $1.442695020e+00, v3;
	v1 =	vsub.f32 v11, v13;
	v7 =	vpop (erf)  }
0x81: {  	v2 =	vmul.f32 $1.442695020e+00, v2;
	v4 =	vadd.f32 v4, v7  }
0x82: {  	(erf) = vpow2.f32 v3;
	v3 =	vsub.f32 v12, v13;
	v1 =	vmul.f32 $1.442695020e+00, v1;
	v52 =	vpop (erf)  }
0x83: {  	(erf) = vpow2.f32 v2;
	v4 =	vadd.f32 v4, v52  }
0x84: {  	v2 =	vmul.f32 $1.442695020e+00, v8;
	v3 =	vmul.f32 $1.442695020e+00, v3;
	v8 =	vpop (erf)  }
0x85: {  	v4 =	vadd.f32 v4, v8  }
0x86: {  	(erf) = vpow2.f32 v1;
	v1 =	vpop (erf)  }
0x87: {  	(erf) = vpow2.f32 v2;
	v4 =	vadd.f32 v4, v1  }
0x88: {  	v2 =	vsub.f32 v15, v13;
	(erf) = vpow2.f32 v3;
	v3 =	vpop (erf)  }
0x89: {  	v4 =	vadd.f32 v4, v3  }
0x8a: {  	v53 =	vsub.f32 v16, v13;
	v2 =	vmul.f32 $1.442695020e+00, v2  }
0x8b: {  	v54 =	vsub.f32 v17, v13;
	v55 =	vpop (erf)  }
0x8c: {  	v10 =	vmul.f32 $1.442695020e+00, v53;
	(erf) = vpow2.f32 v2;
	v2 =	vadd.f32 v4, v55  }
0x8d: {  	v4 =	vpop (erf)  }
0x8e: {  	v11 =	vmul.f32 $1.442695020e+00, v54;
	(erf) = vpow2.f32 v10;
	v2 =	vadd.f32 v2, v4  }
0x8f: {  	v56 =	vpop (erf)  }
0x90: {  	(erf) = vpow2.f32 v11;
	v57 =	vpop (erf);
	v2 =	vadd.f32 v2, v56  }
0x91: {  	v58 =	vpop (erf)  }
0x92: {  	v2 =	vadd.f32 v2, v58;
	_ =	sdelay $0x1  }
0x93: {  	v5 =	vsub.f32 v5, v6;
	v2 =	vadd.f32 v2, v57  }
0x94: {  	v6 =	vadd.f32 v7, v6;
	v7 =	vadd.f32 v8, v52;
	v8 =	vpop (erf)  }
0x95: {  	v5 =	vsub.f32 v5, v52;
	v2 =	vadd.f32 v2, v8  }
0x96: {  	v59 =	vadd.f32 v1, v1;
	v6 =	vadd.f32 v6, v1;
	v60 =	vpop (erf)  }
0x97: {  	v61 =	vadd.f32 v4, v55;
	v2 =	vadd.f32 v2, v60  }
0x98: {  	v1 =	vadd.f32 v7, v1;
	v5 =	vsub.f32 v5, v59;
	v7 =	vpop (erf)  }
0x99: {  	v62 =	vadd.f32 v61, v56;
	v2 =	vadd.f32 v2, v7  }
0x9a: {  	v6 =	vadd.f32 v6, v3;
	v5 =	vsub.f32 v5, v3  }
0x9b: {  	v1 =	vadd.f32 v1, v3;
	v3 =	vadd.f32 v62, v58;
	(erf) = vrcp.f32 v2  }
0x9c: {  	v2 =	vadd.f32 v5, v55;
	v5 =	vadd.f32 v4, v4  }
0x9d: {  	v6 =	vsub.f32 v6, v55;
	v3 =	vadd.f32 v3, v57  }
0x9e: {  	v1 =	vsub.f32 v1, v55;
	v2 =	vadd.f32 v2, v5  }
0x9f: {  	v3 =	vadd.f32 v3, v8;
	v5 =	vsub.f32 v6, v4  }
0xa0: {  	v1 =	vsub.f32 v1, v4;
	v2 =	vadd.f32 v2, v58  }
0xa1: {  	v3 =	vadd.f32 v3, v60;
	v4 =	vsub.f32 v5, v57  }
0xa2: {  	v1 =	vsub.f32 v1, v56;
	v2 =	vadd.f32 v2, v8  }
0xa3: {  	v3 =	vadd.f32 v3, v7;
	v5 =	vsub.f32 v4, v8  }
0xa4: {  	s1 =	simm.s32 $0x1F200;
	s30 =	simm.s32 $0x101;
	v7 =	vsub.f32 v1, v58;
	v8 =	vsub.f32 v2, v60;
	v63 =	vpop (erf)  }
0xa5: {  	s23 =	simm.s32 $0x100;
	s21 =	simm.s32 $0x1F210;
	s4 =	simm.s32 $0x1F000;
	v1 =	vor.u32 s30, v0;
	v4 =	vmul.f32 v63, v3;
	v6 =	vmul.f32 v63, v5  }
0xa6: {  	s7 =	simm.s32 $0x200;
	s8 =	simm.s32 $0x102;
	s22 =	simm.s32 $0x1F000;
	v2 =	vor.u32 s23, v0;
	v3 =	vmul.f32 v63, v7;
	v5 =	vmul.f32 v63, v8  }
.LBB2_2:
0xa7: {  	v7 =	vor.u32 s8, v0;
	s8 =	sadd.s32 $0x3, s23  }
0xa8: {  	v4 =	vpack.i.f32.bf16 v6, v4;
	s22 =	sadd.s32 $0x10, s22;
	s17 =	smov.u32 s7;
	s5 =	sadd.s32 $0x100, s7  }
0xa9: {  	p0 =	sne.s32 s7, $0xF00;
	s7 =	sadd.s32 $0x4, s23;
	v6 =	vor.u32 s8, v0;
	v3 =	vpack.i.f32.bf16 v5, v3;
	[tilespmem:s4+$0x0] =	vst v4;
	s4 =	smov.u32 s22  }
0xaa: {  	v4 =	vor.u32 s7, v0;
	s7 =	sadd.s32 $0x5, s23;
	[tilespmem:s1+$0x0] =	vst v3;
	s1 =	smov.u32 s21  }
0xab: {  	v3 =	vor.u32 s7, v0;
	s7 =	sadd.s32 $0x6, s23;
	v1 =	vld.idx.msk [tilespmem:v1+s2+$0x0], $0xffff  }
0xac: {  	v5 =	vor.u32 s7, v0;
	s7 =	sadd.s32 $0x7, s23;
	v2 =	vld.idx.msk [tilespmem:v2+s2+$0x0], $0xffff  }
0xad: {  	v8 =	vor.u32 s7, v0;
	s7 =	sadd.s32 $0x8, s23;
	v7 =	vld.idx.msk [tilespmem:v7+s2+$0x0], $0xffff  }
0xae: {  	v9 =	vor.u32 s7, v0;
	s7 =	sadd.s32 $0x9, s23;
	v6 =	vld.idx.msk [tilespmem:v6+s2+$0x0], $0xffff  }
0xaf: {  	v10 =	vor.u32 s7, v0;
	s7 =	sadd.s32 $0xA, s23;
	v4 =	vld.idx.msk [tilespmem:v4+s2+$0x0], $0xffff  }
0xb0: {  	v11 =	vor.u32 s7, v0;
	s7 =	sadd.s32 $0xB, s23;
	v3 =	vld.idx.msk [tilespmem:v3+s2+$0x0], $0xffff  }
0xb1: {  	v12 =	vor.u32 s7, v0;
	s7 =	sadd.s32 $0xC, s23;
	v5 =	vld.idx.msk [tilespmem:v5+s2+$0x0], $0xffff  }
0xb2: {  	v13 =	vor.u32 s7, v0;
	s7 =	sadd.s32 $0xD, s23;
	v14 =	vmax.f32 v2, v1;
	v8 =	vld.idx.msk [tilespmem:v8+s2+$0x0], $0xffff  }
0xb3: {  	v15 =	vor.u32 s7, v0;
	s7 =	sadd.s32 $0xE, s23;
	v14 =	vmax.f32 v14, v7;
	v9 =	vld.idx.msk [tilespmem:v9+s2+$0x0], $0xffff  }
0xb4: {  	v16 =	vor.u32 s7, v0;
	s7 =	sadd.s32 $0xF, s23;
	v14 =	vmax.f32 v14, v6;
	s23 =	smov.u32 s17;
	v10 =	vld.idx.msk [tilespmem:v10+s2+$0x0], $0xffff  }
0xb5: {  	v17 =	vor.u32 s7, v0;
	v14 =	vmax.f32 v14, v4;
	v11 =	vld.idx.msk [tilespmem:v11+s2+$0x0], $0xffff  }
0xb6: {  	v14 =	vmax.f32 v14, v3;
	v12 =	vld.idx.msk [tilespmem:v12+s2+$0x0], $0xffff  }
0xb7: {  	v14 =	vmax.f32 v14, v5;
	v13 =	vld.idx.msk [tilespmem:v13+s2+$0x0], $0xffff  }
0xb8: {  	v14 =	vmax.f32 v14, v8;
	v15 =	vld.idx.msk [tilespmem:v15+s2+$0x0], $0xffff  }
0xb9: {  	v14 =	vmax.f32 v14, v9;
	v16 =	vld.idx.msk [tilespmem:v16+s2+$0x0], $0xffff  }
0xba: {  	v14 =	vmax.f32 v14, v10;
	v17 =	vld.idx.msk [tilespmem:v17+s2+$0x0], $0xffff  }
0xbb: {  	v14 =	vmax.f32 v14, v11  }
0xbc: {  	v14 =	vmax.f32 v14, v12  }
0xbd: {  	v14 =	vmax.f32 v14, v13  }
0xbe: {  	v14 =	vmax.f32 v14, v15  }
0xbf: {  	v14 =	vmax.f32 v14, v16  }
0xc0: {  	v14 =	vmax.f32 v14, v17  }
0xc1: {  	v2 =	vsub.f32 v2, v14;
	v1 =	vsub.f32 v1, v14  }
0xc2: {  	v7 =	vsub.f32 v7, v14;
	v6 =	vsub.f32 v6, v14  }
0xc3: {  	v4 =	vsub.f32 v4, v14;
	v2 =	vmul.f32 $1.442695020e+00, v2;
	v1 =	vmul.f32 $1.442695020e+00, v1  }
0xc4: {  	v3 =	vsub.f32 v3, v14;
	v7 =	vmul.f32 $1.442695020e+00, v7;
	v6 =	vmul.f32 $1.442695020e+00, v6  }
0xc5: {  	v5 =	vsub.f32 v5, v14;
	v4 =	vmul.f32 $1.442695020e+00, v4;
	(erf) = vpow2.f32 v2  }
0xc6: {  	v2 =	vmul.f32 $1.442695020e+00, v3;
	v3 =	vsub.f32 v8, v14;
	(erf) = vpow2.f32 v1  }
0xc7: {  	v8 =	vsub.f32 v10, v14;
	v1 =	vmul.f32 $1.442695020e+00, v5;
	v5 =	vsub.f32 v9, v14  }
0xc8: {  	v9 =	vsub.f32 v11, v14;
	v3 =	vmul.f32 $1.442695020e+00, v3;
	(erf) = vpow2.f32 v7  }
0xc9: {  	v5 =	vmul.f32 $1.442695020e+00, v5;
	v7 =	vmul.f32 $1.442695020e+00, v8;
	v8 =	vsub.f32 v12, v14  }
0xca: {  	v10 =	vsub.f32 v13, v14;
	v9 =	vmul.f32 $1.442695020e+00, v9;
	(erf) = vpow2.f32 v6  }
0xcb: {  	v11 =	vsub.f32 v16, v14;
	v6 =	vmul.f32 $1.442695020e+00, v8;
	v8 =	vsub.f32 v15, v14  }
0xcc: {  	v13 =	vsub.f32 v17, v14;
	v10 =	vmul.f32 $1.442695020e+00, v10;
	(erf) = vpow2.f32 v4  }
0xcd: {  	v4 =	vmul.f32 $1.442695020e+00, v8;
	v8 =	vmul.f32 $1.442695020e+00, v11  }
0xce: {  	v11 =	vmul.f32 $1.442695020e+00, v13;
	v12 =	vpop (erf);
	(erf) = vpow2.f32 v2  }
0xcf: {  	v2 =	vpop (erf)  }
0xd0: {  	v12 =	vadd.f32 v2, v12;
	(erf) = vpow2.f32 v1  }
0xd1: {  	v1 =	vpop (erf)  }
0xd2: {  	v12 =	vadd.f32 v12, v1;
	v2 =	vsub.f32 v2, v1;
	(erf) = vpow2.f32 v3  }
0xd3: {  	v3 =	vpop (erf)  }
0xd4: {  	v12 =	vadd.f32 v12, v3;
	v1 =	vadd.f32 v3, v1;
	(erf) = vpow2.f32 v5  }
0xd5: {  	v3 =	vpop (erf)  }
0xd6: {  	v5 =	vadd.f32 v12, v3;
	(erf) = vpow2.f32 v7  }
0xd7: {  	v7 =	vpop (erf)  }
0xd8: {  	v5 =	vadd.f32 v5, v7;
	v7 =	vadd.f32 v7, v3;
	(erf) = vpow2.f32 v9  }
0xd9: {  	v2 =	vsub.f32 v2, v3;
	v3 =	vpop (erf);
	(erf) = vpow2.f32 v10  }
0xda: {  	v5 =	vadd.f32 v5, v3;
	v9 =	vadd.f32 v3, v3;
	(erf) = vpow2.f32 v6  }
0xdb: {  	v1 =	vadd.f32 v1, v3;
	v3 =	vadd.f32 v7, v3;
	v6 =	vpop (erf)  }
0xdc: {  	v10 =	vadd.f32 v5, v6;
	v2 =	vsub.f32 v2, v9  }
0xdd: {  	v1 =	vadd.f32 v1, v6;
	v3 =	vadd.f32 v3, v6;
	v7 =	vpop (erf);
	(erf) = vpow2.f32 v4  }
0xde: {  	v4 =	vadd.f32 v10, v7;
	v2 =	vsub.f32 v2, v6  }
0xdf: {  	v1 =	vsub.f32 v1, v7;
	v3 =	vsub.f32 v3, v7;
	v5 =	vpop (erf)  }
0xe0: {  	v4 =	vadd.f32 v4, v5;
	v2 =	vadd.f32 v2, v7;
	(erf) = vpow2.f32 v8  }
0xe1: {  	v6 =	vadd.f32 v5, v7;
	v10 =	vadd.f32 v5, v5;
	v8 =	vpop (erf)  }
0xe2: {  	v1 =	vsub.f32 v1, v5;
	v4 =	vadd.f32 v4, v8;
	v9 =	vpop (erf);
	(erf) = vpow2.f32 v11  }
0xe3: {  	v6 =	vadd.f32 v6, v8;
	v2 =	vadd.f32 v2, v10;
	v7 =	vpop (erf)  }
0xe4: {  	v1 =	vsub.f32 v1, v9;
	v4 =	vadd.f32 v4, v7  }
0xe5: {  	v6 =	vadd.f32 v6, v7;
	v2 =	vadd.f32 v2, v7  }
0xe6: {  	v3 =	vsub.f32 v3, v5;
	v4 =	vadd.f32 v4, v9;
	v5 =	vpop (erf)  }
0xe7: {  	v6 =	vadd.f32 v6, v9;
	v2 =	vadd.f32 v2, v5  }
0xe8: {  	v3 =	vsub.f32 v3, v8;
	v4 =	vadd.f32 v4, v5  }
0xe9: {  	v6 =	vadd.f32 v6, v5;
	v8 =	vpop (erf)  }
0xea: {  	v4 =	vadd.f32 v4, v8  }
0xeb: {  	v6 =	vadd.f32 v6, v8;
	v9 =	vpop (erf)  }
0xec: {  	v4 =	vadd.f32 v4, v9;
	_ =	sdelay $0x1  }
0xed: {  	(erf) = vrcp.f32 v4;
	_ =	sdelay $0x6  }
.Ltmp2:
0xee: {  	(pc) =	sbr.rel @p0 .LBB2_2-.Ltmp2, $4  }
0xef: {  	v5 =	vsub.f32 v1, v5;
	v4 =	vadd.f32 v6, v9  }
0xf0: {  	s7 =	sadd.s32 $0x1, s23;
	v3 =	vsub.f32 v3, v7;
	v7 =	vsub.f32 v2, v8;
	v8 =	vpop (erf)  }
0xf1: {  	v1 =	vor.u32 s7, v0;
	v4 =	vmul.f32 v8, v4;
	v6 =	vmul.f32 v8, v5  }
0xf2: {  	s21 =	sadd.s32 $0x10, s21;
	s8 =	sadd.s32 $0x2, s23;
	s7 =	smov.u32 s5;
	v2 =	vor.u32 s23, v0;
	v3 =	vmul.f32 v8, v3;
	v5 =	vmul.f32 v8, v7  }
0xf3: {  	_ = 	snop  }
0xf4: {  	v7 =	vor.u32 s8, v0;
	s5 =	sadd.s32 $0x3, s23;
	v4 =	vpack.i.f32.bf16 v6, v4  }
0xf5: {  	s7 =	sadd.s32 $0x4, s23;
	v6 =	vor.u32 s5, v0;
	v3 =	vpack.i.f32.bf16 v5, v3;
	[tilespmem:s4+$0x0] =	vst v4  }
0xf6: {  	s8 =	sadd.s32 $0x5, s23;
	v4 =	vor.u32 s7, v0;
	[tilespmem:s1+$0x0] =	vst v3  }
0xf7: {  	s17 =	sadd.s32 $0x6, s23;
	v3 =	vor.u32 s8, v0;
	v1 =	vld.idx.msk [tilespmem:v1+s2+$0x0], $0xffff  }
0xf8: {  	s19 =	sadd.s32 $0x7, s23;
	v5 =	vor.u32 s17, v0;
	v2 =	vld.idx.msk [tilespmem:v2+s2+$0x0], $0xffff  }
0xf9: {  	s20 =	sadd.s32 $0x8, s23;
	v8 =	vor.u32 s19, v0;
	v7 =	vld.idx.msk [tilespmem:v7+s2+$0x0], $0xffff  }
0xfa: {  	s24 =	sadd.s32 $0x9, s23;
	v9 =	vor.u32 s20, v0;
	v6 =	vld.idx.msk [tilespmem:v6+s2+$0x0], $0xffff  }
0xfb: {  	s30 =	sadd.s32 $0xA, s23;
	v10 =	vor.u32 s24, v0;
	v4 =	vld.idx.msk [tilespmem:v4+s2+$0x0], $0xffff  }
0xfc: {  	v11 =	vor.u32 s30, v0;
	s4 =	sadd.s32 $0xB, s23;
	v3 =	vld.idx.msk [tilespmem:v3+s2+$0x0], $0xffff  }
0xfd: {  	s5 =	sadd.s32 $0xC, s23;
	v12 =	vor.u32 s4, v0;
	v5 =	vld.idx.msk [tilespmem:v5+s2+$0x0], $0xffff;
	v13 =	vmax.f32 v2, v1  }
0xfe: {  	s7 =	sadd.s32 $0xD, s23;
	v14 =	vor.u32 s5, v0;
	v8 =	vld.idx.msk [tilespmem:v8+s2+$0x0], $0xffff;
	v13 =	vmax.f32 v13, v7  }
0xff: {  	v15 =	vor.u32 s7, v0;
	s8 =	sadd.s32 $0xE, s23;
	v9 =	vld.idx.msk [tilespmem:v9+s2+$0x0], $0xffff;
	v13 =	vmax.f32 v13, v6  }
0x100: {  	s17 =	sadd.s32 $0xF, s23;
	v16 =	vor.u32 s8, v0;
	v10 =	vld.idx.msk [tilespmem:v10+s2+$0x0], $0xffff;
	v13 =	vmax.f32 v13, v4  }
0x101: {  	v17 =	vor.u32 s17, v0;
	v11 =	vld.idx.msk [tilespmem:v11+s2+$0x0], $0xffff;
	v13 =	vmax.f32 v13, v3  }
0x102: {  	v12 =	vld.idx.msk [tilespmem:v12+s2+$0x0], $0xffff;
	v13 =	vmax.f32 v13, v5  }
0x103: {  	v14 =	vld.idx.msk [tilespmem:v14+s2+$0x0], $0xffff;
	v13 =	vmax.f32 v13, v8  }
0x104: {  	v15 =	vld.idx.msk [tilespmem:v15+s2+$0x0], $0xffff;
	v13 =	vmax.f32 v13, v9  }
0x105: {  	v16 =	vld.idx.msk [tilespmem:v16+s2+$0x0], $0xffff;
	v13 =	vmax.f32 v13, v10  }
0x106: {  	v17 =	vld.idx.msk [tilespmem:v17+s2+$0x0], $0xffff;
	v13 =	vmax.f32 v13, v11  }
0x107: {  	v13 =	vmax.f32 v13, v12  }
0x108: {  	v13 =	vmax.f32 v13, v14  }
0x109: {  	v13 =	vmax.f32 v13, v15  }
0x10a: {  	v13 =	vmax.f32 v13, v16  }
0x10b: {  	v13 =	vmax.f32 v13, v17  }
0x10c: {  	v2 =	vsub.f32 v2, v13  }
0x10d: {  	v1 =	vsub.f32 v1, v13  }
0x10e: {  	v2 =	vmul.f32 $1.442695020e+00, v2  }
0x10f: {  	v7 =	vsub.f32 v7, v13;
	v1 =	vmul.f32 $1.442695020e+00, v1  }
0x110: {  	(erf) = vpow2.f32 v2  }
0x111: {  	v2 =	vsub.f32 v6, v13;
	v6 =	vmul.f32 $1.442695020e+00, v7;
	(erf) = vpow2.f32 v1;
	_ =	sdelay $0x1  }
0x112: {  	v1 =	vsub.f32 v4, v13;
	v2 =	vmul.f32 $1.442695020e+00, v2;
	(erf) = vpow2.f32 v6;
	_ =	sdelay $0x1  }
0x113: {  	v3 =	vsub.f32 v3, v13;
	v1 =	vmul.f32 $1.442695020e+00, v1;
	(erf) = vpow2.f32 v2;
	_ =	sdelay $0x1  }
0x114: {  	v3 =	vmul.f32 $1.442695020e+00, v3;
	v2 =	vsub.f32 v5, v13;
	(erf) = vpow2.f32 v1;
	_ =	sdelay $0x1  }
0x115: {  	v1 =	vsub.f32 v8, v13;
	v2 =	vmul.f32 $1.442695020e+00, v2;
	v4 =	vpop (erf);
	(erf) = vpow2.f32 v3  }
0x116: {  	v5 =	vpop (erf)  }
0x117: {  	v1 =	vmul.f32 $1.442695020e+00, v1;
	(erf) = vpow2.f32 v2;
	v4 =	vadd.f32 v5, v4  }
0x118: {  	v3 =	vsub.f32 v9, v13;
	v6 =	vpop (erf)  }
0x119: {  	v2 =	vsub.f32 v10, v13;
	(erf) = vpow2.f32 v1;
	v4 =	vadd.f32 v4, v6  }
0x11a: {  	v8 =	vsub.f32 v14, v13;
	v3 =	vmul.f32 $1.442695020e+00, v3;
	v1 =	vsub.f32 v11, v13;
	v7 =	vpop (erf)  }
0x11b: {  	v2 =	vmul.f32 $1.442695020e+00, v2;
	v4 =	vadd.f32 v4, v7  }
0x11c: {  	(erf) = vpow2.f32 v3;
	v3 =	vsub.f32 v12, v13;
	v1 =	vmul.f32 $1.442695020e+00, v1;
	v9 =	vpop (erf)  }
0x11d: {  	(erf) = vpow2.f32 v2;
	v4 =	vadd.f32 v4, v9  }
0x11e: {  	v2 =	vmul.f32 $1.442695020e+00, v8;
	v3 =	vmul.f32 $1.442695020e+00, v3;
	v8 =	vpop (erf)  }
0x11f: {  	v4 =	vadd.f32 v4, v8  }
0x120: {  	(erf) = vpow2.f32 v1;
	v1 =	vpop (erf)  }
0x121: {  	(erf) = vpow2.f32 v2;
	v4 =	vadd.f32 v4, v1  }
0x122: {  	v2 =	vsub.f32 v15, v13;
	(erf) = vpow2.f32 v3;
	v3 =	vpop (erf)  }
0x123: {  	v10 =	vsub.f32 v16, v13;
	v4 =	vadd.f32 v4, v3  }
0x124: {  	v2 =	vmul.f32 $1.442695020e+00, v2  }
0x125: {  	v11 =	vsub.f32 v17, v13;
	v10 =	vmul.f32 $1.442695020e+00, v10;
	v53 =	vpop (erf)  }
0x126: {  	(erf) = vpow2.f32 v2;
	v2 =	vadd.f32 v4, v53  }
0x127: {  	v11 =	vmul.f32 $1.442695020e+00, v11;
	v4 =	vpop (erf)  }
0x128: {  	(erf) = vpow2.f32 v10;
	v2 =	vadd.f32 v2, v4  }
0x129: {  	v10 =	vpop (erf)  }
0x12a: {  	(erf) = vpow2.f32 v11;
	v54 =	vpop (erf);
	v2 =	vadd.f32 v2, v10  }
0x12b: {  	v11 =	vpop (erf)  }
0x12c: {  	v2 =	vadd.f32 v2, v11;
	_ =	sdelay $0x1  }
0x12d: {  	v5 =	vsub.f32 v5, v6;
	v2 =	vadd.f32 v2, v54  }
0x12e: {  	v6 =	vadd.f32 v7, v6;
	v7 =	vadd.f32 v8, v9;
	v8 =	vpop (erf)  }
0x12f: {  	v5 =	vsub.f32 v5, v9;
	v2 =	vadd.f32 v2, v8  }
0x130: {  	v9 =	vadd.f32 v1, v1;
	v6 =	vadd.f32 v6, v1;
	v55 =	vpop (erf)  }
0x131: {  	v56 =	vadd.f32 v4, v53;
	v2 =	vadd.f32 v2, v55  }
0x132: {  	v1 =	vadd.f32 v7, v1;
	v5 =	vsub.f32 v5, v9;
	v7 =	vpop (erf)  }
0x133: {  	v9 =	vadd.f32 v56, v10;
	v2 =	vadd.f32 v2, v7  }
0x134: {  	v6 =	vadd.f32 v6, v3;
	v5 =	vsub.f32 v5, v3  }
0x135: {  	v1 =	vadd.f32 v1, v3;
	v3 =	vadd.f32 v9, v11;
	(erf) = vrcp.f32 v2  }
0x136: {  	v2 =	vadd.f32 v5, v53;
	v5 =	vadd.f32 v4, v4  }
0x137: {  	v6 =	vsub.f32 v6, v53;
	v3 =	vadd.f32 v3, v54  }
0x138: {  	v1 =	vsub.f32 v1, v53;
	v2 =	vadd.f32 v2, v5  }
0x139: {  	v3 =	vadd.f32 v3, v8;
	v5 =	vsub.f32 v6, v4  }
0x13a: {  	v1 =	vsub.f32 v1, v4;
	v2 =	vadd.f32 v2, v11  }
0x13b: {  	v3 =	vadd.f32 v3, v55;
	v4 =	vsub.f32 v5, v54  }
0x13c: {  	v1 =	vsub.f32 v1, v10;
	v2 =	vadd.f32 v2, v8  }
0x13d: {  	v3 =	vadd.f32 v3, v7;
	v4 =	vsub.f32 v4, v8  }
0x13e: {  	v1 =	vsub.f32 v1, v11;
	v2 =	vsub.f32 v2, v55;
	v5 =	vpop (erf)  }
0x13f: {  	v3 =	vmul.f32 v5, v3;
	v4 =	vmul.f32 v5, v4  }
0x140: {  	v1 =	vmul.f32 v5, v1;
	v2 =	vmul.f32 v5, v2  }
0x141: {  	s19 =	sadd.s32 $0x10, s22;
	v3 =	vpack.i.f32.bf16 v4, v3  }
0x142: {  	s22 =	simm.s32 $0x0;
	v1 =	vpack.i.f32.bf16 v2, v1;
	[tilespmem:s19+$0x0] =	vst v3  }
0x143: {  	s20 =	rddreg [dreg:$0xc];
	s23 =	simm.s32 $0x2;
	v2 =	vor.u32 s22, v0;
	[tilespmem:s21+$0x0] =	vst v1;
	s21 =	simm.s32 $0x1  }
0x144: {  	[tilespmem:s2], [sflag:$0x12] =	stream.linear.gather [hbm4b:s20+s3], $0x1000, $0x38;
	v1 =	vor.u32 s21, v0;
	[tilespmem:$0x1F400] =	vst v63  }
0x145: {  	s24 =	simm.s32 $0x3;
	v3 =	vor.u32 s23, v0;
	_ =	swait.ge [sflag:s18], $0x1000  }
0x146: {  	s30 =	simm.s32 $0x4;
	v4 =	vor.u32 s24, v0;
	[sflag:s18] =	ssyncset.done $0x0  }
0x147: {  	s4 =	simm.s32 $0x5;
	v5 =	vor.u32 s30, v0;
	[sflag:s18] =	ssyncadd.s32 $0xFFFFF000  }
0x148: {  	s5 =	simm.s32 $0x6;
	v6 =	vor.u32 s4, v0;
	v2 =	vld.idx.msk [tilespmem:v2+s2+$0x0], $0xffff  }
0x149: {  	s7 =	simm.s32 $0x7;
	v7 =	vor.u32 s5, v0;
	v1 =	vld.idx.msk [tilespmem:v1+s2+$0x0], $0xffff  }
0x14a: {  	s8 =	simm.s32 $0x8;
	v8 =	vor.u32 s7, v0;
	v3 =	vld.idx.msk [tilespmem:v3+s2+$0x0], $0xffff  }
0x14b: {  	s17 =	simm.s32 $0x9;
	v9 =	vor.u32 s8, v0;
	v4 =	vld.idx.msk [tilespmem:v4+s2+$0x0], $0xffff  }
0x14c: {  	v10 =	vor.u32 s17, v0;
	s19 =	simm.s32 $0xA;
	v5 =	vld.idx.msk [tilespmem:v5+s2+$0x0], $0xffff  }
0x14d: {  	v11 =	vor.u32 s19, v0;
	s20 =	simm.s32 $0xB;
	v6 =	vld.idx.msk [tilespmem:v6+s2+$0x0], $0xffff  }
0x14e: {  	s21 =	simm.s32 $0xC;
	v57 =	vor.u32 s20, v0;
	v7 =	vld.idx.msk [tilespmem:v7+s2+$0x0], $0xffff;
	v58 =	vmax.f32 v2, v1  }
0x14f: {  	s22 =	simm.s32 $0xD;
	v59 =	vor.u32 s21, v0;
	v8 =	vld.idx.msk [tilespmem:v8+s2+$0x0], $0xffff;
	v13 =	vmax.f32 v58, v3  }
0x150: {  	v60 =	vor.u32 s22, v0;
	s23 =	simm.s32 $0xE;
	v9 =	vld.idx.msk [tilespmem:v9+s2+$0x0], $0xffff;
	v13 =	vmax.f32 v13, v4  }
0x151: {  	s24 =	simm.s32 $0xF;
	v61 =	vor.u32 s23, v0;
	v10 =	vld.idx.msk [tilespmem:v10+s2+$0x0], $0xffff;
	v13 =	vmax.f32 v13, v5  }
0x152: {  	v62 =	vor.u32 s24, v0;
	v11 =	vld.idx.msk [tilespmem:v11+s2+$0x0], $0xffff;
	v13 =	vmax.f32 v13, v6  }
0x153: {  	v12 =	vld.idx.msk [tilespmem:v57+s2+$0x0], $0xffff;
	v13 =	vmax.f32 v13, v7  }
0x154: {  	v14 =	vld.idx.msk [tilespmem:v59+s2+$0x0], $0xffff;
	v13 =	vmax.f32 v13, v8  }
0x155: {  	v15 =	vld.idx.msk [tilespmem:v60+s2+$0x0], $0xffff;
	v13 =	vmax.f32 v13, v9  }
0x156: {  	v16 =	vld.idx.msk [tilespmem:v61+s2+$0x0], $0xffff;
	v13 =	vmax.f32 v13, v10  }
0x157: {  	v17 =	vld.idx.msk [tilespmem:v62+s2+$0x0], $0xffff;
	v13 =	vmax.f32 v13, v11  }
0x158: {  	v13 =	vmax.f32 v13, v12  }
0x159: {  	v13 =	vmax.f32 v13, v14  }
0x15a: {  	v13 =	vmax.f32 v13, v15  }
0x15b: {  	v13 =	vmax.f32 v13, v16  }
0x15c: {  	v13 =	vmax.f32 v13, v17  }
0x15d: {  	v2 =	vsub.f32 v2, v13  }
0x15e: {  	v1 =	vsub.f32 v1, v13  }
0x15f: {  	v2 =	vmul.f32 $1.442695020e+00, v2  }
0x160: {  	v3 =	vsub.f32 v3, v13;
	v1 =	vmul.f32 $1.442695020e+00, v1  }
0x161: {  	(erf) = vpow2.f32 v2  }
0x162: {  	v3 =	vmul.f32 $1.442695020e+00, v3;
	v2 =	vsub.f32 v4, v13;
	(erf) = vpow2.f32 v1;
	_ =	sdelay $0x1  }
0x163: {  	v1 =	vsub.f32 v5, v13;
	v2 =	vmul.f32 $1.442695020e+00, v2;
	(erf) = vpow2.f32 v3;
	_ =	sdelay $0x1  }
0x164: {  	v3 =	vsub.f32 v6, v13;
	v1 =	vmul.f32 $1.442695020e+00, v1;
	(erf) = vpow2.f32 v2;
	_ =	sdelay $0x1  }
0x165: {  	v2 =	vsub.f32 v7, v13;
	v3 =	vmul.f32 $1.442695020e+00, v3;
	(erf) = vpow2.f32 v1;
	_ =	sdelay $0x1  }
0x166: {  	v1 =	vsub.f32 v8, v13;
	v2 =	vmul.f32 $1.442695020e+00, v2;
	(erf) = vpow2.f32 v3;
	v4 =	vpop (erf)  }
0x167: {  	v3 =	vsub.f32 v9, v13;
	v5 =	vpop (erf)  }
0x168: {  	v1 =	vmul.f32 $1.442695020e+00, v1;
	(erf) = vpow2.f32 v2;
	v4 =	vadd.f32 v5, v4  }
0x169: {  	v3 =	vmul.f32 $1.442695020e+00, v3;
	v6 =	vpop (erf)  }
0x16a: {  	v2 =	vsub.f32 v10, v13;
	(erf) = vpow2.f32 v1;
	v4 =	vadd.f32 v4, v6  }
0x16b: {  	v8 =	vsub.f32 v14, v13;
	v1 =	vsub.f32 v11, v13;
	v7 =	vpop (erf)  }
0x16c: {  	v2 =	vmul.f32 $1.442695020e+00, v2;
	(erf) = vpow2.f32 v3;
	v4 =	vadd.f32 v4, v7  }
0x16d: {  	v1 =	vmul.f32 $1.442695020e+00, v1;
	v9 =	vpop (erf)  }
0x16e: {  	v3 =	vsub.f32 v12, v13;
	(erf) = vpow2.f32 v2;
	v4 =	vadd.f32 v4, v9  }
0x16f: {  	v10 =	vsub.f32 v17, v13;
	v2 =	vmul.f32 $1.442695020e+00, v8;
	v8 =	vpop (erf)  }
0x170: {  	v3 =	vmul.f32 $1.442695020e+00, v3;
	(erf) = vpow2.f32 v1;
	v4 =	vadd.f32 v4, v8  }
0x171: {  	v5 =	vsub.f32 v5, v6;
	(erf) = vpow2.f32 v2;
	v2 =	vsub.f32 v15, v13;
	v1 =	vpop (erf)  }
0x172: {  	(erf) = vpow2.f32 v3;
	v3 =	vsub.f32 v16, v13;
	v4 =	vadd.f32 v4, v1  }
0x173: {  	v6 =	vadd.f32 v7, v6;
	v5 =	vsub.f32 v5, v9;
	v2 =	vmul.f32 $1.442695020e+00, v2;
	v11 =	vpop (erf)  }
0x174: {  	v7 =	vadd.f32 v8, v9;
	v3 =	vmul.f32 $1.442695020e+00, v3;
	v4 =	vadd.f32 v4, v11  }
0x175: {  	(erf) = vpow2.f32 v2;
	v9 =	vadd.f32 v1, v1;
	v6 =	vadd.f32 v6, v1;
	v8 =	vpop (erf)  }
0x176: {  	v1 =	vadd.f32 v7, v1;
	(erf) = vpow2.f32 v3;
	v2 =	vadd.f32 v4, v8  }
0x177: {  	v3 =	vsub.f32 v5, v9;
	v5 =	vadd.f32 v6, v11;
	v4 =	vmul.f32 $1.442695020e+00, v10;
	v10 =	vpop (erf)  }
0x178: {  	v6 =	vadd.f32 v1, v11;
	v2 =	vadd.f32 v2, v10  }
0x179: {  	v3 =	vsub.f32 v3, v11;
	v7 =	vpop (erf)  }
0x17a: {  	v6 =	vsub.f32 v6, v8;
	v9 =	vpop (erf);
	(erf) = vpow2.f32 v4;
	v2 =	vadd.f32 v2, v7  }
0x17b: {  	v4 =	vsub.f32 v5, v8;
	v5 =	vadd.f32 v10, v8;
	v1 =	vpop (erf)  }
0x17c: {  	v3 =	vadd.f32 v3, v8;
	v2 =	vadd.f32 v2, v1  }
0x17d: {  	v8 =	vadd.f32 v10, v10;
	v5 =	vadd.f32 v5, v7  }
0x17e: {  	v2 =	vadd.f32 v2, v9  }
0x17f: {  	v11 =	vsub.f32 v4, v10;
	v8 =	vadd.f32 v3, v8;
	v4 =	vpop (erf)  }
0x180: {  	v2 =	vadd.f32 v2, v4  }
0x181: {  	v63 =	vadd.f32 v5, v1;
	v5 =	vpop (erf)  }
0x182: {  	v2 =	vadd.f32 v2, v5  }
0x183: {  	v3 =	vsub.f32 v11, v9;
	v11 =	vadd.f32 v8, v1;
	v8 =	vpop (erf)  }
0x184: {  	v9 =	vadd.f32 v63, v9;
	v2 =	vadd.f32 v2, v8  }
0x185: {  	v10 =	vsub.f32 v6, v10  }
0x186: {  	s1 =	simm.s32 $0x1F300;
	v9 =	vadd.f32 v9, v4;
	(erf) = vrcp.f32 v2  }
0x187: {  	s8 =	simm.s32 $0x20F;
	s4 =	simm.s32 $0x1F100;
	s30 =	simm.s32 $0x101;
	v7 =	vsub.f32 v10, v7  }
0x188: {  	s22 =	simm.s32 $0x1F300;
	s23 =	simm.s32 $0x10F;
	s21 =	simm.s32 $0x1F100;
	v6 =	vadd.f32 v11, v4;
	v9 =	vadd.f32 v9, v5;
	v2 =	vor.u32 s30, v0  }
.LBB2_4:
0x189: {  	s21 =	sadd.s32 $0x10, s21  }
0x18a: {  	s22 =	sadd.s32 $0x10, s22;
	s7 =	smov.u32 s8;
	s5 =	sadd.s32 $0x100, s8  }
0x18b: {  	p0 =	sne.s32 s8, $0xF0F;
	_ =	sdelay $0x2  }
0x18c: {  	v8 =	vadd.f32 v9, v8;
	v3 =	vsub.f32 v3, v4  }
0x18d: {  	v1 =	vsub.f32 v7, v1;
	v4 =	vsub.f32 v6, v5;
	v5 =	vpop (erf)  }
0x18e: {  	s8 =	sadd.s32 $0xFFFFFFF1, s23;
	v6 =	vmul.f32 v5, v8;
	v3 =	vmul.f32 v5, v3  }
0x18f: {  	v7 =	vor.u32 s8, v0;
	s8 =	sadd.s32 $0xFFFFFFF3, s23;
	v1 =	vmul.f32 v5, v1;
	v4 =	vmul.f32 v5, v4  }
0x190: {  	v5 =	vor.u32 s8, v0;
	s8 =	sadd.s32 $0xFFFFFFF4, s23;
	v3 =	vpack.i.f32.bf16 v3, v6  }
0x191: {  	v6 =	vor.u32 s8, v0;
	s8 =	sadd.s32 $0xFFFFFFF5, s23;
	v1 =	vpack.i.f32.bf16 v4, v1;
	[tilespmem:s4+$0x0] =	vst v3;
	s4 =	smov.u32 s21  }
0x192: {  	v3 =	vor.u32 s8, v0;
	s8 =	sadd.s32 $0xFFFFFFF6, s23;
	[tilespmem:s1+$0x0] =	vst v1;
	s1 =	smov.u32 s22  }
0x193: {  	v1 =	vld.idx.msk [tilespmem:v2+s2+$0x0], $0xffff;
	v2 =	vor.u32 s8, v0;
	s8 =	sadd.s32 $0xFFFFFFF7, s23  }
0x194: {  	v4 =	vld.idx.msk [tilespmem:v7+s2+$0x0], $0xffff;
	v7 =	vor.u32 s8, v0;
	s8 =	sadd.s32 $0xFFFFFFF8, s23  }
0x195: {  	v5 =	vld.idx.msk [tilespmem:v5+s2+$0x0], $0xffff;
	v8 =	vor.u32 s8, v0;
	s8 =	sadd.s32 $0xFFFFFFF9, s23  }
0x196: {  	v6 =	vld.idx.msk [tilespmem:v6+s2+$0x0], $0xffff;
	v9 =	vor.u32 s8, v0;
	s8 =	sadd.s32 $0xFFFFFFFA, s23  }
0x197: {  	v3 =	vld.idx.msk [tilespmem:v3+s2+$0x0], $0xffff;
	v10 =	vor.u32 s8, v0;
	s8 =	sadd.s32 $0xFFFFFFFB, s23  }
0x198: {  	v2 =	vld.idx.msk [tilespmem:v2+s2+$0x0], $0xffff;
	v11 =	vor.u32 s8, v0;
	s8 =	sadd.s32 $0xFFFFFFFC, s23  }
0x199: {  	v7 =	vld.idx.msk [tilespmem:v7+s2+$0x0], $0xffff;
	v12 =	vor.u32 s8, v0;
	s8 =	sadd.s32 $0xFFFFFFFD, s23  }
0x19a: {  	v14 =	vmax.f32 v4, v1;
	v8 =	vld.idx.msk [tilespmem:v8+s2+$0x0], $0xffff;
	v13 =	vor.u32 s8, v0;
	s8 =	sadd.s32 $0xFFFFFFFE, s23  }
0x19b: {  	v14 =	vmax.f32 v14, v5;
	v9 =	vld.idx.msk [tilespmem:v9+s2+$0x0], $0xffff;
	v15 =	vor.u32 s8, v0;
	s8 =	sadd.s32 $0xFFFFFFFF, s23  }
0x19c: {  	v14 =	vmax.f32 v14, v6;
	v10 =	vld.idx.msk [tilespmem:v10+s2+$0x0], $0xffff;
	v16 =	vor.u32 s8, v0  }
0x19d: {  	v17 =	vor.u32 s23, v0;
	s23 =	smov.u32 s7;
	v14 =	vmax.f32 v14, v3;
	v11 =	vld.idx.msk [tilespmem:v11+s2+$0x0], $0xffff  }
0x19e: {  	v14 =	vmax.f32 v14, v2;
	v12 =	vld.idx.msk [tilespmem:v12+s2+$0x0], $0xffff  }
0x19f: {  	v14 =	vmax.f32 v14, v7;
	v13 =	vld.idx.msk [tilespmem:v13+s2+$0x0], $0xffff  }
0x1a0: {  	v14 =	vmax.f32 v14, v8;
	v15 =	vld.idx.msk [tilespmem:v15+s2+$0x0], $0xffff  }
0x1a1: {  	v14 =	vmax.f32 v14, v9;
	v16 =	vld.idx.msk [tilespmem:v16+s2+$0x0], $0xffff  }
0x1a2: {  	v14 =	vmax.f32 v14, v10;
	v17 =	vld.idx.msk [tilespmem:v17+s2+$0x0], $0xffff  }
0x1a3: {  	v14 =	vmax.f32 v14, v11  }
0x1a4: {  	v14 =	vmax.f32 v14, v12  }
0x1a5: {  	v14 =	vmax.f32 v14, v13  }
0x1a6: {  	v14 =	vmax.f32 v14, v15  }
0x1a7: {  	v14 =	vmax.f32 v14, v16  }
0x1a8: {  	v14 =	vmax.f32 v14, v17  }
0x1a9: {  	v4 =	vsub.f32 v4, v14;
	v1 =	vsub.f32 v1, v14  }
0x1aa: {  	v5 =	vsub.f32 v5, v14;
	v6 =	vsub.f32 v6, v14  }
0x1ab: {  	v3 =	vsub.f32 v3, v14;
	v4 =	vmul.f32 $1.442695020e+00, v4;
	v1 =	vmul.f32 $1.442695020e+00, v1  }
0x1ac: {  	v2 =	vsub.f32 v2, v14;
	v5 =	vmul.f32 $1.442695020e+00, v5;
	v6 =	vmul.f32 $1.442695020e+00, v6  }
0x1ad: {  	v7 =	vsub.f32 v7, v14;
	v3 =	vmul.f32 $1.442695020e+00, v3;
	(erf) = vpow2.f32 v4  }
0x1ae: {  	v2 =	vmul.f32 $1.442695020e+00, v2;
	v4 =	vsub.f32 v8, v14;
	(erf) = vpow2.f32 v1  }
0x1af: {  	v8 =	vsub.f32 v10, v14;
	v1 =	vmul.f32 $1.442695020e+00, v7;
	v7 =	vsub.f32 v9, v14  }
0x1b0: {  	v9 =	vsub.f32 v11, v14;
	v4 =	vmul.f32 $1.442695020e+00, v4;
	(erf) = vpow2.f32 v5  }
0x1b1: {  	v5 =	vmul.f32 $1.442695020e+00, v7;
	v7 =	vmul.f32 $1.442695020e+00, v8;
	v8 =	vsub.f32 v12, v14  }
0x1b2: {  	v10 =	vsub.f32 v13, v14;
	v9 =	vmul.f32 $1.442695020e+00, v9;
	(erf) = vpow2.f32 v6  }
0x1b3: {  	v11 =	vsub.f32 v16, v14;
	v6 =	vmul.f32 $1.442695020e+00, v8;
	v8 =	vsub.f32 v15, v14  }
0x1b4: {  	v13 =	vsub.f32 v17, v14;
	v10 =	vmul.f32 $1.442695020e+00, v10;
	(erf) = vpow2.f32 v3  }
0x1b5: {  	v3 =	vmul.f32 $1.442695020e+00, v8;
	v8 =	vmul.f32 $1.442695020e+00, v11  }
0x1b6: {  	v11 =	vmul.f32 $1.442695020e+00, v13;
	v12 =	vpop (erf);
	(erf) = vpow2.f32 v2  }
0x1b7: {  	v2 =	vpop (erf)  }
0x1b8: {  	v12 =	vadd.f32 v2, v12;
	(erf) = vpow2.f32 v1  }
0x1b9: {  	v1 =	vpop (erf)  }
0x1ba: {  	v12 =	vadd.f32 v12, v1;
	v2 =	vsub.f32 v2, v1;
	(erf) = vpow2.f32 v4  }
0x1bb: {  	v4 =	vpop (erf)  }
0x1bc: {  	v12 =	vadd.f32 v12, v4;
	v1 =	vadd.f32 v4, v1;
	(erf) = vpow2.f32 v5  }
0x1bd: {  	v4 =	vpop (erf)  }
0x1be: {  	v5 =	vadd.f32 v12, v4;
	(erf) = vpow2.f32 v7  }
0x1bf: {  	v7 =	vpop (erf)  }
0x1c0: {  	v5 =	vadd.f32 v5, v7;
	v7 =	vadd.f32 v7, v4;
	(erf) = vpow2.f32 v9  }
0x1c1: {  	v2 =	vsub.f32 v2, v4;
	v4 =	vpop (erf);
	(erf) = vpow2.f32 v10  }
0x1c2: {  	v5 =	vadd.f32 v5, v4;
	v9 =	vadd.f32 v4, v4;
	(erf) = vpow2.f32 v6  }
0x1c3: {  	v1 =	vadd.f32 v1, v4;
	v4 =	vadd.f32 v7, v4;
	v6 =	vpop (erf)  }
0x1c4: {  	v10 =	vadd.f32 v5, v6;
	v2 =	vsub.f32 v2, v9  }
0x1c5: {  	v1 =	vadd.f32 v1, v6;
	v4 =	vadd.f32 v4, v6;
	v7 =	vpop (erf);
	(erf) = vpow2.f32 v3  }
0x1c6: {  	v3 =	vadd.f32 v10, v7;
	v2 =	vsub.f32 v2, v6  }
0x1c7: {  	v1 =	vsub.f32 v1, v7;
	v4 =	vsub.f32 v4, v7;
	v5 =	vpop (erf)  }
0x1c8: {  	v3 =	vadd.f32 v3, v5;
	v2 =	vadd.f32 v2, v7;
	(erf) = vpow2.f32 v8  }
0x1c9: {  	v6 =	vadd.f32 v5, v7;
	v7 =	vadd.f32 v5, v5;
	v8 =	vpop (erf)  }
0x1ca: {  	v9 =	vsub.f32 v1, v5;
	v3 =	vadd.f32 v3, v8;
	v10 =	vpop (erf);
	(erf) = vpow2.f32 v11  }
0x1cb: {  	v6 =	vadd.f32 v6, v8;
	v2 =	vadd.f32 v2, v7;
	v1 =	vpop (erf)  }
0x1cc: {  	v7 =	vadd.f32 v3, v1;
	v3 =	vsub.f32 v9, v10  }
0x1cd: {  	v6 =	vadd.f32 v6, v1;
	v2 =	vadd.f32 v2, v1  }
0x1ce: {  	v11 =	vsub.f32 v4, v5;
	v7 =	vadd.f32 v7, v10;
	v4 =	vpop (erf)  }
0x1cf: {  	v9 =	vadd.f32 v6, v10;
	v6 =	vadd.f32 v2, v4  }
0x1d0: {  	v2 =	vadd.f32 v7, v4;
	v7 =	vsub.f32 v11, v8  }
0x1d1: {  	v10 =	vadd.f32 v9, v4;
	v5 =	vpop (erf)  }
0x1d2: {  	v2 =	vadd.f32 v2, v5  }
0x1d3: {  	v9 =	vadd.f32 v10, v5;
	v8 =	vpop (erf)  }
.Ltmp3:
0x1d4: {  	v2 =	vadd.f32 v2, v8;
	(pc) =	sbr.rel @p0 .LBB2_4-.Ltmp3, $4  }
0x1d5: {  	_ = 	snop  }
0x1d6: {  	(erf) = vrcp.f32 v2  }
0x1d7: {  	s7 =	sadd.s32 $0xFFFFFFF2, s23  }
0x1d8: {  	s8 =	smov.u32 s5;
	v2 =	vor.u32 s7, v0  }
0x1d9: {  	_ =	sdelay $0x4  }
0x1da: {  	v8 =	vadd.f32 v9, v8;
	v3 =	vsub.f32 v3, v4  }
0x1db: {  	v1 =	vsub.f32 v7, v1;
	v28 =	vsub.f32 v6, v5;
	v29 =	vpop (erf)  }
0x1dc: {  	s5 =	sadd.s32 $0xFFFFFFF1, s23;
	v30 =	vmul.f32 v29, v8;
	v3 =	vmul.f32 v29, v3  }
0x1dd: {  	s19 =	sadd.s32 $0xFFFFFFF3, s23;
	v31 =	vor.u32 s5, v0;
	v1 =	vmul.f32 v29, v1;
	v4 =	vmul.f32 v29, v28  }
0x1de: {  	s20 =	sadd.s32 $0xFFFFFFF4, s23;
	v32 =	vor.u32 s19, v0;
	v3 =	vpack.i.f32.bf16 v3, v30  }
0x1df: {  	s24 =	sadd.s32 $0xFFFFFFF5, s23;
	v33 =	vor.u32 s20, v0;
	v1 =	vpack.i.f32.bf16 v4, v1;
	[tilespmem:s4+$0x0] =	vst v3  }
0x1e0: {  	s30 =	sadd.s32 $0xFFFFFFF6, s23;
	v3 =	vor.u32 s24, v0;
	[tilespmem:s1+$0x0] =	vst v1  }
0x1e1: {  	s4 =	sadd.s32 $0xFFFFFFF7, s23;
	v1 =	vld.idx.msk [tilespmem:v2+s2+$0x0], $0xffff;
	v2 =	vor.u32 s30, v0  }
0x1e2: {  	s5 =	sadd.s32 $0xFFFFFFF8, s23;
	v35 =	vor.u32 s4, v0;
	v34 =	vld.idx.msk [tilespmem:v31+s2+$0x0], $0xffff  }
0x1e3: {  	s7 =	sadd.s32 $0xFFFFFFF9, s23;
	v36 =	vor.u32 s5, v0;
	v5 =	vld.idx.msk [tilespmem:v32+s2+$0x0], $0xffff  }
0x1e4: {  	s8 =	sadd.s32 $0xFFFFFFFA, s23;
	v37 =	vor.u32 s7, v0;
	v6 =	vld.idx.msk [tilespmem:v33+s2+$0x0], $0xffff  }
0x1e5: {  	s17 =	sadd.s32 $0xFFFFFFFB, s23;
	v10 =	vor.u32 s8, v0;
	v3 =	vld.idx.msk [tilespmem:v3+s2+$0x0], $0xffff  }
0x1e6: {  	v11 =	vor.u32 s17, v0;
	s19 =	sadd.s32 $0xFFFFFFFC, s23;
	v2 =	vld.idx.msk [tilespmem:v2+s2+$0x0], $0xffff  }
0x1e7: {  	s20 =	sadd.s32 $0xFFFFFFFD, s23;
	v12 =	vor.u32 s19, v0;
	v7 =	vld.idx.msk [tilespmem:v35+s2+$0x0], $0xffff;
	v13 =	vmax.f32 v34, v1  }
0x1e8: {  	v14 =	vor.u32 s20, v0;
	s24 =	sadd.s32 $0xFFFFFFFE, s23;
	v8 =	vld.idx.msk [tilespmem:v36+s2+$0x0], $0xffff;
	v13 =	vmax.f32 v13, v5  }
0x1e9: {  	v15 =	vor.u32 s24, v0;
	v9 =	vld.idx.msk [tilespmem:v37+s2+$0x0], $0xffff;
	s30 =	sadd.s32 $0xFFFFFFFF, s23;
	v13 =	vmax.f32 v13, v6  }
0x1ea: {  	v10 =	vld.idx.msk [tilespmem:v10+s2+$0x0], $0xffff;
	v16 =	vor.u32 s30, v0;
	v13 =	vmax.f32 v13, v3  }
0x1eb: {  	v17 =	vor.u32 s23, v0;
	v11 =	vld.idx.msk [tilespmem:v11+s2+$0x0], $0xffff;
	v13 =	vmax.f32 v13, v2  }
0x1ec: {  	v12 =	vld.idx.msk [tilespmem:v12+s2+$0x0], $0xffff;
	v13 =	vmax.f32 v13, v7  }
0x1ed: {  	v14 =	vld.idx.msk [tilespmem:v14+s2+$0x0], $0xffff;
	v13 =	vmax.f32 v13, v8  }
0x1ee: {  	v15 =	vld.idx.msk [tilespmem:v15+s2+$0x0], $0xffff;
	v13 =	vmax.f32 v13, v9  }
0x1ef: {  	v16 =	vld.idx.msk [tilespmem:v16+s2+$0x0], $0xffff;
	v13 =	vmax.f32 v13, v10  }
0x1f0: {  	v17 =	vld.idx.msk [tilespmem:v17+s2+$0x0], $0xffff;
	v13 =	vmax.f32 v13, v11  }
0x1f1: {  	v13 =	vmax.f32 v13, v12  }
0x1f2: {  	v13 =	vmax.f32 v13, v14  }
0x1f3: {  	v13 =	vmax.f32 v13, v15  }
0x1f4: {  	v13 =	vmax.f32 v13, v16  }
0x1f5: {  	v13 =	vmax.f32 v13, v17  }
0x1f6: {  	v4 =	vsub.f32 v34, v13  }
0x1f7: {  	v1 =	vsub.f32 v1, v13  }
0x1f8: {  	v4 =	vmul.f32 $1.442695020e+00, v4  }
0x1f9: {  	v5 =	vsub.f32 v5, v13;
	v1 =	vmul.f32 $1.442695020e+00, v1  }
0x1fa: {  	(erf) = vpow2.f32 v4  }
0x1fb: {  	v38 =	vsub.f32 v6, v13;
	v5 =	vmul.f32 $1.442695020e+00, v5;
	(erf) = vpow2.f32 v1;
	_ =	sdelay $0x1  }
0x1fc: {  	v1 =	vsub.f32 v3, v13;
	v3 =	vmul.f32 $1.442695020e+00, v38;
	(erf) = vpow2.f32 v5;
	_ =	sdelay $0x1  }
0x1fd: {  	v2 =	vsub.f32 v2, v13;
	v1 =	vmul.f32 $1.442695020e+00, v1;
	(erf) = vpow2.f32 v3;
	_ =	sdelay $0x1  }
0x1fe: {  	v2 =	vmul.f32 $1.442695020e+00, v2;
	v3 =	vsub.f32 v7, v13;
	(erf) = vpow2.f32 v1;
	_ =	sdelay $0x1  }
0x1ff: {  	v1 =	vsub.f32 v8, v13;
	v3 =	vmul.f32 $1.442695020e+00, v3;
	(erf) = vpow2.f32 v2;
	v39 =	vpop (erf)  }
0x200: {  	v2 =	vsub.f32 v9, v13;
	v40 =	vpop (erf)  }
0x201: {  	v1 =	vmul.f32 $1.442695020e+00, v1;
	(erf) = vpow2.f32 v3;
	v4 =	vadd.f32 v40, v39  }
0x202: {  	v2 =	vmul.f32 $1.442695020e+00, v2;
	v41 =	vpop (erf)  }
0x203: {  	v3 =	vsub.f32 v10, v13;
	(erf) = vpow2.f32 v1;
	v4 =	vadd.f32 v4, v41  }
0x204: {  	v1 =	vsub.f32 v11, v13;
	v42 =	vpop (erf)  }
0x205: {  	v3 =	vmul.f32 $1.442695020e+00, v3;
	(erf) = vpow2.f32 v2;
	v4 =	vadd.f32 v4, v42  }
0x206: {  	v43 =	vsub.f32 v14, v13;
	v2 =	vsub.f32 v12, v13;
	v1 =	vmul.f32 $1.442695020e+00, v1;
	v44 =	vpop (erf)  }
0x207: {  	(erf) = vpow2.f32 v3;
	v4 =	vadd.f32 v4, v44  }
0x208: {  	v3 =	vmul.f32 $1.442695020e+00, v43;
	v2 =	vmul.f32 $1.442695020e+00, v2;
	v45 =	vpop (erf)  }
0x209: {  	(erf) = vpow2.f32 v1;
	v4 =	vadd.f32 v4, v45  }
0x20a: {  	(erf) = vpow2.f32 v3;
	v1 =	vpop (erf)  }
0x20b: {  	v3 =	vsub.f32 v15, v13;
	(erf) = vpow2.f32 v2;
	v4 =	vadd.f32 v4, v1  }
0x20c: {  	v2 =	vpop (erf)  }
0x20d: {  	v46 =	vsub.f32 v16, v13;
	v3 =	vmul.f32 $1.442695020e+00, v3;
	v4 =	vadd.f32 v4, v2  }
0x20e: {  	v47 =	vsub.f32 v17, v13;
	v48 =	vpop (erf)  }
0x20f: {  	v10 =	vmul.f32 $1.442695020e+00, v46;
	(erf) = vpow2.f32 v3;
	v3 =	vadd.f32 v4, v48  }
0x210: {  	v49 =	vpop (erf)  }
0x211: {  	v11 =	vmul.f32 $1.442695020e+00, v47;
	(erf) = vpow2.f32 v10;
	v3 =	vadd.f32 v3, v49  }
0x212: {  	v50 =	vpop (erf)  }
0x213: {  	(erf) = vpow2.f32 v11;
	v51 =	vpop (erf);
	v3 =	vadd.f32 v3, v50  }
0x214: {  	v52 =	vpop (erf)  }
0x215: {  	v3 =	vadd.f32 v3, v52  }
0x216: {  	v5 =	vsub.f32 v40, v41  }
0x217: {  	v3 =	vadd.f32 v3, v51  }
0x218: {  	v6 =	vadd.f32 v42, v41;
	v5 =	vsub.f32 v5, v44;
	v54 =	vpop (erf)  }
0x219: {  	v53 =	vadd.f32 v45, v44;
	v3 =	vadd.f32 v3, v54  }
0x21a: {  	v55 =	vadd.f32 v1, v1;
	v6 =	vadd.f32 v6, v1;
	v56 =	vpop (erf)  }
0x21b: {  	v57 =	vadd.f32 v49, v48;
	v3 =	vadd.f32 v3, v56  }
0x21c: {  	v1 =	vadd.f32 v53, v1;
	v5 =	vsub.f32 v5, v55;
	v58 =	vpop (erf)  }
0x21d: {  	v59 =	vadd.f32 v57, v50;
	v3 =	vadd.f32 v3, v58  }
0x21e: {  	v6 =	vadd.f32 v6, v2;
	v5 =	vsub.f32 v5, v2  }
0x21f: {  	v1 =	vadd.f32 v1, v2;
	v2 =	vadd.f32 v59, v52;
	(erf) = vrcp.f32 v3  }
0x220: {  	v60 =	vadd.f32 v49, v49;
	v3 =	vadd.f32 v5, v48  }
0x221: {  	v6 =	vsub.f32 v6, v48;
	v2 =	vadd.f32 v2, v51  }
0x222: {  	v1 =	vsub.f32 v1, v48;
	v3 =	vadd.f32 v3, v60  }
0x223: {  	v61 =	vsub.f32 v6, v49;
	v2 =	vadd.f32 v2, v54  }
0x224: {  	v1 =	vsub.f32 v1, v49;
	v3 =	vadd.f32 v3, v52  }
0x225: {  	v62 =	vsub.f32 v61, v51;
	v2 =	vadd.f32 v2, v56  }
0x226: {  	v1 =	vsub.f32 v1, v50;
	v3 =	vadd.f32 v3, v54  }
0x227: {  	v4 =	vsub.f32 v62, v54;
	v2 =	vadd.f32 v2, v58  }
0x228: {  	v1 =	vsub.f32 v1, v52;
	v3 =	vsub.f32 v3, v56;
	v63 =	vpop (erf)  }
0x229: {  	v2 =	vmul.f32 v63, v2;
	v4 =	vmul.f32 v63, v4  }
0x22a: {  	v1 =	vmul.f32 v63, v1;
	v3 =	vmul.f32 v63, v3  }
0x22b: {  	s4 =	sadd.s32 $0x10, s21;
	v2 =	vpack.i.f32.bf16 v4, v2  }
0x22c: {  	s5 =	sadd.s32 $0x10, s22;
	v1 =	vpack.i.f32.bf16 v3, v1;
	[tilespmem:s4+$0x0] =	vst v2  }
0x22d: {  	s7 =	rddreg [dreg:$0xd];
	s8 =	simm.s32 $0x100;
	s17 =	simm.s32 $0x1F000;
	[tilespmem:s5+$0x0] =	vst v1  }
0x22e: {  	[hbm4b:s7+s13] =	stream.strided.scatter [tilespmem:s17], [sflag:$0x12], $0x200, s8, s13, $0x38;
	[tilespmem:$0x1F400] =	vst v63  }
0x22f: {  	_ =	swait.ge [sflag:s18], $0x200  }
0x230: {  	[sflag:s18] =	ssyncset.done $0x0  }
0x231: {  	s20 =	simm.s32 $0x1F200;
	s19 =	rddreg [dreg:$0xe];
	[sflag:s18] =	ssyncadd.s32 $0xFFFFFE00  }
0x232: {  	[hbm4b:s19+s13] =	stream.strided.scatter [tilespmem:s20], [sflag:$0x12], $0x200, s8, s13, $0x38;
	[tilespmem:$0x1F400] =	vst v63  }
0x233: {  	_ =	swait.ge [sflag:s18], $0x200  }
0x234: {  	[sflag:s18] =	ssyncset.done $0x0  }
0x235: {  	[sflag:s18] =	ssyncadd.s32 $0xFFFFFE00  }
0x236: {  	[bflag:$0x0] =	sbarrier.arrive $0xFFFF  }
0x237: {  	s22 =	simm.s32 $0x1A000;
	s21 =	rddreg [dreg:$0xf]  }
0x238: {  	[tilespmem:s22], [sflag:$0x12] =	stream.strided.gather [hbm4b:s21+s13], $0x2000, s8, s13, $0x38;
	[tilespmem:$0x1F400] =	vst v63  }
0x239: {  	_ =	swait.ge [sflag:s18], $0x2000  }
0x23a: {  	[sflag:s18] =	ssyncset.done $0x0  }
0x23b: {  	s24 =	simm.s32 $0x1C000;
	s23 =	rddreg [dreg:$0x10];
	[sflag:s18] =	ssyncadd.s32 $0xFFFFE000  }
0x23c: {  	[tilespmem:s24], [sflag:$0x12] =	stream.strided.gather [hbm4b:s23+s13], $0x2000, s8, s13, $0x38;
	[tilespmem:$0x1F400] =	vst v63  }
0x23d: {  	_ =	swait.ge [sflag:s18], $0x2000  }
0x23e: {  	[sflag:s18] =	ssyncset.done $0x0  }
0x23f: {  	s30 =	simm.s32 $0x11;
	[sflag:s18] =	ssyncadd.s32 $0xFFFFE000  }
0x240: {  	_ =	swait.ge [sflag:s30], $0x2000  }
0x241: {  	[sflag:s30] =	ssyncset.done $0x0  }
0x242: {  	s21 =	simm.s32 $0x0;
	[sflag:s30] =	ssyncadd.s32 $0xFFFFE000  }
.LBB2_6:
0x243: {  	s1 =	simm.s32 $0x1  }
0x244: {  	_ =	swait.ge [sflag:s1], $0x2000  }
0x245: {  	[sflag:s1] =	ssyncset.done $0x0  }
0x246: {  	s22 =	simm.s32 $0x2;
	[sflag:s1] =	ssyncadd.s32 $0xFFFFE000  }
0x247: {  	_ =	swait.ge [sflag:s22], $0x2000  }
0x248: {  	[sflag:s22] =	ssyncset.done $0x0  }
0x249: {  	s23 =	simm.s32 $0x3;
	[sflag:s22] =	ssyncadd.s32 $0xFFFFE000  }
0x24a: {  	_ =	swait.ge [sflag:s23], $0x2000  }
0x24b: {  	[sflag:s23] =	ssyncset.done $0x0  }
0x24c: {  	s24 =	simm.s32 $0x4;
	[sflag:s23] =	ssyncadd.s32 $0xFFFFE000  }
0x24d: {  	_ =	swait.ge [sflag:s24], $0x2000  }
0x24e: {  	p0 =	seq.s32 s21, $0x0;
	[sflag:s24] =	ssyncset.done $0x0  }
0x24f: {  	s1 =	simm.s32 @!p0 $0x9;
	[sflag:s24] =	ssyncadd.s32 $0xFFFFE000  }
0x250: {  	_ =	swait.ge @!p0 [sflag:s1], $0x1000  }
0x251: {  	[sflag:s1] =	ssyncset.done @!p0 $0x0  }
0x252: {  	[sflag:s1] =	ssyncadd.s32 @!p0 $0xFFFFF000;
	s1 =	simm.s32 @!p0 $0xB  }
0x253: {  	_ =	swait.ge @!p0 [sflag:s1], $0x1000  }
0x254: {  	[sflag:s1] =	ssyncset.done @!p0 $0x0  }
0x255: {  	[sflag:s1] =	ssyncadd.s32 @!p0 $0xFFFFF000;
	s1 =	simm.s32 @!p0 $0xD  }
0x256: {  	_ =	swait.ge @!p0 [sflag:s1], $0x1000  }
0x257: {  	[sflag:s1] =	ssyncset.done @!p0 $0x0  }
0x258: {  	[sflag:s1] =	ssyncadd.s32 @!p0 $0xFFFFF000;
	s1 =	simm.s32 @!p0 $0xF  }
0x259: {  	_ =	swait.ge @!p0 [sflag:s1], $0x1000  }
0x25a: {  	[sflag:s1] =	ssyncset.done @!p0 $0x0  }
0x25b: {  	s30 =	simm.s32 $0x18020;
	[sflag:s1] =	ssyncadd.s32 @!p0 $0xFFFFF000  }
0x25c: {  	v1 =	vld [tilespmem:s30+$0x10]  }
0x25d: {  	v2 =	vld [tilespmem:s30+$0xFFFFFFF0]  }
0x25e: {  	v4 =	vld [tilespmem:s30+$0x0]  }
0x25f: {  	s22 =	simm.s32 $0x1A020;
	v5 =	vld [tilespmem:s30+$0xFFFFFFE0]  }
0x260: {  	s23 =	simm.s32 $0x1C020;
	v6 =	vld [tilespmem:s22+$0x10]  }
0x261: {  	v7 =	vld [tilespmem:s23+$0x10]  }
0x262: {  	v16 =	vld [tilespmem:s23+$0xFFFFFFE0];
	v3 =	vand.u32 $0xFFFF, v1  }
0x263: {  	v18 =	vld [tilespmem:s23+$0xFFFFFFF0]  }
0x264: {  	v22 =	vld [tilespmem:s23+$0x0]  }
0x265: {  	v36 =	vld [tilespmem:s22+$0xFFFFFFE0]  }
0x266: {  	v43 =	vld [tilespmem:s22+$0x0];
	v1 =	vshrl.u32 v1, $0x10  }
0x267: {  	v8 =	vld.idx.msk [tilespmem:v3+s3+$0x0], $0xffff  }
0x268: {  	v9 =	vld.idx.msk [tilespmem:v3+s15+$0x0], $0xffff  }
0x269: {  	v10 =	vld.idx.msk [tilespmem:v3+s16+$0x0], $0xffff  }
0x26a: {  	v13 =	vand.u32 $0xFFFF, v5;
	v3 =	vld.idx.msk [tilespmem:v3+s25+$0x0], $0xffff  }
0x26b: {  	v20 =	vshrl.u32 v2, $0x10;
	v2 =	vand.u32 $0xFFFF, v2;
	v11 =	vld.idx.msk [tilespmem:v1+s3+$0x0], $0xffff  }
0x26c: {  	v12 =	vld.idx.msk [tilespmem:v1+s15+$0x0], $0xffff  }
0x26d: {  	v14 =	vld.idx.msk [tilespmem:v1+s16+$0x0], $0xffff  }
0x26e: {  	v17 =	vunpack.i.u.bf16.f32 v7;
	v21 =	vshrl.u32 v5, $0x10;
	v5 =	vunpack.i.u.bf16.f32 v6;
	v15 =	vld.idx.msk [tilespmem:v1+s25+$0x0], $0xffff  }
0x26f: {  	v6 =	vunpack.i.l.bf16.f32 v6;
	v7 =	vunpack.i.l.bf16.f32 v7;
	v31 =	vunpack.i.u.bf16.f32 v22;
	v25 =	vld.idx.msk [tilespmem:v13+s3+$0x0], $0xffff  }
0x270: {  	v33 =	vunpack.i.l.bf16.f32 v22;
	v44 =	vunpack.i.u.bf16.f32 v36;
	v35 =	vunpack.i.u.bf16.f32 v43;
	v37 =	vld.idx.msk [tilespmem:v2+s3+$0x0], $0xffff  }
0x271: {  	v1 =	vshrl.u32 v4, $0x10;
	v38 =	vld.idx.msk [tilespmem:v2+s15+$0x0], $0xffff;
	v19 =	vmul.f32 v8, v17;
	v23 =	vmul.f32 v9, v17  }
0x272: {  	v4 =	vand.u32 $0xFFFF, v4;
	v39 =	vld.idx.msk [tilespmem:v2+s16+$0x0], $0xffff;
	v8 =	vmul.f32 v8, v5;
	v9 =	vmul.f32 v9, v5  }
0x273: {  	v40 =	vld.idx.msk [tilespmem:v2+s25+$0x0], $0xffff;
	v2 =	vunpack.i.u.bf16.f32 v18;
	v24 =	vmul.f32 v10, v5;
	v10 =	vmul.f32 v10, v17  }
0x274: {  	v26 =	vld.idx.msk [tilespmem:v13+s15+$0x0], $0xffff;
	v17 =	vmul.f32 v3, v17;
	v3 =	vmul.f32 v3, v5;
	v19 =	vadd.f32 v19, v7  }
0x275: {  	v42 =	vld [tilespmem:s22+$0xFFFFFFF0];
	v32 =	vmul.f32 v25, v44;
	v23 =	vadd.f32 v23, v7;
	v8 =	vadd.f32 v8, v6  }
0x276: {  	v27 =	vld.idx.msk [tilespmem:v13+s16+$0x0], $0xffff;
	v10 =	vadd.f32 v10, v7;
	v5 =	vadd.f32 v17, v7;
	v11 =	vmul.f32 v19, v11  }
0x277: {  	v28 =	vld.idx.msk [tilespmem:v13+s25+$0x0], $0xffff;
	v9 =	vadd.f32 v9, v6;
	v3 =	vadd.f32 v3, v6;
	v12 =	vmul.f32 v23, v12  }
0x278: {  	v10 =	vmul.f32 v10, v14;
	v5 =	vmul.f32 v5, v15;
	v14 =	vld.idx.msk [tilespmem:v4+s15+$0x0], $0xffff;
	v7 =	vadd.f32 v11, v8  }
0x279: {  	v34 =	vmul.f32 v26, v44;
	v19 =	vld.idx.msk [tilespmem:v4+s25+$0x0], $0xffff;
	v8 =	vadd.f32 v24, v6;
	v29 =	vadd.f32 v12, v9  }
0x27a: {  	v6 =	vunpack.i.u.bf16.f32 v16;
	v12 =	vunpack.i.l.bf16.f32 v16;
	v9 =	vld.idx.msk [tilespmem:v4+s3+$0x0], $0xffff;
	v41 =	vadd.f32 v5, v3  }
0x27b: {  	v5 =	vunpack.i.l.bf16.f32 v18;
	v16 =	vld.idx.msk [tilespmem:v4+s16+$0x0], $0xffff;
	v4 =	vmul.f32 v37, v2;
	v3 =	vmul.f32 v25, v6  }
0x27c: {  	v11 =	vmul.f32 v27, v6;
	v25 =	vunpack.i.u.bf16.f32 v42;
	v30 =	vadd.f32 v10, v8  }
0x27d: {  	v10 =	vmul.f32 v26, v6;
	v8 =	vadd.f32 v3, v12;
	v3 =	vmul.f32 v28, v6  }
0x27e: {  	v22 =	vld.idx.msk [tilespmem:v21+s3+$0x0], $0xffff;
	v15 =	vadd.f32 v4, v5;
	v37 =	vmul.f32 v37, v25;
	v11 =	vadd.f32 v11, v12  }
0x27f: {  	v23 =	vld.idx.msk [tilespmem:v21+s15+$0x0], $0xffff;
	v6 =	vmul.f32 v39, v2;
	v13 =	vadd.f32 v3, v12;
	v3 =	vmul.f32 v38, v2  }
0x280: {  	s24 =	simm.s32 $0x10020;
	v24 =	vld.idx.msk [tilespmem:v21+s16+$0x0], $0xffff;
	v10 =	vadd.f32 v10, v12;
	v2 =	vmul.f32 v40, v2;
	v4 =	vmul.f32 v9, v31  }
0x281: {  	[tilespmem:s24+$0x10] =	vst v7;
	v17 =	vadd.f32 v6, v5;
	v18 =	vadd.f32 v3, v5;
	v3 =	vmul.f32 v14, v31  }
0x282: {  	s1 =	simm.s32 $0x12020;
	v26 =	vld.idx.msk [tilespmem:v20+s3+$0x0], $0xffff;
	v12 =	vadd.f32 v2, v5;
	v2 =	vmul.f32 v16, v31;
	v31 =	vmul.f32 v19, v31  }
0x283: {  	s4 =	simm.s32 $0x14020;
	[tilespmem:s1+$0x10] =	vst v29;
	v5 =	vadd.f32 v4, v33;
	v4 =	vld.idx.msk [tilespmem:v21+s25+$0x0], $0xffff;
	v21 =	vunpack.i.l.bf16.f32 v42;
	v3 =	vadd.f32 v3, v33  }
0x284: {  	s5 =	simm.s32 $0x16020;
	v29 =	vld.idx.msk [tilespmem:v20+s15+$0x0], $0xffff;
	[tilespmem:s4+$0x10] =	vst v30;
	v7 =	vadd.f32 v31, v33;
	v31 =	vunpack.i.l.bf16.f32 v36;
	v36 =	vmul.f32 v27, v44  }
0x285: {  	s19 =	simm.s32 $0x0;
	s20 =	simm.s32 $0x18060;
	s7 =	simm.s32 $0x16020;
	v30 =	vld.idx.msk [tilespmem:v20+s16+$0x0], $0xffff;
	v6 =	vadd.f32 v2, v33;
	v33 =	vmul.f32 v28, v44;
	v27 =	vmul.f32 v38, v25  }
0x286: {  	s18 =	simm.s32 $0x10020;
	s17 =	simm.s32 $0x12020;
	s8 =	simm.s32 $0x14020;
	[tilespmem:s5+$0x10] =	vst v41;
	v2 =	vld.idx.msk [tilespmem:v20+s25+$0x0], $0xffff;
	v28 =	vmul.f32 v39, v25;
	v25 =	vmul.f32 v40, v25;
	v20 =	vunpack.i.l.bf16.f32 v43  }
.LBB2_7:
0x287: {  	v38 =	vld [tilespmem:s20+$0x10];
	v32 =	vadd.f32 v32, v31;
	v9 =	vmul.f32 v9, v35;
	v14 =	vmul.f32 v14, v35  }
0x288: {  	v34 =	vadd.f32 v34, v31;
	v16 =	vmul.f32 v16, v35;
	v19 =	vmul.f32 v19, v35;
	v39 =	vld [tilespmem:s20+$0xFFFFFFF0]  }
0x289: {  	v8 =	vmul.f32 v8, v22;
	v10 =	vmul.f32 v10, v23;
	v22 =	vadd.f32 v36, v31;
	v35 =	vld [tilespmem:s20+$0x0]  }
0x28a: {  	s19 =	sadd.s32 $0x4, s19;
	v11 =	vmul.f32 v11, v24;
	v24 =	vadd.f32 v33, v31;
	v13 =	vmul.f32 v13, v4;
	v23 =	vld [tilespmem:s20+$0xFFFFFFE0]  }
0x28b: {  	v31 =	vadd.f32 v37, v21;
	p1 =	slt.u32 s19, $0xFC;
	v15 =	vmul.f32 v15, v26;
	v18 =	vmul.f32 v18, v29;
	v26 =	vld.idx.msk [tilespmem:v1+s3+$0x0], $0xffff  }
0x28c: {  	v17 =	vmul.f32 v17, v30;
	v30 =	vmul.f32 v12, v2;
	v29 =	vand.u32 $0xFFFF, v38;
	v33 =	vld.idx.msk [tilespmem:v1+s15+$0x0], $0xffff  }
0x28d: {  	v27 =	vadd.f32 v27, v21;
	v2 =	vshrl.u32 v39, $0x10;
	v36 =	vand.u32 $0xFFFF, v39;
	v37 =	vld.idx.msk [tilespmem:v1+s16+$0x0], $0xffff  }
0x28e: {  	s22 =	sadd.s32 $0x40, s22;
	v28 =	vadd.f32 v28, v21;
	v12 =	vand.u32 $0xFFFF, v35;
	v39 =	vld.idx.msk [tilespmem:v1+s25+$0x0], $0xffff;
	v1 =	vshrl.u32 v35, $0x10  }
0x28f: {  	s23 =	sadd.s32 $0x40, s23;
	v21 =	vadd.f32 v25, v21;
	v4 =	vshrl.u32 v23, $0x10;
	v23 =	vand.u32 $0xFFFF, v23;
	v35 =	vld [tilespmem:s22+$0x10]  }
0x290: {  	v9 =	vadd.f32 v9, v20;
	v14 =	vadd.f32 v14, v20;
	v25 =	vshrl.u32 v38, $0x10;
	v38 =	vld [tilespmem:s23+$0x10]  }
0x291: {  	v16 =	vadd.f32 v16, v20;
	v19 =	vadd.f32 v19, v20;
	v5 =	vmul.f32 v5, v26;
	v40 =	vld.idx.msk [tilespmem:v29+s3+$0x0], $0xffff  }
0x292: {  	v8 =	vadd.f32 v8, v32;
	v10 =	vadd.f32 v10, v34;
	v3 =	vmul.f32 v3, v33;
	v20 =	vld.idx.msk [tilespmem:v29+s15+$0x0], $0xffff  }
0x293: {  	v11 =	vadd.f32 v11, v22;
	v13 =	vadd.f32 v13, v24;
	v6 =	vmul.f32 v6, v37;
	v26 =	vld.idx.msk [tilespmem:v29+s16+$0x0], $0xffff  }
0x294: {  	v15 =	vadd.f32 v15, v31;
	v18 =	vadd.f32 v18, v27;
	v7 =	vmul.f32 v7, v39;
	v22 =	vld.idx.msk [tilespmem:v29+s25+$0x0], $0xffff  }
0x295: {  	v24 =	vld.idx.msk [tilespmem:v25+s3+$0x0], $0xffff;
	[tilespmem:s24+$0xFFFFFFE0] =	vst v8;
	v8 =	vadd.f32 v17, v28;
	v17 =	vadd.f32 v30, v21  }
0x296: {  	v5 =	vadd.f32 v5, v9;
	v21 =	vunpack.i.u.bf16.f32 v35;
	v27 =	vunpack.i.u.bf16.f32 v38;
	v28 =	vld.idx.msk [tilespmem:v25+s15+$0x0], $0xffff;
	[tilespmem:s1+$0xFFFFFFE0] =	vst v10  }
0x297: {  	v9 =	vunpack.i.l.bf16.f32 v35;
	v29 =	vmul.f32 v40, v21;
	v30 =	vmul.f32 v40, v27;
	v10 =	vld.idx.msk [tilespmem:v25+s16+$0x0], $0xffff;
	[tilespmem:s4+$0xFFFFFFE0] =	vst v11  }
0x298: {  	v11 =	vunpack.i.l.bf16.f32 v38;
	v31 =	vmul.f32 v20, v21;
	v20 =	vmul.f32 v20, v27;
	v25 =	vld.idx.msk [tilespmem:v25+s25+$0x0], $0xffff;
	[tilespmem:s5+$0xFFFFFFE0] =	vst v13  }
0x299: {  	v30 =	vadd.f32 v30, v11;
	v32 =	vmul.f32 v26, v21;
	v26 =	vmul.f32 v26, v27;
	v13 =	vld [tilespmem:s23+$0xFFFFFFE0];
	[tilespmem:s24+$0xFFFFFFF0] =	vst v15  }
0x29a: {  	v20 =	vadd.f32 v20, v11;
	v21 =	vmul.f32 v22, v21;
	v22 =	vmul.f32 v22, v27;
	v15 =	vld [tilespmem:s23+$0xFFFFFFF0];
	[tilespmem:s1+$0xFFFFFFF0] =	vst v18  }
0x29b: {  	v27 =	vadd.f32 v29, v9;
	v24 =	vmul.f32 v30, v24;
	v26 =	vadd.f32 v26, v11;
	v18 =	vld [tilespmem:s23+$0x0];
	[tilespmem:s4+$0xFFFFFFF0] =	vst v8  }
0x29c: {  	v8 =	vadd.f32 v31, v9;
	v20 =	vmul.f32 v20, v28;
	v11 =	vadd.f32 v22, v11;
	v29 =	vld.idx.msk [tilespmem:v23+s3+$0x0], $0xffff  }
0x29d: {  	v22 =	vadd.f32 v24, v27;
	v24 =	vadd.f32 v32, v9;
	v10 =	vmul.f32 v26, v10;
	v28 =	vld.idx.msk [tilespmem:v23+s15+$0x0], $0xffff  }
0x29e: {  	s24 =	sadd.s32 $0x40, s24;
	v9 =	vadd.f32 v21, v9;
	v8 =	vadd.f32 v20, v8;
	v11 =	vmul.f32 v11, v25;
	v27 =	vld.idx.msk [tilespmem:v23+s16+$0x0], $0xffff  }
0x29f: {  	s1 =	sadd.s32 $0x40, s1;
	v20 =	vunpack.i.u.bf16.f32 v13;
	v10 =	vadd.f32 v10, v24;
	v21 =	vld.idx.msk [tilespmem:v23+s25+$0x0], $0xffff;
	v23 =	vunpack.i.u.bf16.f32 v15;
	[tilespmem:s24+$0x10] =	vst v22  }
0x2a0: {  	s4 =	sadd.s32 $0x40, s4;
	v13 =	vunpack.i.l.bf16.f32 v13;
	v25 =	vld.idx.msk [tilespmem:v36+s3+$0x0], $0xffff;
	v26 =	vunpack.i.u.bf16.f32 v18;
	[tilespmem:s1+$0x10] =	vst v8;
	v8 =	vadd.f32 v11, v9  }
0x2a1: {  	v3 =	vadd.f32 v3, v14;
	s5 =	sadd.s32 $0x40, s5;
	v24 =	vunpack.i.l.bf16.f32 v15;
	v30 =	vunpack.i.l.bf16.f32 v18;
	v38 =	vld.idx.msk [tilespmem:v36+s15+$0x0], $0xffff;
	[tilespmem:s4+$0x10] =	vst v10  }
0x2a2: {  	v6 =	vadd.f32 v6, v16;
	v9 =	vmul.f32 v29, v20;
	v39 =	vld.idx.msk [tilespmem:v36+s16+$0x0], $0xffff;
	[tilespmem:s5+$0x10] =	vst v8  }
0x2a3: {  	v7 =	vadd.f32 v7, v19;
	v10 =	vmul.f32 v28, v20;
	v40 =	vld.idx.msk [tilespmem:v36+s25+$0x0], $0xffff;
	[tilespmem:s7+$0xFFFFFFF0] =	vst v17  }
0x2a4: {  	v8 =	vadd.f32 v9, v13;
	v11 =	vmul.f32 v27, v20;
	v9 =	vld.idx.msk [tilespmem:v12+s3+$0x0], $0xffff;
	[tilespmem:s18+$0x0] =	vst v5;
	s18 =	smov.u32 s24  }
0x2a5: {  	v10 =	vadd.f32 v10, v13;
	v5 =	vmul.f32 v21, v20;
	v14 =	vld.idx.msk [tilespmem:v12+s15+$0x0], $0xffff;
	[tilespmem:s17+$0x0] =	vst v3;
	s17 =	smov.u32 s1  }
0x2a6: {  	v11 =	vadd.f32 v11, v13;
	v3 =	vmul.f32 v25, v23;
	v16 =	vld.idx.msk [tilespmem:v12+s16+$0x0], $0xffff;
	[tilespmem:s8+$0x0] =	vst v6;
	s8 =	smov.u32 s4  }
0x2a7: {  	v13 =	vadd.f32 v5, v13;
	v5 =	vmul.f32 v38, v23;
	v19 =	vld.idx.msk [tilespmem:v12+s25+$0x0], $0xffff;
	[tilespmem:s7+$0x0] =	vst v7;
	s7 =	smov.u32 s5  }
0x2a8: {  	v15 =	vadd.f32 v3, v24;
	v3 =	vmul.f32 v39, v23;
	v20 =	vld [tilespmem:s22+$0xFFFFFFE0]  }
0x2a9: {  	v18 =	vadd.f32 v5, v24;
	v5 =	vmul.f32 v40, v23;
	v37 =	vld [tilespmem:s22+$0xFFFFFFF0]  }
0x2aa: {  	v17 =	vadd.f32 v3, v24;
	v3 =	vmul.f32 v9, v26;
	v41 =	vld [tilespmem:s22+$0x0]  }
0x2ab: {  	v12 =	vadd.f32 v5, v24;
	v6 =	vmul.f32 v14, v26;
	v22 =	vld.idx.msk [tilespmem:v4+s3+$0x0], $0xffff  }
0x2ac: {  	v5 =	vadd.f32 v3, v30;
	v7 =	vmul.f32 v16, v26;
	v23 =	vld.idx.msk [tilespmem:v4+s15+$0x0], $0xffff  }
0x2ad: {  	v3 =	vadd.f32 v6, v30;
	v31 =	vmul.f32 v19, v26;
	v33 =	vunpack.i.u.bf16.f32 v20;
	v24 =	vld.idx.msk [tilespmem:v4+s16+$0x0], $0xffff  }
.Ltmp4:
0x2ae: {  	v6 =	vadd.f32 v7, v30;
	v4 =	vld.idx.msk [tilespmem:v4+s25+$0x0], $0xffff;
	v32 =	vmul.f32 v29, v33;
	v42 =	vunpack.i.u.bf16.f32 v37;
	(pc) =	sbr.rel @p1 .LBB2_7-.Ltmp4, $4  }
0x2af: {  	v34 =	vmul.f32 v28, v33;
	v7 =	vadd.f32 v31, v30;
	v26 =	vld.idx.msk [tilespmem:v2+s3+$0x0], $0xffff;
	v35 =	vunpack.i.u.bf16.f32 v41  }
0x2b0: {  	v31 =	vunpack.i.l.bf16.f32 v20;
	v36 =	vmul.f32 v27, v33;
	v33 =	vmul.f32 v21, v33;
	v29 =	vld.idx.msk [tilespmem:v2+s15+$0x0], $0xffff  }
0x2b1: {  	v21 =	vunpack.i.l.bf16.f32 v37;
	v37 =	vmul.f32 v25, v42;
	v27 =	vmul.f32 v38, v42;
	v30 =	vld.idx.msk [tilespmem:v2+s16+$0x0], $0xffff  }
0x2b2: {  	s20 =	sadd.s32 $0x40, s20;
	v28 =	vmul.f32 v39, v42;
	v25 =	vmul.f32 v40, v42;
	v20 =	vunpack.i.l.bf16.f32 v41;
	v2 =	vld.idx.msk [tilespmem:v2+s25+$0x0], $0xffff  }
0x2b3: {  	v9 =	vmul.f32 v9, v35  }
0x2b4: {  	v14 =	vmul.f32 v14, v35;
	v32 =	vadd.f32 v32, v31;
	v16 =	vmul.f32 v16, v35  }
0x2b5: {  	v34 =	vadd.f32 v34, v31;
	v8 =	vmul.f32 v8, v22;
	v10 =	vmul.f32 v10, v23  }
0x2b6: {  	v22 =	vadd.f32 v36, v31;
	v11 =	vmul.f32 v11, v24;
	v4 =	vmul.f32 v13, v4  }
0x2b7: {  	v13 =	vadd.f32 v37, v21;
	v24 =	vld.idx.msk [tilespmem:v1+s3+$0x0], $0xffff;
	v15 =	vmul.f32 v15, v26;
	v8 =	vadd.f32 v8, v32  }
0x2b8: {  	v19 =	vmul.f32 v19, v35;
	v23 =	vadd.f32 v33, v31;
	v26 =	vld.idx.msk [tilespmem:v1+s15+$0x0], $0xffff;
	v10 =	vadd.f32 v10, v34  }
0x2b9: {  	v18 =	vmul.f32 v18, v29;
	v11 =	vadd.f32 v11, v22;
	v13 =	vadd.f32 v15, v13;
	[tilespmem:s24+$0xFFFFFFE0] =	vst v8  }
0x2ba: {  	v22 =	vld.idx.msk [tilespmem:v1+s16+$0x0], $0xffff;
	v4 =	vadd.f32 v4, v23;
	v8 =	vadd.f32 v27, v21;
	[tilespmem:s1+$0xFFFFFFE0] =	vst v10  }
0x2bb: {  	v1 =	vld.idx.msk [tilespmem:v1+s25+$0x0], $0xffff;
	v17 =	vmul.f32 v17, v30;
	v10 =	vadd.f32 v28, v21;
	[tilespmem:s24+$0xFFFFFFF0] =	vst v13  }
0x2bc: {  	v2 =	vmul.f32 v12, v2;
	[tilespmem:s4+$0xFFFFFFE0] =	vst v11;
	v11 =	vadd.f32 v25, v21;
	v8 =	vadd.f32 v18, v8  }
0x2bd: {  	v5 =	vmul.f32 v5, v24;
	[tilespmem:s5+$0xFFFFFFE0] =	vst v4;
	v4 =	vadd.f32 v9, v20;
	v9 =	vadd.f32 v17, v10  }
0x2be: {  	v3 =	vmul.f32 v3, v26;
	v10 =	vadd.f32 v14, v20;
	v2 =	vadd.f32 v2, v11;
	[tilespmem:s1+$0xFFFFFFF0] =	vst v8  }
0x2bf: {  	v6 =	vmul.f32 v6, v22;
	v8 =	vadd.f32 v16, v20;
	v4 =	vadd.f32 v5, v4;
	[tilespmem:s4+$0xFFFFFFF0] =	vst v9  }
0x2c0: {  	v3 =	vadd.f32 v3, v10;
	[tilespmem:s7+$0xFFFFFFF0] =	vst v2  }
0x2c1: {  	v1 =	vmul.f32 v7, v1;
	v5 =	vadd.f32 v19, v20;
	v2 =	vadd.f32 v6, v8;
	[tilespmem:s18+$0x0] =	vst v4  }
0x2c2: {  	[tilespmem:s17+$0x0] =	vst v3  }
0x2c3: {  	v1 =	vadd.f32 v1, v5;
	[tilespmem:s8+$0x0] =	vst v2  }
0x2c4: {  	s24 =	sshll.u32 s21, $0xD;
	s4 =	rddreg [dreg:$0x5]  }
0x2c5: {  	s5 =	rddreg [dreg:$0x2];
	[tilespmem:s7+$0x0] =	vst v1;
	s22 =	sor.u32 s4, s24  }
0x2c6: {  	s7 =	simm.s32 $0x10000;
	s8 =	rddreg [dreg:$0x1d];
	s1 =	sadd.s32 s5, s22  }
0x2c7: {  	[hbm4b:s1+s13] =	stream.strided.scatter [tilespmem:s7], [sflag:$0x9], $0x1000, s14, s13, $0x38;
	[tilespmem:$0x1F400] =	vst v63  }
0x2c8: {  	s17 =	simm.s32 $0x12000;
	s18 =	rddreg [dreg:$0x1e];
	s1 =	sadd.s32 s22, s8  }
0x2c9: {  	[hbm4b:s1+s13] =	stream.strided.scatter [tilespmem:s17], [sflag:$0xB], $0x1000, s14, s13, $0x38;
	[tilespmem:$0x1F400] =	vst v63  }
0x2ca: {  	s19 =	simm.s32 $0x14000;
	s20 =	rddreg [dreg:$0x1f];
	s1 =	sadd.s32 s22, s18  }
0x2cb: {  	[hbm4b:s1+s13] =	stream.strided.scatter [tilespmem:s19], [sflag:$0xD], $0x1000, s14, s13, $0x38;
	[tilespmem:$0x1F400] =	vst v63  }
0x2cc: {  	s23 =	simm.s32 $0x16000;
	s1 =	sadd.s32 s22, s20  }
0x2cd: {  	[hbm4b:s1+s13] =	stream.strided.scatter [tilespmem:s23], [sflag:$0xF], $0x1000, s14, s13, $0x38;
	[tilespmem:$0x1F400] =	vst v63  }
0x2ce: {  	s1 =	simm.s32 @!p0 $0xA  }
0x2cf: {  	_ =	swait.ge @!p0 [sflag:s1], $0x1000  }
0x2d0: {  	[sflag:s1] =	ssyncset.done @!p0 $0x0  }
0x2d1: {  	[sflag:s1] =	ssyncadd.s32 @!p0 $0xFFFFF000;
	s1 =	simm.s32 @!p0 $0xC  }
0x2d2: {  	_ =	swait.ge @!p0 [sflag:s1], $0x1000  }
0x2d3: {  	[sflag:s1] =	ssyncset.done @!p0 $0x0  }
0x2d4: {  	[sflag:s1] =	ssyncadd.s32 @!p0 $0xFFFFF000;
	s1 =	simm.s32 @!p0 $0xE  }
0x2d5: {  	_ =	swait.ge @!p0 [sflag:s1], $0x1000  }
0x2d6: {  	[sflag:s1] =	ssyncset.done @!p0 $0x0  }
0x2d7: {  	[sflag:s1] =	ssyncadd.s32 @!p0 $0xFFFFF000;
	s1 =	simm.s32 @!p0 $0x10  }
0x2d8: {  	_ =	swait.ge @!p0 [sflag:s1], $0x1000  }
0x2d9: {  	[sflag:s1] =	ssyncset.done @!p0 $0x0  }
0x2da: {  	s24 =	simm.s32 $0x19030;
	[sflag:s1] =	ssyncadd.s32 @!p0 $0xFFFFF000  }
0x2db: {  	v1 =	vld [tilespmem:s24+$0x0]  }
0x2dc: {  	v2 =	vld [tilespmem:s24+$0xFFFFFFE0]  }
0x2dd: {  	v4 =	vld [tilespmem:s24+$0xFFFFFFF0]  }
0x2de: {  	s23 =	simm.s32 $0x1B030;
	v5 =	vld [tilespmem:s24+$0xFFFFFFD0]  }
0x2df: {  	v6 =	vld [tilespmem:s23+$0x0]  }
0x2e0: {  	v63 =	vld [tilespmem:s23+$0xFFFFFFD0];
	v3 =	vand.u32 $0xFFFF, v1  }
0x2e1: {  	s24 =	simm.s32 $0x1D030;
	v43 =	vld [tilespmem:s23+$0xFFFFFFF0]  }
0x2e2: {  	v7 =	vld [tilespmem:s24+$0x0]  }
0x2e3: {  	v18 =	vld [tilespmem:s24+$0xFFFFFFE0]  }
0x2e4: {  	v22 =	vld [tilespmem:s24+$0xFFFFFFF0];
	v1 =	vshrl.u32 v1, $0x10  }
0x2e5: {  	v8 =	vld.idx.msk [tilespmem:v3+s3+$0x0], $0xffff  }
0x2e6: {  	v9 =	vld.idx.msk [tilespmem:v3+s15+$0x0], $0xffff  }
0x2e7: {  	v10 =	vld.idx.msk [tilespmem:v3+s16+$0x0], $0xffff  }
0x2e8: {  	v13 =	vand.u32 $0xFFFF, v5;
	v3 =	vld.idx.msk [tilespmem:v3+s25+$0x0], $0xffff  }
0x2e9: {  	v11 =	vld.idx.msk [tilespmem:v1+s3+$0x0], $0xffff  }
0x2ea: {  	v12 =	vld.idx.msk [tilespmem:v1+s15+$0x0], $0xffff  }
0x2eb: {  	v14 =	vld.idx.msk [tilespmem:v1+s16+$0x0], $0xffff  }
0x2ec: {  	v20 =	vshrl.u32 v2, $0x10;
	v2 =	vand.u32 $0xFFFF, v2;
	v15 =	vld.idx.msk [tilespmem:v1+s25+$0x0], $0xffff  }
0x2ed: {  	v25 =	vld.idx.msk [tilespmem:v13+s3+$0x0], $0xffff  }
0x2ee: {  	v21 =	vshrl.u32 v5, $0x10;
	v5 =	vunpack.i.u.bf16.f32 v6;
	v6 =	vunpack.i.l.bf16.f32 v6;
	v26 =	vld.idx.msk [tilespmem:v13+s15+$0x0], $0xffff  }
0x2ef: {  	v44 =	vunpack.i.u.bf16.f32 v63;
	v35 =	vunpack.i.u.bf16.f32 v43;
	v17 =	vunpack.i.u.bf16.f32 v7;
	v27 =	vld.idx.msk [tilespmem:v13+s16+$0x0], $0xffff  }
0x2f0: {  	v7 =	vunpack.i.l.bf16.f32 v7;
	v31 =	vunpack.i.u.bf16.f32 v22;
	v28 =	vld.idx.msk [tilespmem:v13+s25+$0x0], $0xffff;
	v19 =	vmul.f32 v8, v17  }
0x2f1: {  	v62 =	vunpack.i.l.bf16.f32 v22;
	v61 =	vld.idx.msk [tilespmem:v2+s3+$0x0], $0xffff;
	v23 =	vmul.f32 v9, v17;
	v8 =	vmul.f32 v8, v5  }
0x2f2: {  	v1 =	vshrl.u32 v4, $0x10;
	v38 =	vld.idx.msk [tilespmem:v2+s15+$0x0], $0xffff;
	v9 =	vmul.f32 v9, v5;
	v24 =	vmul.f32 v10, v5  }
0x2f3: {  	v4 =	vand.u32 $0xFFFF, v4;
	v39 =	vld.idx.msk [tilespmem:v2+s16+$0x0], $0xffff;
	v10 =	vmul.f32 v10, v17;
	v17 =	vmul.f32 v3, v17  }
0x2f4: {  	v40 =	vld.idx.msk [tilespmem:v2+s25+$0x0], $0xffff;
	v2 =	vunpack.i.u.bf16.f32 v18;
	v3 =	vmul.f32 v3, v5;
	v32 =	vmul.f32 v25, v44  }
0x2f5: {  	v16 =	vld [tilespmem:s24+$0xFFFFFFD0];
	v34 =	vmul.f32 v26, v44;
	v36 =	vmul.f32 v27, v44;
	v19 =	vadd.f32 v19, v7  }
0x2f6: {  	v33 =	vmul.f32 v28, v44;
	v23 =	vadd.f32 v23, v7;
	v10 =	vadd.f32 v10, v7  }
0x2f7: {  	v42 =	vld [tilespmem:s23+$0xFFFFFFE0];
	v8 =	vadd.f32 v8, v6;
	v5 =	vadd.f32 v17, v7;
	v11 =	vmul.f32 v19, v11  }
0x2f8: {  	v9 =	vadd.f32 v9, v6;
	v12 =	vmul.f32 v23, v12;
	v10 =	vmul.f32 v10, v14;
	v14 =	vld.idx.msk [tilespmem:v4+s15+$0x0], $0xffff  }
0x2f9: {  	v3 =	vadd.f32 v3, v6;
	v5 =	vmul.f32 v5, v15;
	v19 =	vld.idx.msk [tilespmem:v4+s25+$0x0], $0xffff;
	v7 =	vadd.f32 v11, v8  }
0x2fa: {  	v8 =	vadd.f32 v24, v6;
	v29 =	vadd.f32 v12, v9;
	v6 =	vunpack.i.u.bf16.f32 v16;
	v9 =	vld.idx.msk [tilespmem:v4+s3+$0x0], $0xffff  }
0x2fb: {  	v12 =	vunpack.i.l.bf16.f32 v16;
	v41 =	vadd.f32 v5, v3;
	v16 =	vld.idx.msk [tilespmem:v4+s16+$0x0], $0xffff;
	v4 =	vmul.f32 v61, v2  }
0x2fc: {  	v22 =	vld.idx.msk [tilespmem:v21+s3+$0x0], $0xffff;
	v5 =	vunpack.i.l.bf16.f32 v18;
	v3 =	vmul.f32 v25, v6;
	v11 =	vmul.f32 v27, v6  }
0x2fd: {  	v23 =	vld.idx.msk [tilespmem:v21+s15+$0x0], $0xffff;
	v25 =	vunpack.i.u.bf16.f32 v42;
	v30 =	vadd.f32 v10, v8;
	v10 =	vmul.f32 v26, v6  }
0x2fe: {  	s1 =	simm.s32 $0x11020;
	v24 =	vld.idx.msk [tilespmem:v21+s16+$0x0], $0xffff;
	v37 =	vmul.f32 v61, v25;
	v8 =	vadd.f32 v3, v12;
	v3 =	vmul.f32 v28, v6  }
0x2ff: {  	v15 =	vadd.f32 v4, v5;
	[tilespmem:s1+$0x10] =	vst v7;
	v27 =	vmul.f32 v38, v25;
	v6 =	vmul.f32 v39, v2  }
0x300: {  	s4 =	simm.s32 $0x13020;
	v26 =	vld.idx.msk [tilespmem:v20+s3+$0x0], $0xffff;
	v28 =	vmul.f32 v39, v25;
	v13 =	vadd.f32 v3, v12;
	v3 =	vmul.f32 v38, v2  }
0x301: {  	v11 =	vadd.f32 v11, v12;
	[tilespmem:s4+$0x10] =	vst v29;
	v25 =	vmul.f32 v40, v25;
	v2 =	vmul.f32 v40, v2  }
0x302: {  	s7 =	simm.s32 $0x15020;
	v29 =	vld.idx.msk [tilespmem:v20+s15+$0x0], $0xffff;
	v10 =	vadd.f32 v10, v12;
	v4 =	vmul.f32 v9, v31;
	v18 =	vadd.f32 v3, v5  }
0x303: {  	[tilespmem:s7+$0x10] =	vst v30;
	v3 =	vmul.f32 v14, v31;
	v12 =	vadd.f32 v2, v5;
	v2 =	vmul.f32 v16, v31  }
0x304: {  	s30 =	simm.s32 $0x19070;
	v30 =	vld.idx.msk [tilespmem:v20+s16+$0x0], $0xffff;
	v17 =	vadd.f32 v6, v5;
	v5 =	vadd.f32 v4, v62;
	v31 =	vmul.f32 v19, v31  }
0x305: {  	s5 =	simm.s32 $0x17020;
	s8 =	simm.s32 $0x17020;
	s17 =	simm.s32 $0x13020;
	v4 =	vld.idx.msk [tilespmem:v21+s25+$0x0], $0xffff;
	v21 =	vunpack.i.l.bf16.f32 v42;
	v3 =	vadd.f32 v3, v62;
	v6 =	vadd.f32 v2, v62  }
0x306: {  	s18 =	simm.s32 $0x15020;
	s20 =	simm.s32 $0x0;
	s19 =	simm.s32 $0x11020;
	[tilespmem:s5+$0x10] =	vst v41;
	v7 =	vadd.f32 v31, v62;
	v31 =	vunpack.i.l.bf16.f32 v63;
	v2 =	vld.idx.msk [tilespmem:v20+s25+$0x0], $0xffff;
	v20 =	vunpack.i.l.bf16.f32 v43  }
.LBB2_9:
0x307: {  	v38 =	vld [tilespmem:s30+$0x0];
	v32 =	vadd.f32 v32, v31;
	v9 =	vmul.f32 v9, v35;
	v14 =	vmul.f32 v14, v35  }
0x308: {  	v34 =	vadd.f32 v34, v31;
	v16 =	vmul.f32 v16, v35;
	v19 =	vmul.f32 v19, v35;
	v39 =	vld [tilespmem:s30+$0xFFFFFFE0]  }
0x309: {  	v8 =	vmul.f32 v8, v22;
	v10 =	vmul.f32 v10, v23;
	v22 =	vadd.f32 v36, v31;
	v35 =	vld [tilespmem:s30+$0xFFFFFFF0]  }
0x30a: {  	s20 =	sadd.s32 $0x4, s20;
	v11 =	vmul.f32 v11, v24;
	v24 =	vadd.f32 v33, v31;
	v13 =	vmul.f32 v13, v4;
	v23 =	vld [tilespmem:s30+$0xFFFFFFD0]  }
0x30b: {  	v31 =	vadd.f32 v37, v21;
	p0 =	slt.u32 s20, $0xFC;
	v15 =	vmul.f32 v15, v26;
	v18 =	vmul.f32 v18, v29;
	v26 =	vld.idx.msk [tilespmem:v1+s3+$0x0], $0xffff  }
0x30c: {  	v17 =	vmul.f32 v17, v30;
	v30 =	vmul.f32 v12, v2;
	v29 =	vand.u32 $0xFFFF, v38;
	v33 =	vld.idx.msk [tilespmem:v1+s15+$0x0], $0xffff  }
0x30d: {  	v27 =	vadd.f32 v27, v21;
	v2 =	vshrl.u32 v39, $0x10;
	v36 =	vand.u32 $0xFFFF, v39;
	v37 =	vld.idx.msk [tilespmem:v1+s16+$0x0], $0xffff  }
0x30e: {  	s23 =	sadd.s32 $0x40, s23;
	v28 =	vadd.f32 v28, v21;
	v12 =	vand.u32 $0xFFFF, v35;
	v39 =	vld.idx.msk [tilespmem:v1+s25+$0x0], $0xffff;
	v1 =	vshrl.u32 v35, $0x10  }
0x30f: {  	s24 =	sadd.s32 $0x40, s24;
	v21 =	vadd.f32 v25, v21;
	v4 =	vshrl.u32 v23, $0x10;
	v23 =	vand.u32 $0xFFFF, v23;
	v35 =	vld [tilespmem:s23+$0x0]  }
0x310: {  	v9 =	vadd.f32 v9, v20;
	v14 =	vadd.f32 v14, v20;
	v25 =	vshrl.u32 v38, $0x10;
	v38 =	vld [tilespmem:s24+$0x0]  }
0x311: {  	v16 =	vadd.f32 v16, v20;
	v19 =	vadd.f32 v19, v20;
	v5 =	vmul.f32 v5, v26;
	v40 =	vld.idx.msk [tilespmem:v29+s3+$0x0], $0xffff  }
0x312: {  	v8 =	vadd.f32 v8, v32;
	v10 =	vadd.f32 v10, v34;
	v3 =	vmul.f32 v3, v33;
	v20 =	vld.idx.msk [tilespmem:v29+s15+$0x0], $0xffff  }
0x313: {  	v11 =	vadd.f32 v11, v22;
	v13 =	vadd.f32 v13, v24;
	v6 =	vmul.f32 v6, v37;
	v26 =	vld.idx.msk [tilespmem:v29+s16+$0x0], $0xffff  }
0x314: {  	v15 =	vadd.f32 v15, v31;
	v18 =	vadd.f32 v18, v27;
	v7 =	vmul.f32 v7, v39;
	v22 =	vld.idx.msk [tilespmem:v29+s25+$0x0], $0xffff  }
0x315: {  	v24 =	vld.idx.msk [tilespmem:v25+s3+$0x0], $0xffff;
	[tilespmem:s1+$0xFFFFFFE0] =	vst v8;
	v8 =	vadd.f32 v17, v28;
	v17 =	vadd.f32 v30, v21  }
0x316: {  	v5 =	vadd.f32 v5, v9;
	v21 =	vunpack.i.u.bf16.f32 v35;
	v27 =	vunpack.i.u.bf16.f32 v38;
	v28 =	vld.idx.msk [tilespmem:v25+s15+$0x0], $0xffff;
	[tilespmem:s4+$0xFFFFFFE0] =	vst v10  }
0x317: {  	v9 =	vunpack.i.l.bf16.f32 v35;
	v29 =	vmul.f32 v40, v21;
	v30 =	vmul.f32 v40, v27;
	v10 =	vld.idx.msk [tilespmem:v25+s16+$0x0], $0xffff;
	[tilespmem:s7+$0xFFFFFFE0] =	vst v11  }
0x318: {  	v11 =	vunpack.i.l.bf16.f32 v38;
	v31 =	vmul.f32 v20, v21;
	v20 =	vmul.f32 v20, v27;
	v25 =	vld.idx.msk [tilespmem:v25+s25+$0x0], $0xffff;
	[tilespmem:s5+$0xFFFFFFE0] =	vst v13  }
0x319: {  	v30 =	vadd.f32 v30, v11;
	v32 =	vmul.f32 v26, v21;
	v26 =	vmul.f32 v26, v27;
	v13 =	vld [tilespmem:s24+$0xFFFFFFD0];
	[tilespmem:s1+$0xFFFFFFF0] =	vst v15  }
0x31a: {  	v20 =	vadd.f32 v20, v11;
	v21 =	vmul.f32 v22, v21;
	v22 =	vmul.f32 v22, v27;
	v15 =	vld [tilespmem:s24+$0xFFFFFFE0];
	[tilespmem:s4+$0xFFFFFFF0] =	vst v18  }
0x31b: {  	v27 =	vadd.f32 v29, v9;
	v24 =	vmul.f32 v30, v24;
	v26 =	vadd.f32 v26, v11;
	v18 =	vld [tilespmem:s24+$0xFFFFFFF0];
	[tilespmem:s7+$0xFFFFFFF0] =	vst v8  }
0x31c: {  	v8 =	vadd.f32 v31, v9;
	v20 =	vmul.f32 v20, v28;
	v11 =	vadd.f32 v22, v11;
	v29 =	vld.idx.msk [tilespmem:v23+s3+$0x0], $0xffff  }
0x31d: {  	v22 =	vadd.f32 v24, v27;
	v24 =	vadd.f32 v32, v9;
	v10 =	vmul.f32 v26, v10;
	v28 =	vld.idx.msk [tilespmem:v23+s15+$0x0], $0xffff  }
0x31e: {  	s1 =	sadd.s32 $0x40, s1;
	v9 =	vadd.f32 v21, v9;
	v8 =	vadd.f32 v20, v8;
	v11 =	vmul.f32 v11, v25;
	v27 =	vld.idx.msk [tilespmem:v23+s16+$0x0], $0xffff  }
0x31f: {  	s4 =	sadd.s32 $0x40, s4;
	v20 =	vunpack.i.u.bf16.f32 v13;
	v10 =	vadd.f32 v10, v24;
	v21 =	vld.idx.msk [tilespmem:v23+s25+$0x0], $0xffff;
	v23 =	vunpack.i.u.bf16.f32 v15;
	[tilespmem:s1+$0x10] =	vst v22  }
0x320: {  	s7 =	sadd.s32 $0x40, s7;
	v13 =	vunpack.i.l.bf16.f32 v13;
	v25 =	vld.idx.msk [tilespmem:v36+s3+$0x0], $0xffff;
	v26 =	vunpack.i.u.bf16.f32 v18;
	[tilespmem:s4+$0x10] =	vst v8;
	v8 =	vadd.f32 v11, v9  }
0x321: {  	v3 =	vadd.f32 v3, v14;
	s5 =	sadd.s32 $0x40, s5;
	v24 =	vunpack.i.l.bf16.f32 v15;
	v30 =	vunpack.i.l.bf16.f32 v18;
	v38 =	vld.idx.msk [tilespmem:v36+s15+$0x0], $0xffff;
	[tilespmem:s7+$0x10] =	vst v10  }
0x322: {  	v6 =	vadd.f32 v6, v16;
	v9 =	vmul.f32 v29, v20;
	v39 =	vld.idx.msk [tilespmem:v36+s16+$0x0], $0xffff;
	[tilespmem:s5+$0x10] =	vst v8  }
0x323: {  	v7 =	vadd.f32 v7, v19;
	v10 =	vmul.f32 v28, v20;
	v40 =	vld.idx.msk [tilespmem:v36+s25+$0x0], $0xffff;
	[tilespmem:s8+$0xFFFFFFF0] =	vst v17  }
0x324: {  	v8 =	vadd.f32 v9, v13;
	v11 =	vmul.f32 v27, v20;
	v9 =	vld.idx.msk [tilespmem:v12+s3+$0x0], $0xffff;
	[tilespmem:s19+$0x0] =	vst v5;
	s19 =	smov.u32 s1  }
0x325: {  	v10 =	vadd.f32 v10, v13;
	v5 =	vmul.f32 v21, v20;
	v14 =	vld.idx.msk [tilespmem:v12+s15+$0x0], $0xffff;
	[tilespmem:s17+$0x0] =	vst v3;
	s17 =	smov.u32 s4  }
0x326: {  	v11 =	vadd.f32 v11, v13;
	v3 =	vmul.f32 v25, v23;
	v16 =	vld.idx.msk [tilespmem:v12+s16+$0x0], $0xffff;
	[tilespmem:s18+$0x0] =	vst v6;
	s18 =	smov.u32 s7  }
0x327: {  	v13 =	vadd.f32 v5, v13;
	v5 =	vmul.f32 v38, v23;
	v19 =	vld.idx.msk [tilespmem:v12+s25+$0x0], $0xffff;
	[tilespmem:s8+$0x0] =	vst v7;
	s8 =	smov.u32 s5  }
0x328: {  	v15 =	vadd.f32 v3, v24;
	v3 =	vmul.f32 v39, v23;
	v20 =	vld [tilespmem:s23+$0xFFFFFFD0]  }
0x329: {  	v18 =	vadd.f32 v5, v24;
	v5 =	vmul.f32 v40, v23;
	v37 =	vld [tilespmem:s23+$0xFFFFFFE0]  }
0x32a: {  	v17 =	vadd.f32 v3, v24;
	v3 =	vmul.f32 v9, v26;
	v41 =	vld [tilespmem:s23+$0xFFFFFFF0]  }
0x32b: {  	v12 =	vadd.f32 v5, v24;
	v6 =	vmul.f32 v14, v26;
	v22 =	vld.idx.msk [tilespmem:v4+s3+$0x0], $0xffff  }
0x32c: {  	v5 =	vadd.f32 v3, v30;
	v7 =	vmul.f32 v16, v26;
	v23 =	vld.idx.msk [tilespmem:v4+s15+$0x0], $0xffff  }
0x32d: {  	v3 =	vadd.f32 v6, v30;
	v31 =	vmul.f32 v19, v26;
	v33 =	vunpack.i.u.bf16.f32 v20;
	v24 =	vld.idx.msk [tilespmem:v4+s16+$0x0], $0xffff  }
.Ltmp5:
0x32e: {  	v6 =	vadd.f32 v7, v30;
	v4 =	vld.idx.msk [tilespmem:v4+s25+$0x0], $0xffff;
	v32 =	vmul.f32 v29, v33;
	v42 =	vunpack.i.u.bf16.f32 v37;
	(pc) =	sbr.rel @p0 .LBB2_9-.Ltmp5, $4  }
0x32f: {  	v34 =	vmul.f32 v28, v33;
	v7 =	vadd.f32 v31, v30;
	v26 =	vld.idx.msk [tilespmem:v2+s3+$0x0], $0xffff;
	v35 =	vunpack.i.u.bf16.f32 v41  }
0x330: {  	v31 =	vunpack.i.l.bf16.f32 v20;
	v36 =	vmul.f32 v27, v33;
	v33 =	vmul.f32 v21, v33;
	v29 =	vld.idx.msk [tilespmem:v2+s15+$0x0], $0xffff  }
0x331: {  	v21 =	vunpack.i.l.bf16.f32 v37;
	v37 =	vmul.f32 v25, v42;
	v27 =	vmul.f32 v38, v42;
	v30 =	vld.idx.msk [tilespmem:v2+s16+$0x0], $0xffff  }
0x332: {  	s30 =	sadd.s32 $0x40, s30;
	v28 =	vmul.f32 v39, v42;
	v25 =	vmul.f32 v40, v42;
	v20 =	vunpack.i.l.bf16.f32 v41;
	v2 =	vld.idx.msk [tilespmem:v2+s25+$0x0], $0xffff  }
0x333: {  	v9 =	vmul.f32 v9, v35  }
0x334: {  	v14 =	vmul.f32 v14, v35;
	v32 =	vadd.f32 v32, v31;
	v16 =	vmul.f32 v16, v35  }
0x335: {  	v34 =	vadd.f32 v34, v31;
	v8 =	vmul.f32 v8, v22;
	v10 =	vmul.f32 v10, v23  }
0x336: {  	v22 =	vadd.f32 v36, v31;
	v11 =	vmul.f32 v11, v24;
	v4 =	vmul.f32 v13, v4  }
0x337: {  	v13 =	vadd.f32 v37, v21;
	v24 =	vld.idx.msk [tilespmem:v1+s3+$0x0], $0xffff;
	v15 =	vmul.f32 v15, v26;
	v8 =	vadd.f32 v8, v32  }
0x338: {  	v19 =	vmul.f32 v19, v35;
	v23 =	vadd.f32 v33, v31;
	v26 =	vld.idx.msk [tilespmem:v1+s15+$0x0], $0xffff;
	v10 =	vadd.f32 v10, v34  }
0x339: {  	v18 =	vmul.f32 v18, v29;
	v11 =	vadd.f32 v11, v22;
	v13 =	vadd.f32 v15, v13;
	[tilespmem:s1+$0xFFFFFFE0] =	vst v8  }
0x33a: {  	v22 =	vld.idx.msk [tilespmem:v1+s16+$0x0], $0xffff;
	v4 =	vadd.f32 v4, v23;
	v8 =	vadd.f32 v27, v21;
	[tilespmem:s4+$0xFFFFFFE0] =	vst v10  }
0x33b: {  	v1 =	vld.idx.msk [tilespmem:v1+s25+$0x0], $0xffff;
	v17 =	vmul.f32 v17, v30;
	v10 =	vadd.f32 v28, v21;
	[tilespmem:s1+$0xFFFFFFF0] =	vst v13  }
0x33c: {  	v2 =	vmul.f32 v12, v2;
	[tilespmem:s7+$0xFFFFFFE0] =	vst v11;
	v11 =	vadd.f32 v25, v21;
	v8 =	vadd.f32 v18, v8  }
0x33d: {  	v5 =	vmul.f32 v5, v24;
	[tilespmem:s5+$0xFFFFFFE0] =	vst v4;
	v4 =	vadd.f32 v9, v20;
	v9 =	vadd.f32 v17, v10  }
0x33e: {  	v3 =	vmul.f32 v3, v26;
	v10 =	vadd.f32 v14, v20;
	v2 =	vadd.f32 v2, v11;
	[tilespmem:s4+$0xFFFFFFF0] =	vst v8  }
0x33f: {  	v6 =	vmul.f32 v6, v22;
	v8 =	vadd.f32 v16, v20;
	v4 =	vadd.f32 v5, v4;
	[tilespmem:s7+$0xFFFFFFF0] =	vst v9  }
0x340: {  	v1 =	vmul.f32 v7, v1;
	v5 =	vadd.f32 v19, v20;
	v3 =	vadd.f32 v3, v10;
	[tilespmem:s8+$0xFFFFFFF0] =	vst v2  }
0x341: {  	v2 =	vadd.f32 v6, v8;
	[tilespmem:s19+$0x0] =	vst v4  }
0x342: {  	v1 =	vadd.f32 v1, v5;
	[tilespmem:s17+$0x0] =	vst v3  }
0x343: {  	[tilespmem:s18+$0x0] =	vst v2  }
0x344: {  	[tilespmem:s8+$0x0] =	vst v1  }
0x345: {  	s1 =	sld [smem:$0x7FA];
	_ =	sdelay $0x1  }
0x346: {  	s17 =	sld [smem:$0x7FB]  }
0x347: {  	s8 =	simm.s32 $0x11000;
	s19 =	sld [smem:$0x7FC];
	s1 =	sadd.s32 s22, s1  }
0x348: {  	[hbm4b:s1+s13] =	stream.strided.scatter [tilespmem:s8], [sflag:$0xA], $0x1000, s14, s13, $0x38;
	[tilespmem:$0x1F400] =	vst v63  }
0x349: {  	s18 =	simm.s32 $0x13000;
	s23 =	sld [smem:$0x7FD];
	s1 =	sadd.s32 s22, s17  }
0x34a: {  	[hbm4b:s1+s13] =	stream.strided.scatter [tilespmem:s18], [sflag:$0xC], $0x1000, s14, s13, $0x38;
	[tilespmem:$0x1F400] =	vst v63  }
0x34b: {  	s20 =	simm.s32 $0x15000;
	s1 =	sadd.s32 s22, s19  }
0x34c: {  	[hbm4b:s1+s13] =	stream.strided.scatter [tilespmem:s20], [sflag:$0xE], $0x1000, s14, s13, $0x38;
	[tilespmem:$0x1F400] =	vst v63  }
0x34d: {  	s24 =	simm.s32 $0x17000;
	p0 =	seq.s32 s21, $0x7;
	s1 =	sadd.s32 s22, s23  }
0x34e: {  	[hbm4b:s1+s13] =	stream.strided.scatter [tilespmem:s24], [sflag:$0x10], $0x1000, s14, s13, $0x38;
	[tilespmem:$0x1F400] =	vst v63  }
0x34f: {  	s5 =	simm.s32 @!p0 $0x400;
	s1 =	rddreg [dreg:$0x11]  }
0x350: {  	s4 =	simm.s32 @!p0 $0x80;
	s7 =	simm.s32 @!p0 $0x0;
	s1 =	sadd.s32 @!p0 s22, s1  }
0x351: {  	[tilespmem:s7], [sflag:$0x1] =	stream.strided.gather @!p0 [hbm4b:s1+s4], $0x2000, s5, s4, $0x38;
	[tilespmem:$0x1F400] =	vst v63  }
0x352: {  	s1 =	rddreg [dreg:$0x12]  }
0x353: {  	s7 =	simm.s32 @!p0 $0x2000;
	s1 =	sadd.s32 @!p0 s22, s1  }
0x354: {  	[tilespmem:s7], [sflag:$0x2] =	stream.strided.gather @!p0 [hbm4b:s1+s4], $0x2000, s5, s4, $0x38;
	[tilespmem:$0x1F400] =	vst v63  }
0x355: {  	s1 =	rddreg [dreg:$0x13]  }
0x356: {  	s7 =	simm.s32 @!p0 $0x4000;
	s1 =	sadd.s32 @!p0 s22, s1  }
0x357: {  	[tilespmem:s7], [sflag:$0x3] =	stream.strided.gather @!p0 [hbm4b:s1+s4], $0x2000, s5, s4, $0x38;
	[tilespmem:$0x1F400] =	vst v63  }
0x358: {  	s1 =	rddreg [dreg:$0x14]  }
0x359: {  	s7 =	simm.s32 @!p0 $0x6000;
	s1 =	sadd.s32 @!p0 s22, s1  }
0x35a: {  	[tilespmem:s7], [sflag:$0x4] =	stream.strided.gather @!p0 [hbm4b:s1+s4], $0x2000, s5, s4, $0x38;
	[tilespmem:$0x1F400] =	vst v63  }
0x35b: {  	s5 =	simm.s32 $0x5  }
0x35c: {  	_ =	swait.ge [sflag:s5], $0x2000  }
0x35d: {  	[sflag:s5] =	ssyncset.done $0x0  }
0x35e: {  	s7 =	simm.s32 $0x6;
	[sflag:s5] =	ssyncadd.s32 $0xFFFFE000  }
0x35f: {  	_ =	swait.ge [sflag:s7], $0x2000  }
0x360: {  	[sflag:s7] =	ssyncset.done $0x0  }
0x361: {  	s8 =	simm.s32 $0x7;
	[sflag:s7] =	ssyncadd.s32 $0xFFFFE000  }
0x362: {  	_ =	swait.ge [sflag:s8], $0x2000  }
0x363: {  	[sflag:s8] =	ssyncset.done $0x0  }
0x364: {  	s17 =	simm.s32 $0x8;
	[sflag:s8] =	ssyncadd.s32 $0xFFFFE000  }
0x365: {  	_ =	swait.ge [sflag:s17], $0x2000  }
0x366: {  	[sflag:s17] =	ssyncset.done $0x0  }
0x367: {  	s18 =	simm.s32 $0x9;
	[sflag:s17] =	ssyncadd.s32 $0xFFFFE000  }
0x368: {  	_ =	swait.ge [sflag:s18], $0x1000  }
0x369: {  	[sflag:s18] =	ssyncset.done $0x0  }
0x36a: {  	s19 =	simm.s32 $0xB;
	[sflag:s18] =	ssyncadd.s32 $0xFFFFF000  }
0x36b: {  	_ =	swait.ge [sflag:s19], $0x1000  }
0x36c: {  	[sflag:s19] =	ssyncset.done $0x0  }
0x36d: {  	s20 =	simm.s32 $0xD;
	[sflag:s19] =	ssyncadd.s32 $0xFFFFF000  }
0x36e: {  	_ =	swait.ge [sflag:s20], $0x1000  }
0x36f: {  	[sflag:s20] =	ssyncset.done $0x0  }
0x370: {  	s23 =	simm.s32 $0xF;
	[sflag:s20] =	ssyncadd.s32 $0xFFFFF000  }
0x371: {  	_ =	swait.ge [sflag:s23], $0x1000  }
0x372: {  	[sflag:s23] =	ssyncset.done $0x0  }
0x373: {  	s24 =	simm.s32 $0x18020;
	[sflag:s23] =	ssyncadd.s32 $0xFFFFF000  }
0x374: {  	v1 =	vld [tilespmem:s24+$0x10]  }
0x375: {  	v2 =	vld [tilespmem:s24+$0xFFFFFFF0]  }
0x376: {  	v4 =	vld [tilespmem:s24+$0x0]  }
0x377: {  	s23 =	simm.s32 $0x1A020;
	v5 =	vld [tilespmem:s24+$0xFFFFFFE0]  }
0x378: {  	v6 =	vld [tilespmem:s23+$0x10]  }
0x379: {  	v63 =	vld [tilespmem:s23+$0xFFFFFFE0];
	v3 =	vand.u32 $0xFFFF, v1  }
0x37a: {  	s24 =	simm.s32 $0x1C020;
	v43 =	vld [tilespmem:s23+$0x0]  }
0x37b: {  	v7 =	vld [tilespmem:s24+$0x10]  }
0x37c: {  	v18 =	vld [tilespmem:s24+$0xFFFFFFF0]  }
0x37d: {  	v22 =	vld [tilespmem:s24+$0x0];
	v1 =	vshrl.u32 v1, $0x10  }
0x37e: {  	v8 =	vld.idx.msk [tilespmem:v3+s26+$0x0], $0xffff  }
0x37f: {  	v9 =	vld.idx.msk [tilespmem:v3+s28+$0x0], $0xffff  }
0x380: {  	v10 =	vld.idx.msk [tilespmem:v3+s29+$0x0], $0xffff  }
0x381: {  	v13 =	vand.u32 $0xFFFF, v5;
	v3 =	vld.idx.msk [tilespmem:v3+s6+$0x0], $0xffff  }
0x382: {  	v11 =	vld.idx.msk [tilespmem:v1+s26+$0x0], $0xffff  }
0x383: {  	v12 =	vld.idx.msk [tilespmem:v1+s28+$0x0], $0xffff  }
0x384: {  	v14 =	vld.idx.msk [tilespmem:v1+s29+$0x0], $0xffff  }
0x385: {  	v20 =	vshrl.u32 v2, $0x10;
	v2 =	vand.u32 $0xFFFF, v2;
	v15 =	vld.idx.msk [tilespmem:v1+s6+$0x0], $0xffff  }
0x386: {  	v25 =	vld.idx.msk [tilespmem:v13+s26+$0x0], $0xffff  }
0x387: {  	v21 =	vshrl.u32 v5, $0x10;
	v5 =	vunpack.i.u.bf16.f32 v6;
	v6 =	vunpack.i.l.bf16.f32 v6;
	v26 =	vld.idx.msk [tilespmem:v13+s28+$0x0], $0xffff  }
0x388: {  	v44 =	vunpack.i.u.bf16.f32 v63;
	v35 =	vunpack.i.u.bf16.f32 v43;
	v17 =	vunpack.i.u.bf16.f32 v7;
	v27 =	vld.idx.msk [tilespmem:v13+s29+$0x0], $0xffff  }
0x389: {  	v7 =	vunpack.i.l.bf16.f32 v7;
	v31 =	vunpack.i.u.bf16.f32 v22;
	v28 =	vld.idx.msk [tilespmem:v13+s6+$0x0], $0xffff;
	v19 =	vmul.f32 v8, v17  }
0x38a: {  	v62 =	vunpack.i.l.bf16.f32 v22;
	v61 =	vld.idx.msk [tilespmem:v2+s26+$0x0], $0xffff;
	v23 =	vmul.f32 v9, v17;
	v8 =	vmul.f32 v8, v5  }
0x38b: {  	v1 =	vshrl.u32 v4, $0x10;
	v38 =	vld.idx.msk [tilespmem:v2+s28+$0x0], $0xffff;
	v9 =	vmul.f32 v9, v5;
	v24 =	vmul.f32 v10, v5  }
0x38c: {  	v4 =	vand.u32 $0xFFFF, v4;
	v39 =	vld.idx.msk [tilespmem:v2+s29+$0x0], $0xffff;
	v10 =	vmul.f32 v10, v17;
	v17 =	vmul.f32 v3, v17  }
0x38d: {  	v40 =	vld.idx.msk [tilespmem:v2+s6+$0x0], $0xffff;
	v2 =	vunpack.i.u.bf16.f32 v18;
	v3 =	vmul.f32 v3, v5;
	v32 =	vmul.f32 v25, v44  }
0x38e: {  	v16 =	vld [tilespmem:s24+$0xFFFFFFE0];
	v34 =	vmul.f32 v26, v44;
	v36 =	vmul.f32 v27, v44;
	v19 =	vadd.f32 v19, v7  }
0x38f: {  	v33 =	vmul.f32 v28, v44;
	v23 =	vadd.f32 v23, v7;
	v10 =	vadd.f32 v10, v7  }
0x390: {  	v42 =	vld [tilespmem:s23+$0xFFFFFFF0];
	v8 =	vadd.f32 v8, v6;
	v5 =	vadd.f32 v17, v7;
	v11 =	vmul.f32 v19, v11  }
0x391: {  	v9 =	vadd.f32 v9, v6;
	v12 =	vmul.f32 v23, v12;
	v10 =	vmul.f32 v10, v14;
	v14 =	vld.idx.msk [tilespmem:v4+s28+$0x0], $0xffff  }
0x392: {  	v3 =	vadd.f32 v3, v6;
	v5 =	vmul.f32 v5, v15;
	v19 =	vld.idx.msk [tilespmem:v4+s6+$0x0], $0xffff;
	v7 =	vadd.f32 v11, v8  }
0x393: {  	v8 =	vadd.f32 v24, v6;
	v29 =	vadd.f32 v12, v9;
	v6 =	vunpack.i.u.bf16.f32 v16;
	v9 =	vld.idx.msk [tilespmem:v4+s26+$0x0], $0xffff  }
0x394: {  	v12 =	vunpack.i.l.bf16.f32 v16;
	v41 =	vadd.f32 v5, v3;
	v16 =	vld.idx.msk [tilespmem:v4+s29+$0x0], $0xffff;
	v4 =	vmul.f32 v61, v2  }
0x395: {  	v22 =	vld.idx.msk [tilespmem:v21+s26+$0x0], $0xffff;
	v5 =	vunpack.i.l.bf16.f32 v18;
	v3 =	vmul.f32 v25, v6;
	v11 =	vmul.f32 v27, v6  }
0x396: {  	v23 =	vld.idx.msk [tilespmem:v21+s28+$0x0], $0xffff;
	v25 =	vunpack.i.u.bf16.f32 v42;
	v30 =	vadd.f32 v10, v8;
	v10 =	vmul.f32 v26, v6  }
0x397: {  	s1 =	simm.s32 $0x10020;
	v24 =	vld.idx.msk [tilespmem:v21+s29+$0x0], $0xffff;
	v37 =	vmul.f32 v61, v25;
	v8 =	vadd.f32 v3, v12;
	v3 =	vmul.f32 v28, v6  }
0x398: {  	v15 =	vadd.f32 v4, v5;
	[tilespmem:s1+$0x10] =	vst v7;
	v27 =	vmul.f32 v38, v25;
	v6 =	vmul.f32 v39, v2  }
0x399: {  	s4 =	simm.s32 $0x12020;
	v26 =	vld.idx.msk [tilespmem:v20+s26+$0x0], $0xffff;
	v28 =	vmul.f32 v39, v25;
	v13 =	vadd.f32 v3, v12;
	v3 =	vmul.f32 v38, v2  }
0x39a: {  	v11 =	vadd.f32 v11, v12;
	[tilespmem:s4+$0x10] =	vst v29;
	v25 =	vmul.f32 v40, v25;
	v2 =	vmul.f32 v40, v2  }
0x39b: {  	s7 =	simm.s32 $0x14020;
	v29 =	vld.idx.msk [tilespmem:v20+s28+$0x0], $0xffff;
	v10 =	vadd.f32 v10, v12;
	v4 =	vmul.f32 v9, v31;
	v18 =	vadd.f32 v3, v5  }
0x39c: {  	[tilespmem:s7+$0x10] =	vst v30;
	v3 =	vmul.f32 v14, v31;
	v12 =	vadd.f32 v2, v5;
	v2 =	vmul.f32 v16, v31  }
0x39d: {  	s30 =	simm.s32 $0x18060;
	v30 =	vld.idx.msk [tilespmem:v20+s29+$0x0], $0xffff;
	v17 =	vadd.f32 v6, v5;
	v5 =	vadd.f32 v4, v62;
	v31 =	vmul.f32 v19, v31  }
0x39e: {  	s5 =	simm.s32 $0x16020;
	s8 =	simm.s32 $0x16020;
	s17 =	simm.s32 $0x12020;
	v4 =	vld.idx.msk [tilespmem:v21+s6+$0x0], $0xffff;
	v21 =	vunpack.i.l.bf16.f32 v42;
	v3 =	vadd.f32 v3, v62;
	v6 =	vadd.f32 v2, v62  }
0x39f: {  	s18 =	simm.s32 $0x14020;
	s19 =	simm.s32 $0x10020;
	s20 =	simm.s32 $0x0;
	[tilespmem:s5+$0x10] =	vst v41;
	v7 =	vadd.f32 v31, v62;
	v31 =	vunpack.i.l.bf16.f32 v63;
	v2 =	vld.idx.msk [tilespmem:v20+s6+$0x0], $0xffff;
	v20 =	vunpack.i.l.bf16.f32 v43  }
.LBB2_11:
0x3a0: {  	v38 =	vld [tilespmem:s30+$0x10];
	v32 =	vadd.f32 v32, v31;
	v9 =	vmul.f32 v9, v35;
	v14 =	vmul.f32 v14, v35  }
0x3a1: {  	v34 =	vadd.f32 v34, v31;
	v16 =	vmul.f32 v16, v35;
	v19 =	vmul.f32 v19, v35;
	v39 =	vld [tilespmem:s30+$0xFFFFFFF0]  }
0x3a2: {  	v8 =	vmul.f32 v8, v22;
	v10 =	vmul.f32 v10, v23;
	v22 =	vadd.f32 v36, v31;
	v35 =	vld [tilespmem:s30+$0x0]  }
0x3a3: {  	s20 =	sadd.s32 $0x4, s20;
	v11 =	vmul.f32 v11, v24;
	v24 =	vadd.f32 v33, v31;
	v13 =	vmul.f32 v13, v4;
	v23 =	vld [tilespmem:s30+$0xFFFFFFE0]  }
0x3a4: {  	v31 =	vadd.f32 v37, v21;
	p1 =	slt.u32 s20, $0xFC;
	v15 =	vmul.f32 v15, v26;
	v18 =	vmul.f32 v18, v29;
	v26 =	vld.idx.msk [tilespmem:v1+s26+$0x0], $0xffff  }
0x3a5: {  	v17 =	vmul.f32 v17, v30;
	v30 =	vmul.f32 v12, v2;
	v29 =	vand.u32 $0xFFFF, v38;
	v33 =	vld.idx.msk [tilespmem:v1+s28+$0x0], $0xffff  }
0x3a6: {  	v27 =	vadd.f32 v27, v21;
	v2 =	vshrl.u32 v39, $0x10;
	v36 =	vand.u32 $0xFFFF, v39;
	v37 =	vld.idx.msk [tilespmem:v1+s29+$0x0], $0xffff  }
0x3a7: {  	s23 =	sadd.s32 $0x40, s23;
	v28 =	vadd.f32 v28, v21;
	v12 =	vand.u32 $0xFFFF, v35;
	v39 =	vld.idx.msk [tilespmem:v1+s6+$0x0], $0xffff;
	v1 =	vshrl.u32 v35, $0x10  }
0x3a8: {  	s24 =	sadd.s32 $0x40, s24;
	v21 =	vadd.f32 v25, v21;
	v4 =	vshrl.u32 v23, $0x10;
	v23 =	vand.u32 $0xFFFF, v23;
	v35 =	vld [tilespmem:s23+$0x10]  }
0x3a9: {  	v9 =	vadd.f32 v9, v20;
	v14 =	vadd.f32 v14, v20;
	v25 =	vshrl.u32 v38, $0x10;
	v38 =	vld [tilespmem:s24+$0x10]  }
0x3aa: {  	v16 =	vadd.f32 v16, v20;
	v19 =	vadd.f32 v19, v20;
	v5 =	vmul.f32 v5, v26;
	v40 =	vld.idx.msk [tilespmem:v29+s26+$0x0], $0xffff  }
0x3ab: {  	v8 =	vadd.f32 v8, v32;
	v10 =	vadd.f32 v10, v34;
	v3 =	vmul.f32 v3, v33;
	v20 =	vld.idx.msk [tilespmem:v29+s28+$0x0], $0xffff  }
0x3ac: {  	v11 =	vadd.f32 v11, v22;
	v13 =	vadd.f32 v13, v24;
	v6 =	vmul.f32 v6, v37;
	v26 =	vld.idx.msk [tilespmem:v29+s29+$0x0], $0xffff  }
0x3ad: {  	v15 =	vadd.f32 v15, v31;
	v18 =	vadd.f32 v18, v27;
	v7 =	vmul.f32 v7, v39;
	v22 =	vld.idx.msk [tilespmem:v29+s6+$0x0], $0xffff  }
0x3ae: {  	v24 =	vld.idx.msk [tilespmem:v25+s26+$0x0], $0xffff;
	[tilespmem:s1+$0xFFFFFFE0] =	vst v8;
	v8 =	vadd.f32 v17, v28;
	v17 =	vadd.f32 v30, v21  }
0x3af: {  	v5 =	vadd.f32 v5, v9;
	v21 =	vunpack.i.u.bf16.f32 v35;
	v27 =	vunpack.i.u.bf16.f32 v38;
	v28 =	vld.idx.msk [tilespmem:v25+s28+$0x0], $0xffff;
	[tilespmem:s4+$0xFFFFFFE0] =	vst v10  }
0x3b0: {  	v9 =	vunpack.i.l.bf16.f32 v35;
	v29 =	vmul.f32 v40, v21;
	v30 =	vmul.f32 v40, v27;
	v10 =	vld.idx.msk [tilespmem:v25+s29+$0x0], $0xffff;
	[tilespmem:s7+$0xFFFFFFE0] =	vst v11  }
0x3b1: {  	v11 =	vunpack.i.l.bf16.f32 v38;
	v31 =	vmul.f32 v20, v21;
	v20 =	vmul.f32 v20, v27;
	v25 =	vld.idx.msk [tilespmem:v25+s6+$0x0], $0xffff;
	[tilespmem:s5+$0xFFFFFFE0] =	vst v13  }
0x3b2: {  	v30 =	vadd.f32 v30, v11;
	v32 =	vmul.f32 v26, v21;
	v26 =	vmul.f32 v26, v27;
	v13 =	vld [tilespmem:s24+$0xFFFFFFE0];
	[tilespmem:s1+$0xFFFFFFF0] =	vst v15  }
0x3b3: {  	v20 =	vadd.f32 v20, v11;
	v21 =	vmul.f32 v22, v21;
	v22 =	vmul.f32 v22, v27;
	v15 =	vld [tilespmem:s24+$0xFFFFFFF0];
	[tilespmem:s4+$0xFFFFFFF0] =	vst v18  }
0x3b4: {  	v27 =	vadd.f32 v29, v9;
	v24 =	vmul.f32 v30, v24;
	v26 =	vadd.f32 v26, v11;
	v18 =	vld [tilespmem:s24+$0x0];
	[tilespmem:s7+$0xFFFFFFF0] =	vst v8  }
0x3b5: {  	v8 =	vadd.f32 v31, v9;
	v20 =	vmul.f32 v20, v28;
	v11 =	vadd.f32 v22, v11;
	v29 =	vld.idx.msk [tilespmem:v23+s26+$0x0], $0xffff  }
0x3b6: {  	v22 =	vadd.f32 v24, v27;
	v24 =	vadd.f32 v32, v9;
	v10 =	vmul.f32 v26, v10;
	v28 =	vld.idx.msk [tilespmem:v23+s28+$0x0], $0xffff  }
0x3b7: {  	s1 =	sadd.s32 $0x40, s1;
	v9 =	vadd.f32 v21, v9;
	v8 =	vadd.f32 v20, v8;
	v11 =	vmul.f32 v11, v25;
	v27 =	vld.idx.msk [tilespmem:v23+s29+$0x0], $0xffff  }
0x3b8: {  	s4 =	sadd.s32 $0x40, s4;
	v20 =	vunpack.i.u.bf16.f32 v13;
	v10 =	vadd.f32 v10, v24;
	v21 =	vld.idx.msk [tilespmem:v23+s6+$0x0], $0xffff;
	v23 =	vunpack.i.u.bf16.f32 v15;
	[tilespmem:s1+$0x10] =	vst v22  }
0x3b9: {  	s7 =	sadd.s32 $0x40, s7;
	v13 =	vunpack.i.l.bf16.f32 v13;
	v25 =	vld.idx.msk [tilespmem:v36+s26+$0x0], $0xffff;
	v26 =	vunpack.i.u.bf16.f32 v18;
	[tilespmem:s4+$0x10] =	vst v8;
	v8 =	vadd.f32 v11, v9  }
0x3ba: {  	v3 =	vadd.f32 v3, v14;
	s5 =	sadd.s32 $0x40, s5;
	v24 =	vunpack.i.l.bf16.f32 v15;
	v30 =	vunpack.i.l.bf16.f32 v18;
	v38 =	vld.idx.msk [tilespmem:v36+s28+$0x0], $0xffff;
	[tilespmem:s7+$0x10] =	vst v10  }
0x3bb: {  	v6 =	vadd.f32 v6, v16;
	v9 =	vmul.f32 v29, v20;
	v39 =	vld.idx.msk [tilespmem:v36+s29+$0x0], $0xffff;
	[tilespmem:s5+$0x10] =	vst v8  }
0x3bc: {  	v7 =	vadd.f32 v7, v19;
	v10 =	vmul.f32 v28, v20;
	v40 =	vld.idx.msk [tilespmem:v36+s6+$0x0], $0xffff;
	[tilespmem:s8+$0xFFFFFFF0] =	vst v17  }
0x3bd: {  	v8 =	vadd.f32 v9, v13;
	v11 =	vmul.f32 v27, v20;
	v9 =	vld.idx.msk [tilespmem:v12+s26+$0x0], $0xffff;
	[tilespmem:s19+$0x0] =	vst v5;
	s19 =	smov.u32 s1  }
0x3be: {  	v10 =	vadd.f32 v10, v13;
	v5 =	vmul.f32 v21, v20;
	v14 =	vld.idx.msk [tilespmem:v12+s28+$0x0], $0xffff;
	[tilespmem:s17+$0x0] =	vst v3;
	s17 =	smov.u32 s4  }
0x3bf: {  	v11 =	vadd.f32 v11, v13;
	v3 =	vmul.f32 v25, v23;
	v16 =	vld.idx.msk [tilespmem:v12+s29+$0x0], $0xffff;
	[tilespmem:s18+$0x0] =	vst v6;
	s18 =	smov.u32 s7  }
0x3c0: {  	v13 =	vadd.f32 v5, v13;
	v5 =	vmul.f32 v38, v23;
	v19 =	vld.idx.msk [tilespmem:v12+s6+$0x0], $0xffff;
	[tilespmem:s8+$0x0] =	vst v7;
	s8 =	smov.u32 s5  }
0x3c1: {  	v15 =	vadd.f32 v3, v24;
	v3 =	vmul.f32 v39, v23;
	v20 =	vld [tilespmem:s23+$0xFFFFFFE0]  }
0x3c2: {  	v18 =	vadd.f32 v5, v24;
	v5 =	vmul.f32 v40, v23;
	v37 =	vld [tilespmem:s23+$0xFFFFFFF0]  }
0x3c3: {  	v17 =	vadd.f32 v3, v24;
	v3 =	vmul.f32 v9, v26;
	v41 =	vld [tilespmem:s23+$0x0]  }
0x3c4: {  	v12 =	vadd.f32 v5, v24;
	v6 =	vmul.f32 v14, v26;
	v22 =	vld.idx.msk [tilespmem:v4+s26+$0x0], $0xffff  }
0x3c5: {  	v5 =	vadd.f32 v3, v30;
	v7 =	vmul.f32 v16, v26;
	v23 =	vld.idx.msk [tilespmem:v4+s28+$0x0], $0xffff  }
0x3c6: {  	v3 =	vadd.f32 v6, v30;
	v31 =	vmul.f32 v19, v26;
	v33 =	vunpack.i.u.bf16.f32 v20;
	v24 =	vld.idx.msk [tilespmem:v4+s29+$0x0], $0xffff  }
.Ltmp6:
0x3c7: {  	v6 =	vadd.f32 v7, v30;
	v4 =	vld.idx.msk [tilespmem:v4+s6+$0x0], $0xffff;
	v32 =	vmul.f32 v29, v33;
	v42 =	vunpack.i.u.bf16.f32 v37;
	(pc) =	sbr.rel @p1 .LBB2_11-.Ltmp6, $4  }
0x3c8: {  	v34 =	vmul.f32 v28, v33;
	v7 =	vadd.f32 v31, v30;
	v26 =	vld.idx.msk [tilespmem:v2+s26+$0x0], $0xffff;
	v35 =	vunpack.i.u.bf16.f32 v41  }
0x3c9: {  	v31 =	vunpack.i.l.bf16.f32 v20;
	v36 =	vmul.f32 v27, v33;
	v33 =	vmul.f32 v21, v33;
	v29 =	vld.idx.msk [tilespmem:v2+s28+$0x0], $0xffff  }
0x3ca: {  	v21 =	vunpack.i.l.bf16.f32 v37;
	v37 =	vmul.f32 v25, v42;
	v27 =	vmul.f32 v38, v42;
	v30 =	vld.idx.msk [tilespmem:v2+s29+$0x0], $0xffff  }
0x3cb: {  	s30 =	sadd.s32 $0x40, s30;
	v28 =	vmul.f32 v39, v42;
	v25 =	vmul.f32 v40, v42;
	v20 =	vunpack.i.l.bf16.f32 v41;
	v2 =	vld.idx.msk [tilespmem:v2+s6+$0x0], $0xffff  }
0x3cc: {  	v9 =	vmul.f32 v9, v35  }
0x3cd: {  	v14 =	vmul.f32 v14, v35;
	v32 =	vadd.f32 v32, v31;
	v16 =	vmul.f32 v16, v35  }
0x3ce: {  	v34 =	vadd.f32 v34, v31;
	v8 =	vmul.f32 v8, v22;
	v10 =	vmul.f32 v10, v23  }
0x3cf: {  	v22 =	vadd.f32 v36, v31;
	v11 =	vmul.f32 v11, v24;
	v4 =	vmul.f32 v13, v4  }
0x3d0: {  	v13 =	vadd.f32 v37, v21;
	v24 =	vld.idx.msk [tilespmem:v1+s26+$0x0], $0xffff;
	v15 =	vmul.f32 v15, v26;
	v8 =	vadd.f32 v8, v32  }
0x3d1: {  	v19 =	vmul.f32 v19, v35;
	v23 =	vadd.f32 v33, v31;
	v26 =	vld.idx.msk [tilespmem:v1+s28+$0x0], $0xffff;
	v10 =	vadd.f32 v10, v34  }
0x3d2: {  	v18 =	vmul.f32 v18, v29;
	v11 =	vadd.f32 v11, v22;
	v13 =	vadd.f32 v15, v13;
	[tilespmem:s1+$0xFFFFFFE0] =	vst v8  }
0x3d3: {  	v22 =	vld.idx.msk [tilespmem:v1+s29+$0x0], $0xffff;
	v4 =	vadd.f32 v4, v23;
	v8 =	vadd.f32 v27, v21;
	[tilespmem:s4+$0xFFFFFFE0] =	vst v10  }
0x3d4: {  	v1 =	vld.idx.msk [tilespmem:v1+s6+$0x0], $0xffff;
	v17 =	vmul.f32 v17, v30;
	v10 =	vadd.f32 v28, v21;
	[tilespmem:s1+$0xFFFFFFF0] =	vst v13  }
0x3d5: {  	v2 =	vmul.f32 v12, v2;
	[tilespmem:s7+$0xFFFFFFE0] =	vst v11;
	v11 =	vadd.f32 v25, v21;
	v8 =	vadd.f32 v18, v8  }
0x3d6: {  	v5 =	vmul.f32 v5, v24;
	[tilespmem:s5+$0xFFFFFFE0] =	vst v4;
	v4 =	vadd.f32 v9, v20;
	v9 =	vadd.f32 v17, v10  }
0x3d7: {  	v3 =	vmul.f32 v3, v26;
	v10 =	vadd.f32 v14, v20;
	v2 =	vadd.f32 v2, v11;
	[tilespmem:s4+$0xFFFFFFF0] =	vst v8  }
0x3d8: {  	v6 =	vmul.f32 v6, v22;
	v8 =	vadd.f32 v16, v20;
	v4 =	vadd.f32 v5, v4;
	[tilespmem:s7+$0xFFFFFFF0] =	vst v9  }
0x3d9: {  	v1 =	vmul.f32 v7, v1;
	v5 =	vadd.f32 v19, v20;
	v3 =	vadd.f32 v3, v10;
	[tilespmem:s8+$0xFFFFFFF0] =	vst v2  }
0x3da: {  	v2 =	vadd.f32 v6, v8;
	[tilespmem:s19+$0x0] =	vst v4  }
0x3db: {  	v1 =	vadd.f32 v1, v5;
	[tilespmem:s17+$0x0] =	vst v3  }
0x3dc: {  	[tilespmem:s18+$0x0] =	vst v2  }
0x3dd: {  	s23 =	sadd.s32 s22, s9;
	s24 =	simm.s32 $0x10000;
	[tilespmem:s8+$0x0] =	vst v1  }
0x3de: {  	[hbm4b:s23+s13] =	stream.strided.scatter [tilespmem:s24], [sflag:$0x9], $0x1000, s14, s13, $0x38;
	[tilespmem:$0x1F400] =	vst v63  }
0x3df: {  	s5 =	sadd.s32 s22, s10;
	s7 =	simm.s32 $0x12000  }
0x3e0: {  	[hbm4b:s5+s13] =	stream.strided.scatter [tilespmem:s7], [sflag:$0xB], $0x1000, s14, s13, $0x38;
	[tilespmem:$0x1F400] =	vst v63  }
0x3e1: {  	s17 =	simm.s32 $0x14000;
	s8 =	sadd.s32 s22, s11  }
0x3e2: {  	[hbm4b:s8+s13] =	stream.strided.scatter [tilespmem:s17], [sflag:$0xD], $0x1000, s14, s13, $0x38;
	[tilespmem:$0x1F400] =	vst v63  }
0x3e3: {  	s20 =	simm.s32 $0xA;
	s19 =	simm.s32 $0x16000;
	s18 =	sadd.s32 s22, s12  }
0x3e4: {  	[hbm4b:s18+s13] =	stream.strided.scatter [tilespmem:s19], [sflag:$0xF], $0x1000, s14, s13, $0x38;
	[tilespmem:$0x1F400] =	vst v63  }
0x3e5: {  	_ =	swait.ge [sflag:s20], $0x1000  }
0x3e6: {  	[sflag:s20] =	ssyncset.done $0x0  }
0x3e7: {  	s23 =	simm.s32 $0xC;
	[sflag:s20] =	ssyncadd.s32 $0xFFFFF000  }
0x3e8: {  	_ =	swait.ge [sflag:s23], $0x1000  }
0x3e9: {  	[sflag:s23] =	ssyncset.done $0x0  }
0x3ea: {  	[sflag:s23] =	ssyncadd.s32 $0xFFFFF000  }
0x3eb: {  	_ =	swait.ge [sflag:s31], $0x1000  }
0x3ec: {  	[sflag:s31] =	ssyncset.done $0x0  }
0x3ed: {  	[sflag:s31] =	ssyncadd.s32 $0xFFFFF000  }
0x3ee: {  	_ =	swait.ge [sflag:s0], $0x1000  }
0x3ef: {  	[sflag:s0] =	ssyncset.done $0x0  }
0x3f0: {  	s24 =	simm.s32 $0x19030;
	[sflag:s0] =	ssyncadd.s32 $0xFFFFF000  }
0x3f1: {  	v1 =	vld [tilespmem:s24+$0x0]  }
0x3f2: {  	v2 =	vld [tilespmem:s24+$0xFFFFFFE0]  }
0x3f3: {  	v4 =	vld [tilespmem:s24+$0xFFFFFFF0]  }
0x3f4: {  	s23 =	simm.s32 $0x1B030;
	v5 =	vld [tilespmem:s24+$0xFFFFFFD0]  }
0x3f5: {  	v6 =	vld [tilespmem:s23+$0x0]  }
0x3f6: {  	v63 =	vld [tilespmem:s23+$0xFFFFFFD0];
	v3 =	vand.u32 $0xFFFF, v1  }
0x3f7: {  	s24 =	simm.s32 $0x1D030;
	v43 =	vld [tilespmem:s23+$0xFFFFFFF0]  }
0x3f8: {  	v7 =	vld [tilespmem:s24+$0x0]  }
0x3f9: {  	v18 =	vld [tilespmem:s24+$0xFFFFFFE0]  }
0x3fa: {  	v22 =	vld [tilespmem:s24+$0xFFFFFFF0];
	v1 =	vshrl.u32 v1, $0x10  }
0x3fb: {  	v8 =	vld.idx.msk [tilespmem:v3+s26+$0x0], $0xffff  }
0x3fc: {  	v9 =	vld.idx.msk [tilespmem:v3+s28+$0x0], $0xffff  }
0x3fd: {  	v10 =	vld.idx.msk [tilespmem:v3+s29+$0x0], $0xffff  }
0x3fe: {  	v13 =	vand.u32 $0xFFFF, v5;
	v3 =	vld.idx.msk [tilespmem:v3+s6+$0x0], $0xffff  }
0x3ff: {  	v11 =	vld.idx.msk [tilespmem:v1+s26+$0x0], $0xffff  }
0x400: {  	v12 =	vld.idx.msk [tilespmem:v1+s28+$0x0], $0xffff  }
0x401: {  	v14 =	vld.idx.msk [tilespmem:v1+s29+$0x0], $0xffff  }
0x402: {  	v20 =	vshrl.u32 v2, $0x10;
	v2 =	vand.u32 $0xFFFF, v2;
	v15 =	vld.idx.msk [tilespmem:v1+s6+$0x0], $0xffff  }
0x403: {  	v25 =	vld.idx.msk [tilespmem:v13+s26+$0x0], $0xffff  }
0x404: {  	v21 =	vshrl.u32 v5, $0x10;
	v5 =	vunpack.i.u.bf16.f32 v6;
	v6 =	vunpack.i.l.bf16.f32 v6;
	v26 =	vld.idx.msk [tilespmem:v13+s28+$0x0], $0xffff  }
0x405: {  	v44 =	vunpack.i.u.bf16.f32 v63;
	v35 =	vunpack.i.u.bf16.f32 v43;
	v17 =	vunpack.i.u.bf16.f32 v7;
	v27 =	vld.idx.msk [tilespmem:v13+s29+$0x0], $0xffff  }
0x406: {  	v7 =	vunpack.i.l.bf16.f32 v7;
	v31 =	vunpack.i.u.bf16.f32 v22;
	v28 =	vld.idx.msk [tilespmem:v13+s6+$0x0], $0xffff;
	v19 =	vmul.f32 v8, v17  }
0x407: {  	v62 =	vunpack.i.l.bf16.f32 v22;
	v61 =	vld.idx.msk [tilespmem:v2+s26+$0x0], $0xffff;
	v23 =	vmul.f32 v9, v17;
	v8 =	vmul.f32 v8, v5  }
0x408: {  	v1 =	vshrl.u32 v4, $0x10;
	v38 =	vld.idx.msk [tilespmem:v2+s28+$0x0], $0xffff;
	v9 =	vmul.f32 v9, v5;
	v24 =	vmul.f32 v10, v5  }
0x409: {  	v4 =	vand.u32 $0xFFFF, v4;
	v39 =	vld.idx.msk [tilespmem:v2+s29+$0x0], $0xffff;
	v10 =	vmul.f32 v10, v17;
	v17 =	vmul.f32 v3, v17  }
0x40a: {  	v40 =	vld.idx.msk [tilespmem:v2+s6+$0x0], $0xffff;
	v2 =	vunpack.i.u.bf16.f32 v18;
	v3 =	vmul.f32 v3, v5;
	v32 =	vmul.f32 v25, v44  }
0x40b: {  	v16 =	vld [tilespmem:s24+$0xFFFFFFD0];
	v34 =	vmul.f32 v26, v44;
	v36 =	vmul.f32 v27, v44;
	v19 =	vadd.f32 v19, v7  }
0x40c: {  	v33 =	vmul.f32 v28, v44;
	v23 =	vadd.f32 v23, v7;
	v10 =	vadd.f32 v10, v7  }
0x40d: {  	v42 =	vld [tilespmem:s23+$0xFFFFFFE0];
	v8 =	vadd.f32 v8, v6;
	v5 =	vadd.f32 v17, v7;
	v11 =	vmul.f32 v19, v11  }
0x40e: {  	v9 =	vadd.f32 v9, v6;
	v12 =	vmul.f32 v23, v12;
	v10 =	vmul.f32 v10, v14;
	v14 =	vld.idx.msk [tilespmem:v4+s28+$0x0], $0xffff  }
0x40f: {  	v3 =	vadd.f32 v3, v6;
	v5 =	vmul.f32 v5, v15;
	v19 =	vld.idx.msk [tilespmem:v4+s6+$0x0], $0xffff;
	v7 =	vadd.f32 v11, v8  }
0x410: {  	v8 =	vadd.f32 v24, v6;
	v29 =	vadd.f32 v12, v9;
	v6 =	vunpack.i.u.bf16.f32 v16;
	v9 =	vld.idx.msk [tilespmem:v4+s26+$0x0], $0xffff  }
0x411: {  	v12 =	vunpack.i.l.bf16.f32 v16;
	v41 =	vadd.f32 v5, v3;
	v16 =	vld.idx.msk [tilespmem:v4+s29+$0x0], $0xffff;
	v4 =	vmul.f32 v61, v2  }
0x412: {  	v22 =	vld.idx.msk [tilespmem:v21+s26+$0x0], $0xffff;
	v5 =	vunpack.i.l.bf16.f32 v18;
	v3 =	vmul.f32 v25, v6;
	v11 =	vmul.f32 v27, v6  }
0x413: {  	v23 =	vld.idx.msk [tilespmem:v21+s28+$0x0], $0xffff;
	v25 =	vunpack.i.u.bf16.f32 v42;
	v30 =	vadd.f32 v10, v8;
	v10 =	vmul.f32 v26, v6  }
0x414: {  	s1 =	simm.s32 $0x11020;
	v24 =	vld.idx.msk [tilespmem:v21+s29+$0x0], $0xffff;
	v37 =	vmul.f32 v61, v25;
	v8 =	vadd.f32 v3, v12;
	v3 =	vmul.f32 v28, v6  }
0x415: {  	v15 =	vadd.f32 v4, v5;
	[tilespmem:s1+$0x10] =	vst v7;
	v27 =	vmul.f32 v38, v25;
	v6 =	vmul.f32 v39, v2  }
0x416: {  	s4 =	simm.s32 $0x13020;
	v26 =	vld.idx.msk [tilespmem:v20+s26+$0x0], $0xffff;
	v28 =	vmul.f32 v39, v25;
	v13 =	vadd.f32 v3, v12;
	v3 =	vmul.f32 v38, v2  }
0x417: {  	v11 =	vadd.f32 v11, v12;
	[tilespmem:s4+$0x10] =	vst v29;
	v25 =	vmul.f32 v40, v25;
	v2 =	vmul.f32 v40, v2  }
0x418: {  	s7 =	simm.s32 $0x15020;
	v29 =	vld.idx.msk [tilespmem:v20+s28+$0x0], $0xffff;
	v10 =	vadd.f32 v10, v12;
	v4 =	vmul.f32 v9, v31;
	v18 =	vadd.f32 v3, v5  }
0x419: {  	[tilespmem:s7+$0x10] =	vst v30;
	v3 =	vmul.f32 v14, v31;
	v12 =	vadd.f32 v2, v5;
	v2 =	vmul.f32 v16, v31  }
0x41a: {  	s30 =	simm.s32 $0x19070;
	v30 =	vld.idx.msk [tilespmem:v20+s29+$0x0], $0xffff;
	v17 =	vadd.f32 v6, v5;
	v5 =	vadd.f32 v4, v62;
	v31 =	vmul.f32 v19, v31  }
0x41b: {  	s5 =	simm.s32 $0x17020;
	s8 =	simm.s32 $0x17020;
	s17 =	simm.s32 $0x13020;
	v4 =	vld.idx.msk [tilespmem:v21+s6+$0x0], $0xffff;
	v21 =	vunpack.i.l.bf16.f32 v42;
	v3 =	vadd.f32 v3, v62;
	v6 =	vadd.f32 v2, v62  }
0x41c: {  	s19 =	simm.s32 $0x11020;
	s18 =	simm.s32 $0x15020;
	s20 =	simm.s32 $0x0;
	[tilespmem:s5+$0x10] =	vst v41;
	v7 =	vadd.f32 v31, v62;
	v31 =	vunpack.i.l.bf16.f32 v63;
	v2 =	vld.idx.msk [tilespmem:v20+s6+$0x0], $0xffff;
	v20 =	vunpack.i.l.bf16.f32 v43  }
.LBB2_13:
0x41d: {  	v38 =	vld [tilespmem:s30+$0x0];
	v32 =	vadd.f32 v32, v31;
	v9 =	vmul.f32 v9, v35;
	v14 =	vmul.f32 v14, v35  }
0x41e: {  	v34 =	vadd.f32 v34, v31;
	v16 =	vmul.f32 v16, v35;
	v19 =	vmul.f32 v19, v35;
	v39 =	vld [tilespmem:s30+$0xFFFFFFE0]  }
0x41f: {  	v8 =	vmul.f32 v8, v22;
	v10 =	vmul.f32 v10, v23;
	v22 =	vadd.f32 v36, v31;
	v35 =	vld [tilespmem:s30+$0xFFFFFFF0]  }
0x420: {  	s20 =	sadd.s32 $0x4, s20;
	v11 =	vmul.f32 v11, v24;
	v24 =	vadd.f32 v33, v31;
	v13 =	vmul.f32 v13, v4;
	v23 =	vld [tilespmem:s30+$0xFFFFFFD0]  }
0x421: {  	v31 =	vadd.f32 v37, v21;
	p1 =	slt.u32 s20, $0xFC;
	v15 =	vmul.f32 v15, v26;
	v18 =	vmul.f32 v18, v29;
	v26 =	vld.idx.msk [tilespmem:v1+s26+$0x0], $0xffff  }
0x422: {  	v17 =	vmul.f32 v17, v30;
	v30 =	vmul.f32 v12, v2;
	v29 =	vand.u32 $0xFFFF, v38;
	v33 =	vld.idx.msk [tilespmem:v1+s28+$0x0], $0xffff  }
0x423: {  	v27 =	vadd.f32 v27, v21;
	v2 =	vshrl.u32 v39, $0x10;
	v36 =	vand.u32 $0xFFFF, v39;
	v37 =	vld.idx.msk [tilespmem:v1+s29+$0x0], $0xffff  }
0x424: {  	s23 =	sadd.s32 $0x40, s23;
	v28 =	vadd.f32 v28, v21;
	v12 =	vand.u32 $0xFFFF, v35;
	v39 =	vld.idx.msk [tilespmem:v1+s6+$0x0], $0xffff;
	v1 =	vshrl.u32 v35, $0x10  }
0x425: {  	s24 =	sadd.s32 $0x40, s24;
	v21 =	vadd.f32 v25, v21;
	v4 =	vshrl.u32 v23, $0x10;
	v23 =	vand.u32 $0xFFFF, v23;
	v35 =	vld [tilespmem:s23+$0x0]  }
0x426: {  	v9 =	vadd.f32 v9, v20;
	v14 =	vadd.f32 v14, v20;
	v25 =	vshrl.u32 v38, $0x10;
	v38 =	vld [tilespmem:s24+$0x0]  }
0x427: {  	v16 =	vadd.f32 v16, v20;
	v19 =	vadd.f32 v19, v20;
	v5 =	vmul.f32 v5, v26;
	v40 =	vld.idx.msk [tilespmem:v29+s26+$0x0], $0xffff  }
0x428: {  	v8 =	vadd.f32 v8, v32;
	v10 =	vadd.f32 v10, v34;
	v3 =	vmul.f32 v3, v33;
	v20 =	vld.idx.msk [tilespmem:v29+s28+$0x0], $0xffff  }
0x429: {  	v11 =	vadd.f32 v11, v22;
	v13 =	vadd.f32 v13, v24;
	v6 =	vmul.f32 v6, v37;
	v26 =	vld.idx.msk [tilespmem:v29+s29+$0x0], $0xffff  }
0x42a: {  	v15 =	vadd.f32 v15, v31;
	v18 =	vadd.f32 v18, v27;
	v7 =	vmul.f32 v7, v39;
	v22 =	vld.idx.msk [tilespmem:v29+s6+$0x0], $0xffff  }
0x42b: {  	v24 =	vld.idx.msk [tilespmem:v25+s26+$0x0], $0xffff;
	[tilespmem:s1+$0xFFFFFFE0] =	vst v8;
	v8 =	vadd.f32 v17, v28;
	v17 =	vadd.f32 v30, v21  }
0x42c: {  	v5 =	vadd.f32 v5, v9;
	v21 =	vunpack.i.u.bf16.f32 v35;
	v27 =	vunpack.i.u.bf16.f32 v38;
	v28 =	vld.idx.msk [tilespmem:v25+s28+$0x0], $0xffff;
	[tilespmem:s4+$0xFFFFFFE0] =	vst v10  }
0x42d: {  	v9 =	vunpack.i.l.bf16.f32 v35;
	v29 =	vmul.f32 v40, v21;
	v30 =	vmul.f32 v40, v27;
	v10 =	vld.idx.msk [tilespmem:v25+s29+$0x0], $0xffff;
	[tilespmem:s7+$0xFFFFFFE0] =	vst v11  }
0x42e: {  	v11 =	vunpack.i.l.bf16.f32 v38;
	v31 =	vmul.f32 v20, v21;
	v20 =	vmul.f32 v20, v27;
	v25 =	vld.idx.msk [tilespmem:v25+s6+$0x0], $0xffff;
	[tilespmem:s5+$0xFFFFFFE0] =	vst v13  }
0x42f: {  	v30 =	vadd.f32 v30, v11;
	v32 =	vmul.f32 v26, v21;
	v26 =	vmul.f32 v26, v27;
	v13 =	vld [tilespmem:s24+$0xFFFFFFD0];
	[tilespmem:s1+$0xFFFFFFF0] =	vst v15  }
0x430: {  	v20 =	vadd.f32 v20, v11;
	v21 =	vmul.f32 v22, v21;
	v22 =	vmul.f32 v22, v27;
	v15 =	vld [tilespmem:s24+$0xFFFFFFE0];
	[tilespmem:s4+$0xFFFFFFF0] =	vst v18  }
0x431: {  	v27 =	vadd.f32 v29, v9;
	v24 =	vmul.f32 v30, v24;
	v26 =	vadd.f32 v26, v11;
	v18 =	vld [tilespmem:s24+$0xFFFFFFF0];
	[tilespmem:s7+$0xFFFFFFF0] =	vst v8  }
0x432: {  	v8 =	vadd.f32 v31, v9;
	v20 =	vmul.f32 v20, v28;
	v11 =	vadd.f32 v22, v11;
	v29 =	vld.idx.msk [tilespmem:v23+s26+$0x0], $0xffff  }
0x433: {  	v22 =	vadd.f32 v24, v27;
	v24 =	vadd.f32 v32, v9;
	v10 =	vmul.f32 v26, v10;
	v28 =	vld.idx.msk [tilespmem:v23+s28+$0x0], $0xffff  }
0x434: {  	s1 =	sadd.s32 $0x40, s1;
	v9 =	vadd.f32 v21, v9;
	v8 =	vadd.f32 v20, v8;
	v11 =	vmul.f32 v11, v25;
	v27 =	vld.idx.msk [tilespmem:v23+s29+$0x0], $0xffff  }
0x435: {  	s4 =	sadd.s32 $0x40, s4;
	v20 =	vunpack.i.u.bf16.f32 v13;
	v10 =	vadd.f32 v10, v24;
	v21 =	vld.idx.msk [tilespmem:v23+s6+$0x0], $0xffff;
	v23 =	vunpack.i.u.bf16.f32 v15;
	[tilespmem:s1+$0x10] =	vst v22  }
0x436: {  	s7 =	sadd.s32 $0x40, s7;
	v13 =	vunpack.i.l.bf16.f32 v13;
	v25 =	vld.idx.msk [tilespmem:v36+s26+$0x0], $0xffff;
	v26 =	vunpack.i.u.bf16.f32 v18;
	[tilespmem:s4+$0x10] =	vst v8;
	v8 =	vadd.f32 v11, v9  }
0x437: {  	v3 =	vadd.f32 v3, v14;
	s5 =	sadd.s32 $0x40, s5;
	v24 =	vunpack.i.l.bf16.f32 v15;
	v30 =	vunpack.i.l.bf16.f32 v18;
	v38 =	vld.idx.msk [tilespmem:v36+s28+$0x0], $0xffff;
	[tilespmem:s7+$0x10] =	vst v10  }
0x438: {  	v6 =	vadd.f32 v6, v16;
	v9 =	vmul.f32 v29, v20;
	v39 =	vld.idx.msk [tilespmem:v36+s29+$0x0], $0xffff;
	[tilespmem:s5+$0x10] =	vst v8  }
0x439: {  	v7 =	vadd.f32 v7, v19;
	v10 =	vmul.f32 v28, v20;
	v40 =	vld.idx.msk [tilespmem:v36+s6+$0x0], $0xffff;
	[tilespmem:s8+$0xFFFFFFF0] =	vst v17  }
0x43a: {  	v8 =	vadd.f32 v9, v13;
	v11 =	vmul.f32 v27, v20;
	v9 =	vld.idx.msk [tilespmem:v12+s26+$0x0], $0xffff;
	[tilespmem:s19+$0x0] =	vst v5;
	s19 =	smov.u32 s1  }
0x43b: {  	v10 =	vadd.f32 v10, v13;
	v5 =	vmul.f32 v21, v20;
	v14 =	vld.idx.msk [tilespmem:v12+s28+$0x0], $0xffff;
	[tilespmem:s17+$0x0] =	vst v3;
	s17 =	smov.u32 s4  }
0x43c: {  	v11 =	vadd.f32 v11, v13;
	v3 =	vmul.f32 v25, v23;
	v16 =	vld.idx.msk [tilespmem:v12+s29+$0x0], $0xffff;
	[tilespmem:s18+$0x0] =	vst v6;
	s18 =	smov.u32 s7  }
0x43d: {  	v13 =	vadd.f32 v5, v13;
	v5 =	vmul.f32 v38, v23;
	v19 =	vld.idx.msk [tilespmem:v12+s6+$0x0], $0xffff;
	[tilespmem:s8+$0x0] =	vst v7;
	s8 =	smov.u32 s5  }
0x43e: {  	v15 =	vadd.f32 v3, v24;
	v3 =	vmul.f32 v39, v23;
	v20 =	vld [tilespmem:s23+$0xFFFFFFD0]  }
0x43f: {  	v18 =	vadd.f32 v5, v24;
	v5 =	vmul.f32 v40, v23;
	v37 =	vld [tilespmem:s23+$0xFFFFFFE0]  }
0x440: {  	v17 =	vadd.f32 v3, v24;
	v3 =	vmul.f32 v9, v26;
	v41 =	vld [tilespmem:s23+$0xFFFFFFF0]  }
0x441: {  	v12 =	vadd.f32 v5, v24;
	v6 =	vmul.f32 v14, v26;
	v22 =	vld.idx.msk [tilespmem:v4+s26+$0x0], $0xffff  }
0x442: {  	v5 =	vadd.f32 v3, v30;
	v7 =	vmul.f32 v16, v26;
	v23 =	vld.idx.msk [tilespmem:v4+s28+$0x0], $0xffff  }
0x443: {  	v3 =	vadd.f32 v6, v30;
	v31 =	vmul.f32 v19, v26;
	v33 =	vunpack.i.u.bf16.f32 v20;
	v24 =	vld.idx.msk [tilespmem:v4+s29+$0x0], $0xffff  }
.Ltmp7:
0x444: {  	v6 =	vadd.f32 v7, v30;
	v4 =	vld.idx.msk [tilespmem:v4+s6+$0x0], $0xffff;
	v32 =	vmul.f32 v29, v33;
	v42 =	vunpack.i.u.bf16.f32 v37;
	(pc) =	sbr.rel @p1 .LBB2_13-.Ltmp7, $4  }
0x445: {  	v34 =	vmul.f32 v28, v33;
	v7 =	vadd.f32 v31, v30;
	v26 =	vld.idx.msk [tilespmem:v2+s26+$0x0], $0xffff;
	v35 =	vunpack.i.u.bf16.f32 v41  }
0x446: {  	v31 =	vunpack.i.l.bf16.f32 v20;
	v36 =	vmul.f32 v27, v33;
	v33 =	vmul.f32 v21, v33;
	v29 =	vld.idx.msk [tilespmem:v2+s28+$0x0], $0xffff  }
0x447: {  	v21 =	vunpack.i.l.bf16.f32 v37;
	v37 =	vmul.f32 v25, v42;
	v27 =	vmul.f32 v38, v42;
	v30 =	vld.idx.msk [tilespmem:v2+s29+$0x0], $0xffff  }
0x448: {  	s30 =	sadd.s32 $0x40, s30;
	v28 =	vmul.f32 v39, v42;
	v25 =	vmul.f32 v40, v42;
	v20 =	vunpack.i.l.bf16.f32 v41;
	v2 =	vld.idx.msk [tilespmem:v2+s6+$0x0], $0xffff  }
0x449: {  	v9 =	vmul.f32 v9, v35  }
0x44a: {  	v14 =	vmul.f32 v14, v35;
	v32 =	vadd.f32 v32, v31;
	v16 =	vmul.f32 v16, v35  }
0x44b: {  	v19 =	vmul.f32 v19, v35;
	v34 =	vadd.f32 v34, v31;
	v8 =	vmul.f32 v8, v22  }
0x44c: {  	v10 =	vmul.f32 v10, v23;
	v50 =	vadd.f32 v36, v31;
	v11 =	vmul.f32 v11, v24  }
0x44d: {  	v52 =	vadd.f32 v37, v21;
	v53 =	vld.idx.msk [tilespmem:v1+s26+$0x0], $0xffff;
	v15 =	vmul.f32 v15, v26;
	v8 =	vadd.f32 v8, v32  }
0x44e: {  	v4 =	vmul.f32 v13, v4;
	v54 =	vld.idx.msk [tilespmem:v1+s28+$0x0], $0xffff;
	v55 =	vadd.f32 v27, v21;
	v10 =	vadd.f32 v10, v34  }
0x44f: {  	v56 =	vld.idx.msk [tilespmem:v1+s29+$0x0], $0xffff;
	v18 =	vmul.f32 v18, v29;
	v13 =	vadd.f32 v15, v52;
	[tilespmem:s1+$0xFFFFFFE0] =	vst v8  }
0x450: {  	v51 =	vadd.f32 v33, v31;
	v1 =	vld.idx.msk [tilespmem:v1+s6+$0x0], $0xffff;
	v11 =	vadd.f32 v11, v50;
	[tilespmem:s4+$0xFFFFFFE0] =	vst v10  }
0x451: {  	v57 =	vadd.f32 v28, v21;
	v17 =	vmul.f32 v17, v30;
	v8 =	vadd.f32 v18, v55;
	[tilespmem:s1+$0xFFFFFFF0] =	vst v13  }
0x452: {  	v58 =	vadd.f32 v25, v21;
	v4 =	vadd.f32 v4, v51;
	v2 =	vmul.f32 v12, v2;
	[tilespmem:s7+$0xFFFFFFE0] =	vst v11  }
0x453: {  	v59 =	vadd.f32 v9, v20;
	v5 =	vmul.f32 v5, v53;
	v60 =	vadd.f32 v17, v57;
	[tilespmem:s4+$0xFFFFFFF0] =	vst v8  }
0x454: {  	v61 =	vadd.f32 v14, v20;
	v3 =	vmul.f32 v3, v54;
	v2 =	vadd.f32 v2, v58;
	[tilespmem:s5+$0xFFFFFFE0] =	vst v4  }
0x455: {  	v62 =	vadd.f32 v16, v20;
	v6 =	vmul.f32 v6, v56;
	v4 =	vadd.f32 v5, v59;
	[tilespmem:s7+$0xFFFFFFF0] =	vst v60  }
0x456: {  	v63 =	vadd.f32 v19, v20;
	v1 =	vmul.f32 v7, v1;
	v3 =	vadd.f32 v3, v61;
	[tilespmem:s8+$0xFFFFFFF0] =	vst v2  }
0x457: {  	v2 =	vadd.f32 v6, v62;
	[tilespmem:s19+$0x0] =	vst v4  }
0x458: {  	v1 =	vadd.f32 v1, v63;
	[tilespmem:s17+$0x0] =	vst v3  }
0x459: {  	s7 =	sor.u32 $0x1000, s22;
	[tilespmem:s18+$0x0] =	vst v2  }
0x45a: {  	s17 =	sadd.s32 s7, s9;
	s18 =	simm.s32 $0x11000;
	[tilespmem:s8+$0x0] =	vst v1  }
0x45b: {  	[hbm4b:s17+s13] =	stream.strided.scatter [tilespmem:s18], [sflag:$0xA], $0x1000, s14, s13, $0x38;
	[tilespmem:$0x1F400] =	vst v63  }
0x45c: {  	s20 =	simm.s32 $0x13000;
	s19 =	sadd.s32 s7, s10  }
0x45d: {  	[hbm4b:s19+s13] =	stream.strided.scatter [tilespmem:s20], [sflag:$0xC], $0x1000, s14, s13, $0x38;
	[tilespmem:$0x1F400] =	vst v63  }
.Ltmp8:
0x45e: {  	_ = 	snop;
	(pc) =	sbr.rel @p0 .LBB2_16-.Ltmp8, $4  }
0x45f: {  	s24 =	simm.s32 $0x15000;
	s23 =	sadd.s32 s7, s11  }
0x460: {  	[hbm4b:s23+s13] =	stream.strided.scatter [tilespmem:s24], [sflag:$0xE], $0x1000, s14, s13, $0x38;
	[tilespmem:$0x1F400] =	vst v63  }
0x461: {  	s30 =	simm.s32 $0x17000;
	s1 =	sadd.s32 s7, s12  }
0x462: {  	[hbm4b:s1+s13] =	stream.strided.scatter [tilespmem:s30], [sflag:$0x10], $0x1000, s14, s13, $0x38;
	[tilespmem:$0x1F400] =	vst v63  }
0x463: {  	s1 =	rddreg [dreg:$0x15]  }
0x464: {  	s23 =	rddreg [dreg:$0x16];
	s1 =	sadd.s32 s22, s1  }
0x465: {  	[tilespmem:s26], [sflag:$0x5] =	stream.strided.gather [hbm4b:s1+s13], $0x2000, s14, s13, $0x38;
	[tilespmem:$0x1F400] =	vst v63  }
0x466: {  	s1 =	sadd.s32 s22, s23  }
0x467: {  	[tilespmem:s28], [sflag:$0x6] =	stream.strided.gather [hbm4b:s1+s13], $0x2000, s14, s13, $0x38;
	[tilespmem:$0x1F400] =	vst v63  }
.Ltmp9:
0x468: {  	s24 =	rddreg [dreg:$0x17];
	(pc) =	sbr.rel .LBB2_6-.Ltmp9, $4  }
0x469: {  	s30 =	rddreg [dreg:$0x18];
	s1 =	sadd.s32 s22, s24  }
0x46a: {  	[tilespmem:s29], [sflag:$0x7] =	stream.strided.gather [hbm4b:s1+s13], $0x2000, s14, s13, $0x38;
	[tilespmem:$0x1F400] =	vst v63  }
0x46b: {  	s21 =	sadd.s32 $0x1, s21;
	s1 =	sadd.s32 s22, s30  }
0x46c: {  	[tilespmem:s6], [sflag:$0x8] =	stream.strided.gather [hbm4b:s1+s13], $0x2000, s14, s13, $0x38;
	[tilespmem:$0x1F400] =	vst v63  }
.LBB2_17:
0x46d: {  	_ =	sfence.sel $0x180000  }
0x46e: {  	[bflag:$0x0] =	sbarrier.arrive $0xFFFF  }
0x46f: {  	_ =	strace $0x90000047  }
0x470: {  	s0 =	stileid.u32;
	[bflag:$0x2] =	sbarrier.arrive $0xFFFF  }
0x471: {  	p0 =	sne.s32 s0, $0x0;
	s0 =	rddreg [dreg:$0x3]  }
0x472: {  	s0 =	sadd.s32 @!p0 $0x100000, s0  }
0x473: {  	[sflag:s0] =	ssyncadd.tile.s32 @!p0 $0x1;
	_ =	shalt  }
.Lfunc_end2:
_tile_overlayer_lowered:
.L_overlay_start_2:
0x474: {  	(tag) =	ssettag $0x2  }
0x475: {  	s0 =	rddreg [dreg:$0x0];
	s2 =	stileid.u32  }
0x476: {  	s1 =	rddreg [dreg:$0x1];
	p0 =	sne.s32 s2, $0x0  }
0x477: {  	s3 =	rddreg [dreg:$0x2];
	[bflag:$0x3] =	sbarrier.arrive $0xFFFF;
	s2 =	simm.s32 @!p0 $0x1C12  }
0x478: {  	[timem:s3], [sflag:s2] =	dma.local @!p0 [hbm:s0], s1  }
0x479: {  	s0 =	simm.s32 @!p0 $0x12  }
0x47a: {  	_ =	swait.ge @!p0 [sflag:s0], s1  }
0x47b: {  	s1 =	ssub.s32 @!p0 $0x0, s1;
	[sflag:s0] =	ssyncset.done @!p0 $0x0  }
0x47c: {  	[sflag:s0] =	ssyncadd.s32 @!p0 s1  }
0x47d: {  	[bflag:$0x3] =	sbarrier.arrive $0xFFFF  }
0x47e: {  	_ =	shalt  }

</sc_bundles>
